<compile_context>
chip_gen: v7x
topology: tpu7x:2x2x1
jax: 0.10.2.dev20260603
libtpu: 0.0.44.dev20260713+nightly
codegen_flags: <defaults>
</compile_context>

<pallas_src>
import functools

import jax
import jax.numpy as jnp
from jax import lax
from jax.experimental import pallas as pl
from jax.experimental.pallas import tpu as pltpu
from jax.experimental.pallas import tpu_sc as plsc

_B = 16384
_D = 64
_NW = 32
_BPW = _B // _NW
_CH = 16
_NSUB = _BPW // _CH
_NBUF = 2


def _tec_body(tab, rel, s_i, r_i, o_i, out_t,
              sbuf, rbuf, obuf, out_v, s_all, r_all, o_all, sem, osem):
  wid = lax.axis_index("s") * 2 + lax.axis_index("c")
  base = wid * _BPW
  iota = lax.iota(jnp.int32, 16)

  pltpu.sync_copy(s_i.at[pl.ds(base, _BPW)], s_all)
  pltpu.sync_copy(r_i.at[pl.ds(base, _BPW)], r_all)
  pltpu.sync_copy(o_i.at[pl.ds(base, _BPW)], o_all)

  def issue(m):
    par = lax.rem(m, _NBUF)
    pb = par * (_CH * 8)
    sl = pl.ds(m * _CH, _CH)
    s_vec = s_all[sl]
    r_vec = r_all[sl]
    o_vec = o_all[sl]
    for j in range(_CH):
      sg = s_vec[j] >> 3
      og = o_vec[j] >> 3
      rg = r_vec[j] >> 3
      dst = pl.ds(pb + j * 8, 8)
      pltpu.async_copy(tab.at[sg], sbuf.at[dst, :], sem.at[par])
      pltpu.async_copy(tab.at[og], obuf.at[dst, :], sem.at[par])
      pltpu.async_copy(rel.at[rg], rbuf.at[dst, :], sem.at[par])

  def assemble(m):
    par = lax.rem(m, _NBUF)
    pb = par * (_CH * 8)
    drain = pl.ds(pl.multiple_of(pb, 8), _CH * 8)
    pltpu.make_async_copy(tab.at[pl.ds(0, 16), :, :],
                          sbuf.at[drain, :].reshape(16, 8, _D),
                          sem.at[par]).wait()
    pltpu.make_async_copy(tab.at[pl.ds(0, 16), :, :],
                          obuf.at[drain, :].reshape(16, 8, _D),
                          sem.at[par]).wait()
    pltpu.make_async_copy(tab.at[pl.ds(0, 16), :, :],
                          rbuf.at[drain, :].reshape(16, 8, _D),
                          sem.at[par]).wait()
    sl = pl.ds(m * _CH, _CH)
    s_vec = s_all[sl]
    r_vec = r_all[sl]
    o_vec = o_all[sl]
    pbv = jnp.full((16,), par * (_CH * 8), jnp.int32) + iota * 8
    flat_s = pbv + (s_vec & 7)
    flat_o = pbv + (o_vec & 7)
    flat_r = pbv + (r_vec & 7)
    tpar = lax.rem(m // 8, 2)
    pv = jnp.full((16,), par, jnp.int32)
    tv = jnp.full((16,), tpar, jnp.int32)
    col = (m % 8) * _CH
    for d in range(_D):
      dv = jnp.full((16,), d, jnp.int32)
      sv = plsc.load_gather(sbuf, [flat_s, dv])
      ov = plsc.load_gather(obuf, [flat_o, dv])
      rv = plsc.load_gather(rbuf, [flat_r, dv])
      out_v[tpar, d, pl.ds(col, _CH)] = sv * rv * ov

    @pl.when(m % 8 == 7)
    def _():
      t = (m - 7) // 8

      @pl.when(t > 0)
      def _():
        pltpu.make_async_copy(out_v.at[0], out_t.at[:, pl.ds(0, 128)],
                              osem).wait()

      tile_off = pl.multiple_of(base + (m - 7) * _CH, 128)
      pltpu.async_copy(out_v.at[tpar], out_t.at[:, pl.ds(tile_off, 128)],
                       osem)

  def step(m, carry):
    @pl.when(m < _NSUB)
    def _():
      issue(m)

    @pl.when(m >= (_NBUF - 1))
    def _():
      assemble(m - (_NBUF - 1))

    return carry

  lax.fori_loop(0, _NSUB + _NBUF - 1, step, 0)
  pltpu.make_async_copy(out_v.at[0], out_t.at[:, pl.ds(0, 128)], osem).wait()


@jax.jit
def _dist_mult(tab, rel, s_i, r_i, o_i):
  mesh = plsc.VectorSubcoreMesh(core_axis_name="c", subcore_axis_name="s")
  kern = functools.partial(
      pl.kernel,
      mesh=mesh,
      out_type=jax.ShapeDtypeStruct((_D, _B), jnp.float32),
      compiler_params=pltpu.CompilerParams(needs_layout_passes=False),
      scratch_types=[
          pltpu.VMEM((_NBUF * _CH * 8, _D), jnp.float32),
          pltpu.VMEM((_NBUF * _CH * 8, _D), jnp.float32),
          pltpu.VMEM((_NBUF * _CH * 8, _D), jnp.float32),
          pltpu.VMEM((2, _D, 128), jnp.float32),
          pltpu.VMEM((_BPW,), jnp.int32),
          pltpu.VMEM((_BPW,), jnp.int32),
          pltpu.VMEM((_BPW,), jnp.int32),
          pltpu.SemaphoreType.DMA((_NBUF,)),
          pltpu.SemaphoreType.DMA,
      ],
  )(_tec_body)
  return kern(tab, rel, s_i, r_i, o_i)


def kernel(emb_e, emb_rel, triplets):
  tab3 = emb_e.reshape(125000, 8, _D)
  rel3 = emb_rel.reshape(125, 8, _D)
  out_t = _dist_mult(tab3, rel3,
                     triplets[:, 0], triplets[:, 1], triplets[:, 2])
  return out_t.T

# --- scband reference (transcript-rebuilt; emitter-appended) ---
"""Pipeline reference for scband-dist-mult-32160715113077 (READ-ONLY COPY).

The authoritative reference and input builder live on the scoring server;
editing this copy changes nothing except your own understanding.
"""

import jax, jax.numpy as jnp
import numpy as np

NUM_ENTITIES = 1000000
NUM_RELATIONS = 1000
EMBED_DIM = 64
BATCH = 16384

def setup_inputs(seed: int = 0) -> dict:
    key = jax.random.key(seed)
    k1, k2, k3, k4, k5 = jax.random.split(key, 5)
    # learned parameters (xavier-style scaled normal)
    emb_e = jax.random.normal(k1, (NUM_ENTITIES, EMBED_DIM), dtype=jnp.float32) * 0.02
    emb_rel = jax.random.normal(k2, (NUM_RELATIONS, EMBED_DIM), dtype=jnp.float32) * 0.02
    # triplets: [subject_entity, relation, object_entity]; columns drawn from their valid ranges
    s_idx = jax.random.randint(k3, (BATCH,), 0, NUM_ENTITIES, dtype=jnp.int32)
    r_idx = jax.random.randint(k4, (BATCH,), 0, NUM_RELATIONS, dtype=jnp.int32)
    o_idx = jax.random.randint(k5, (BATCH,), 0, NUM_ENTITIES, dtype=jnp.int32)
    triplets = jnp.stack([s_idx, r_idx, o_idx], axis=1)
    return {"emb_e": emb_e, "emb_rel": emb_rel, "triplets": triplets}

def reference(emb_e, emb_rel, triplets):
    # DistMult.forward returns emb_e and the actual compute lives in get_score;
    # this is the DistMult scoring kernel: s * r * o per triplet.
    s = jnp.take(emb_e, triplets[:, 0], axis=0)
    r = jnp.take(emb_rel, triplets[:, 1], axis=0)
    o = jnp.take(emb_e, triplets[:, 2], axis=0)
    score = s * r * o
    return score

if __name__ == "__main__":
    import jax
    _d = setup_inputs()
    print(jax.jit(kernel)(*tuple(_d.values())))

</pallas_src>

<mosaic_0001>
#map = affine_map<(d0, d1) -> (0, 0, 0)>
#map1 = affine_map<(d0, d1) -> (0)>
#map2 = affine_map<(d0, d1) -> (0, 0)>
module attributes {stable_mosaic.version = 14 : i64} {
  func.func @_tec_body(%arg0: i32, %arg1: i32, %arg2: memref<125000x8x64xf32, #tpu.memory_space<hbm>>, %arg3: memref<125x8x64xf32, #tpu.memory_space<hbm>>, %arg4: memref<16384xi32, #tpu.memory_space<hbm>>, %arg5: memref<16384xi32, #tpu.memory_space<hbm>>, %arg6: memref<16384xi32, #tpu.memory_space<hbm>>, %arg7: memref<64x16384xf32, #tpu.memory_space<hbm>>, %arg8: memref<256x64xf32, #tpu.memory_space<vmem>>, %arg9: memref<256x64xf32, #tpu.memory_space<vmem>>, %arg10: memref<256x64xf32, #tpu.memory_space<vmem>>, %arg11: memref<2x64x128xf32, #tpu.memory_space<vmem>>, %arg12: memref<512xi32, #tpu.memory_space<vmem>>, %arg13: memref<512xi32, #tpu.memory_space<vmem>>, %arg14: memref<512xi32, #tpu.memory_space<vmem>>, %arg15: memref<2x!tpu.dma_semaphore, #tpu.memory_space<semaphore_mem>>, %arg16: memref<!tpu.dma_semaphore, #tpu.memory_space<semaphore_mem>>) attributes {dimension_semantics = [#tpu.dimension_semantics<core_parallel>, #tpu.dimension_semantics<subcore_parallel>], iteration_bounds = array<i64: 2, 16>, scalar_prefetch = 0 : i64, scratch_operands = 9 : i64, tpu.core_type = #tpu.core_type<sc_vector_subcore>, window_params = [{transform_indices = #map}, {transform_indices = #map}, {transform_indices = #map1}, {transform_indices = #map1}, {transform_indices = #map1}, {transform_indices = #map2}]} {
    %mul3A = arith.constant 2 : i32
    %mul3A_0 = arith.muli %arg1, %mul3A : i32
    %add3A = arith.addi %mul3A_0, %arg0 : i32
    %mul3A_1 = arith.constant 512 : i32
    %mul3A_2 = arith.muli %add3A, %mul3A_1 : i32
    %iota3A = tpu.iota {dimensions = array<i32: 0>} : vector<16xi32>
    "tpu.region"() ({
      %run_scoped3A = tpu.sem_alloc : memref<!tpu.dma_semaphore, #tpu.memory_space<semaphore_mem>>
      %dma_start3A = tpu.memref_slice %arg4[%mul3A_2] : memref<16384xi32, #tpu.memory_space<hbm>> -> memref<512xi32, #tpu.memory_space<hbm>>
      %dma_start3A_22 = tpu.memref_slice %arg4[%mul3A_2] : memref<16384xi32, #tpu.memory_space<hbm>> -> memref<512xi32, #tpu.memory_space<hbm>>
      tpu.enqueue_dma source(%dma_start3A_22 : memref<512xi32, #tpu.memory_space<hbm>>) target(%arg12 : memref<512xi32, #tpu.memory_space<vmem>>) target_semaphore(%run_scoped3A : memref<!tpu.dma_semaphore, #tpu.memory_space<semaphore_mem>>)
      %dma_wait3A_23 = tpu.memref_slice %arg4[%mul3A_2] : memref<16384xi32, #tpu.memory_space<hbm>> -> memref<512xi32, #tpu.memory_space<hbm>>
      %dma_wait3A_24 = tpu.memref_slice %arg4[%mul3A_2] : memref<16384xi32, #tpu.memory_space<hbm>> -> memref<512xi32, #tpu.memory_space<hbm>>
      tpu.wait_dma2 semaphore(%run_scoped3A : memref<!tpu.dma_semaphore, #tpu.memory_space<semaphore_mem>>) src(%dma_wait3A_24 : memref<512xi32, #tpu.memory_space<hbm>>) dst(%arg12 : memref<512xi32, #tpu.memory_space<vmem>>)
      tpu.yield
    }) : () -> ()
    "tpu.region"() ({
      %run_scoped3A = tpu.sem_alloc : memref<!tpu.dma_semaphore, #tpu.memory_space<semaphore_mem>>
      %dma_start3A = tpu.memref_slice %arg5[%mul3A_2] : memref<16384xi32, #tpu.memory_space<hbm>> -> memref<512xi32, #tpu.memory_space<hbm>>
      %dma_start3A_22 = tpu.memref_slice %arg5[%mul3A_2] : memref<16384xi32, #tpu.memory_space<hbm>> -> memref<512xi32, #tpu.memory_space<hbm>>
      tpu.enqueue_dma source(%dma_start3A_22 : memref<512xi32, #tpu.memory_space<hbm>>) target(%arg13 : memref<512xi32, #tpu.memory_space<vmem>>) target_semaphore(%run_scoped3A : memref<!tpu.dma_semaphore, #tpu.memory_space<semaphore_mem>>)
      %dma_wait3A_23 = tpu.memref_slice %arg5[%mul3A_2] : memref<16384xi32, #tpu.memory_space<hbm>> -> memref<512xi32, #tpu.memory_space<hbm>>
      %dma_wait3A_24 = tpu.memref_slice %arg5[%mul3A_2] : memref<16384xi32, #tpu.memory_space<hbm>> -> memref<512xi32, #tpu.memory_space<hbm>>
      tpu.wait_dma2 semaphore(%run_scoped3A : memref<!tpu.dma_semaphore, #tpu.memory_space<semaphore_mem>>) src(%dma_wait3A_24 : memref<512xi32, #tpu.memory_space<hbm>>) dst(%arg13 : memref<512xi32, #tpu.memory_space<vmem>>)
      tpu.yield
    }) : () -> ()
    "tpu.region"() ({
      %run_scoped3A = tpu.sem_alloc : memref<!tpu.dma_semaphore, #tpu.memory_space<semaphore_mem>>
      %dma_start3A = tpu.memref_slice %arg6[%mul3A_2] : memref<16384xi32, #tpu.memory_space<hbm>> -> memref<512xi32, #tpu.memory_space<hbm>>
      %dma_start3A_22 = tpu.memref_slice %arg6[%mul3A_2] : memref<16384xi32, #tpu.memory_space<hbm>> -> memref<512xi32, #tpu.memory_space<hbm>>
      tpu.enqueue_dma source(%dma_start3A_22 : memref<512xi32, #tpu.memory_space<hbm>>) target(%arg14 : memref<512xi32, #tpu.memory_space<vmem>>) target_semaphore(%run_scoped3A : memref<!tpu.dma_semaphore, #tpu.memory_space<semaphore_mem>>)
      %dma_wait3A_23 = tpu.memref_slice %arg6[%mul3A_2] : memref<16384xi32, #tpu.memory_space<hbm>> -> memref<512xi32, #tpu.memory_space<hbm>>
      %dma_wait3A_24 = tpu.memref_slice %arg6[%mul3A_2] : memref<16384xi32, #tpu.memory_space<hbm>> -> memref<512xi32, #tpu.memory_space<hbm>>
      tpu.wait_dma2 semaphore(%run_scoped3A : memref<!tpu.dma_semaphore, #tpu.memory_space<semaphore_mem>>) src(%dma_wait3A_24 : memref<512xi32, #tpu.memory_space<hbm>>) dst(%arg14 : memref<512xi32, #tpu.memory_space<vmem>>)
      tpu.yield
    }) : () -> ()
    %scan3A = arith.constant 0 : i32
    %scan3A_3 = arith.constant 0 : i32
    %scan3A_4 = arith.constant 33 : i32
    %scan3A_5 = arith.addi %scan3A_3, %scan3A_4 : i32
    %scan3A_6 = arith.constant 1 : i32
    scf.for %scan3A_22 = %scan3A_3 to %scan3A_5 step %scan3A_6  : i32 {
      %lt3A = arith.constant 32 : i32
      %lt3A_23 = arith.cmpi slt, %scan3A_22, %lt3A : i32
      %convert_element_type3A = arith.extui %lt3A_23 : i1 to i32
      %cond3A = arith.constant 0 : i32
      %cond3A_24 = arith.cmpi ne, %convert_element_type3A, %cond3A : i32
      scf.if %cond3A_24 {
        %rem3A = arith.constant 2 : i32
        %rem3A_29 = arith.remsi %scan3A_22, %rem3A : i32
        %mul3A_30 = arith.constant 128 : i32
        %mul3A_31 = arith.muli %rem3A_29, %mul3A_30 : i32
        %mul3A_32 = arith.constant 16 : i32
        %mul3A_33 = arith.muli %scan3A_22, %mul3A_32 : i32
        %get3A = arith.index_cast %mul3A_33 : i32 to index
        %get3A_34 = tpu.vector_load %arg12[%get3A] {strides = array<i32>} : memref<512xi32, #tpu.memory_space<vmem>>, vector<16xi32>,
        %get3A_35 = arith.index_cast %mul3A_33 : i32 to index
        %get3A_36 = tpu.vector_load %arg13[%get3A_35] {strides = array<i32>} : memref<512xi32, #tpu.memory_space<vmem>>, vector<16xi32>,
        %get3A_37 = arith.index_cast %mul3A_33 : i32 to index
        %get3A_38 = tpu.vector_load %arg14[%get3A_37] {strides = array<i32>} : memref<512xi32, #tpu.memory_space<vmem>>, vector<16xi32>,
        %slice3A = vector.extract_strided_slice %get3A_34 {offsets = [0], sizes = [1], strides = [1]} : vector<16xi32> to vector<1xi32>
        %squeeze3A = vector.extract %slice3A[0] : i32 from vector<1xi32>
        %shift_right_arithmetic3A = arith.constant 3 : i32
        %shift_right_arithmetic3A_39 = arith.shrsi %squeeze3A, %shift_right_arithmetic3A : i32
        %slice3A_40 = vector.extract_strided_slice %get3A_38 {offsets = [0], sizes = [1], strides = [1]} : vector<16xi32> to vector<1xi32>
        %squeeze3A_41 = vector.extract %slice3A_40[0] : i32 from vector<1xi32>
        %shift_right_arithmetic3A_42 = arith.constant 3 : i32
        %shift_right_arithmetic3A_43 = arith.shrsi %squeeze3A_41, %shift_right_arithmetic3A_42 : i32
        %slice3A_44 = vector.extract_strided_slice %get3A_36 {offsets = [0], sizes = [1], strides = [1]} : vector<16xi32> to vector<1xi32>
        %squeeze3A_45 = vector.extract %slice3A_44[0] : i32 from vector<1xi32>
        %shift_right_arithmetic3A_46 = arith.constant 3 : i32
        %shift_right_arithmetic3A_47 = arith.shrsi %squeeze3A_45, %shift_right_arithmetic3A_46 : i32
        %add3A_48 = arith.constant 0 : i32
        %add3A_49 = arith.addi %mul3A_31, %add3A_48 : i32
        %dma_start3A = arith.constant 0 : i32
        %dma_start3A_50 = tpu.memref_slice %arg8[%add3A_49, %dma_start3A] : memref<256x64xf32, #tpu.memory_space<vmem>> -> memref<8x64xf32, #tpu.memory_space<vmem>>
        %dma_start3A_51 = arith.constant 0 : i32
        %dma_start3A_52 = arith.constant 0 : i32
        %dma_start3A_53 = tpu.memref_slice %arg2[%shift_right_arithmetic3A_39, %dma_start3A_51, %dma_start3A_52] : memref<125000x8x64xf32, #tpu.memory_space<hbm>> -> memref<1x8x64xf32, #tpu.memory_space<hbm>>
        %dma_start3A_54 = tpu.memref_squeeze %dma_start3A_53 : memref<1x8x64xf32, #tpu.memory_space<hbm>> -> memref<8x64xf32, #tpu.memory_space<hbm>>
        %dma_start3A_55 = tpu.memref_slice %arg15[%rem3A_29] : memref<2x!tpu.dma_semaphore, #tpu.memory_space<semaphore_mem>> -> memref<1x!tpu.dma_semaphore, #tpu.memory_space<semaphore_mem>>
        %dma_start3A_56 = tpu.memref_squeeze %dma_start3A_55 : memref<1x!tpu.dma_semaphore, #tpu.memory_space<semaphore_mem>> -> memref<!tpu.dma_semaphore, #tpu.memory_space<semaphore_mem>>
        %dma_start3A_57 = arith.constant 0 : i32
        %dma_start3A_58 = tpu.memref_slice %arg8[%add3A_49, %dma_start3A_57] : memref<256x64xf32, #tpu.memory_space<vmem>> -> memref<8x64xf32, #tpu.memory_space<vmem>>
        %dma_start3A_59 = arith.constant 0 : i32
        %dma_start3A_60 = arith.constant 0 : i32
        %dma_start3A_61 = tpu.memref_slice %arg2[%shift_right_arithmetic3A_39, %dma_start3A_59, %dma_start3A_60] : memref<125000x8x64xf32, #tpu.memory_space<hbm>> -> memref<1x8x64xf32, #tpu.memory_space<hbm>>
        %dma_start3A_62 = tpu.memref_squeeze %dma_start3A_61 : memref<1x8x64xf32, #tpu.memory_space<hbm>> -> memref<8x64xf32, #tpu.memory_space<hbm>>
        tpu.enqueue_dma source(%dma_start3A_62 : memref<8x64xf32, #tpu.memory_space<hbm>>) target(%dma_start3A_58 : memref<8x64xf32, #tpu.memory_space<vmem>>) target_semaphore(%dma_start3A_56 : memref<!tpu.dma_semaphore, #tpu.memory_space<semaphore_mem>>)
        %dma_start3A_63 = arith.constant 0 : i32
        %dma_start3A_64 = tpu.memref_slice %arg10[%add3A_49, %dma_start3A_63] : memref<256x64xf32, #tpu.memory_space<vmem>> -> memref<8x64xf32, #tpu.memory_space<vmem>>
        %dma_start3A_65 = arith.constant 0 : i32
        %dma_start3A_66 = arith.constant 0 : i32
        %dma_start3A_67 = tpu.memref_slice %arg2[%shift_right_arithmetic3A_43, %dma_start3A_65, %dma_start3A_66] : memref<125000x8x64xf32, #tpu.memory_space<hbm>> -> memref<1x8x64xf32, #tpu.memory_space<hbm>>
        %dma_start3A_68 = tpu.memref_squeeze %dma_start3A_67 : memref<1x8x64xf32, #tpu.memory_space<hbm>> -> memref<8x64xf32, #tpu.memory_space<hbm>>
        %dma_start3A_69 = tpu.memref_slice %arg15[%rem3A_29] : memref<2x!tpu.dma_semaphore, #tpu.memory_space<semaphore_mem>> -> memref<1x!tpu.dma_semaphore, #tpu.memory_space<semaphore_mem>>
        %dma_start3A_70 = tpu.memref_squeeze %dma_start3A_69 : memref<1x!tpu.dma_semaphore, #tpu.memory_space<semaphore_mem>> -> memref<!tpu.dma_semaphore, #tpu.memory_space<semaphore_mem>>
        %dma_start3A_71 = arith.constant 0 : i32
        %dma_start3A_72 = tpu.memref_slice %arg10[%add3A_49, %dma_start3A_71] : memref<256x64xf32, #tpu.memory_space<vmem>> -> memref<8x64xf32, #tpu.memory_space<vmem>>
        %dma_start3A_73 = arith.constant 0 : i32
        %dma_start3A_74 = arith.constant 0 : i32
        %dma_start3A_75 = tpu.memref_slice %arg2[%shift_right_arithmetic3A_43, %dma_start3A_73, %dma_start3A_74] : memref<125000x8x64xf32, #tpu.memory_space<hbm>> -> memref<1x8x64xf32, #tpu.memory_space<hbm>>
        %dma_start3A_76 = tpu.memref_squeeze %dma_start3A_75 : memref<1x8x64xf32, #tpu.memory_space<hbm>> -> memref<8x64xf32, #tpu.memory_space<hbm>>
        tpu.enqueue_dma source(%dma_start3A_76 : memref<8x64xf32, #tpu.memory_space<hbm>>) target(%dma_start3A_72 : memref<8x64xf32, #tpu.memory_space<vmem>>) target_semaphore(%dma_start3A_70 : memref<!tpu.dma_semaphore, #tpu.memory_space<semaphore_mem>>)
        %dma_start3A_77 = arith.constant 0 : i32
        %dma_start3A_78 = tpu.memref_slice %arg9[%add3A_49, %dma_start3A_77] : memref<256x64xf32, #tpu.memory_space<vmem>> -> memref<8x64xf32, #tpu.memory_space<vmem>>
        %dma_start3A_79 = arith.constant 0 : i32
        %dma_start3A_80 = arith.constant 0 : i32
        %dma_start3A_81 = tpu.memref_slice %arg3[%shift_right_arithmetic3A_47, %dma_start3A_79, %dma_start3A_80] : memref<125x8x64xf32, #tpu.memory_space<hbm>> -> memref<1x8x64xf32, #tpu.memory_space<hbm>>
        %dma_start3A_82 = tpu.memref_squeeze %dma_start3A_81 : memref<1x8x64xf32, #tpu.memory_space<hbm>> -> memref<8x64xf32, #tpu.memory_space<hbm>>
        %dma_start3A_83 = tpu.memref_slice %arg15[%rem3A_29] : memref<2x!tpu.dma_semaphore, #tpu.memory_space<semaphore_mem>> -> memref<1x!tpu.dma_semaphore, #tpu.memory_space<semaphore_mem>>
        %dma_start3A_84 = tpu.memref_squeeze %dma_start3A_83 : memref<1x!tpu.dma_semaphore, #tpu.memory_space<semaphore_mem>> -> memref<!tpu.dma_semaphore, #tpu.memory_space<semaphore_mem>>
        %dma_start3A_85 = arith.constant 0 : i32
        %dma_start3A_86 = tpu.memref_slice %arg9[%add3A_49, %dma_start3A_85] : memref<256x64xf32, #tpu.memory_space<vmem>> -> memref<8x64xf32, #tpu.memory_space<vmem>>
        %dma_start3A_87 = arith.constant 0 : i32
        %dma_start3A_88 = arith.constant 0 : i32
        %dma_start3A_89 = tpu.memref_slice %arg3[%shift_right_arithmetic3A_47, %dma_start3A_87, %dma_start3A_88] : memref<125x8x64xf32, #tpu.memory_space<hbm>> -> memref<1x8x64xf32, #tpu.memory_space<hbm>>
        %dma_start3A_90 = tpu.memref_squeeze %dma_start3A_89 : memref<1x8x64xf32, #tpu.memory_space<hbm>> -> memref<8x64xf32, #tpu.memory_space<hbm>>
        tpu.enqueue_dma source(%dma_start3A_90 : memref<8x64xf32, #tpu.memory_space<hbm>>) target(%dma_start3A_86 : memref<8x64xf32, #tpu.memory_space<vmem>>) target_semaphore(%dma_start3A_84 : memref<!tpu.dma_semaphore, #tpu.memory_space<semaphore_mem>>)
        %slice3A_91 = vector.extract_strided_slice %get3A_34 {offsets = [1], sizes = [1], strides = [1]} : vector<16xi32> to vector<1xi32>
        %squeeze3A_92 = vector.extract %slice3A_91[0] : i32 from vector<1xi32>
        %shift_right_arithmetic3A_93 = arith.constant 3 : i32
        %shift_right_arithmetic3A_94 = arith.shrsi %squeeze3A_92, %shift_right_arithmetic3A_93 : i32
        %slice3A_95 = vector.extract_strided_slice %get3A_38 {offsets = [1], sizes = [1], strides = [1]} : vector<16xi32> to vector<1xi32>
        %squeeze3A_96 = vector.extract %slice3A_95[0] : i32 from vector<1xi32>
        %shift_right_arithmetic3A_97 = arith.constant 3 : i32
        %shift_right_arithmetic3A_98 = arith.shrsi %squeeze3A_96, %shift_right_arithmetic3A_97 : i32
        %slice3A_99 = vector.extract_strided_slice %get3A_36 {offsets = [1], sizes = [1], strides = [1]} : vector<16xi32> to vector<1xi32>
        %squeeze3A_100 = vector.extract %slice3A_99[0] : i32 from vector<1xi32>
        %shift_right_arithmetic3A_101 = arith.constant 3 : i32
        %shift_right_arithmetic3A_102 = arith.shrsi %squeeze3A_100, %shift_right_arithmetic3A_101 : i32
        %add3A_103 = arith.constant 8 : i32
        %add3A_104 = arith.addi %mul3A_31, %add3A_103 : i32
        %dma_start3A_105 = arith.constant 0 : i32
        %dma_start3A_106 = tpu.memref_slice %arg8[%add3A_104, %dma_start3A_105] : memref<256x64xf32, #tpu.memory_space<vmem>> -> memref<8x64xf32, #tpu.memory_space<vmem>>
        %dma_start3A_107 = arith.constant 0 : i32
        %dma_start3A_108 = arith.constant 0 : i32
        %dma_start3A_109 = tpu.memref_slice %arg2[%shift_right_arithmetic3A_94, %dma_start3A_107, %dma_start3A_108] : memref<125000x8x64xf32, #tpu.memory_space<hbm>> -> memref<1x8x64xf32, #tpu.memory_space<hbm>>
        %dma_start3A_110 = tpu.memref_squeeze %dma_start3A_109 : memref<1x8x64xf32, #tpu.memory_space<hbm>> -> memref<8x64xf32, #tpu.memory_space<hbm>>
        %dma_start3A_111 = tpu.memref_slice %arg15[%rem3A_29] : memref<2x!tpu.dma_semaphore, #tpu.memory_space<semaphore_mem>> -> memref<1x!tpu.dma_semaphore, #tpu.memory_space<semaphore_mem>>
        %dma_start3A_112 = tpu.memref_squeeze %dma_start3A_111 : memref<1x!tpu.dma_semaphore, #tpu.memory_space<semaphore_mem>> -> memref<!tpu.dma_semaphore, #tpu.memory_space<semaphore_mem>>
        %dma_start3A_113 = arith.constant 0 : i32
        %dma_start3A_114 = tpu.memref_slice %arg8[%add3A_104, %dma_start3A_113] : memref<256x64xf32, #tpu.memory_space<vmem>> -> memref<8x64xf32, #tpu.memory_space<vmem>>
        %dma_start3A_115 = arith.constant 0 : i32
        %dma_start3A_116 = arith.constant 0 : i32
        %dma_start3A_117 = tpu.memref_slice %arg2[%shift_right_arithmetic3A_94, %dma_start3A_115, %dma_start3A_116] : memref<125000x8x64xf32, #tpu.memory_space<hbm>> -> memref<1x8x64xf32, #tpu.memory_space<hbm>>
        %dma_start3A_118 = tpu.memref_squeeze %dma_start3A_117 : memref<1x8x64xf32, #tpu.memory_space<hbm>> -> memref<8x64xf32, #tpu.memory_space<hbm>>
        tpu.enqueue_dma source(%dma_start3A_118 : memref<8x64xf32, #tpu.memory_space<hbm>>) target(%dma_start3A_114 : memref<8x64xf32, #tpu.memory_space<vmem>>) target_semaphore(%dma_start3A_112 : memref<!tpu.dma_semaphore, #tpu.memory_space<semaphore_mem>>)
        %dma_start3A_119 = arith.constant 0 : i32
        %dma_start3A_120 = tpu.memref_slice %arg10[%add3A_104, %dma_start3A_119] : memref<256x64xf32, #tpu.memory_space<vmem>> -> memref<8x64xf32, #tpu.memory_space<vmem>>
        %dma_start3A_121 = arith.constant 0 : i32
        %dma_start3A_122 = arith.constant 0 : i32
        %dma_start3A_123 = tpu.memref_slice %arg2[%shift_right_arithmetic3A_98, %dma_start3A_121, %dma_start3A_122] : memref<125000x8x64xf32, #tpu.memory_space<hbm>> -> memref<1x8x64xf32, #tpu.memory_space<hbm>>
        %dma_start3A_124 = tpu.memref_squeeze %dma_start3A_123 : memref<1x8x64xf32, #tpu.memory_space<hbm>> -> memref<8x64xf32, #tpu.memory_space<hbm>>
        %dma_start3A_125 = tpu.memref_slice %arg15[%rem3A_29] : memref<2x!tpu.dma_semaphore, #tpu.memory_space<semaphore_mem>> -> memref<1x!tpu.dma_semaphore, #tpu.memory_space<semaphore_mem>>
        %dma_start3A_126 = tpu.memref_squeeze %dma_start3A_125 : memref<1x!tpu.dma_semaphore, #tpu.memory_space<semaphore_mem>> -> memref<!tpu.dma_semaphore, #tpu.memory_space<semaphore_mem>>
        %dma_start3A_127 = arith.constant 0 : i32
        %dma_start3A_128 = tpu.memref_slice %arg10[%add3A_104, %dma_start3A_127] : memref<256x64xf32, #tpu.memory_space<vmem>> -> memref<8x64xf32, #tpu.memory_space<vmem>>
        %dma_start3A_129 = arith.constant 0 : i32
        %dma_start3A_130 = arith.constant 0 : i32
        %dma_start3A_131 = tpu.memref_slice %arg2[%shift_right_arithmetic3A_98, %dma_start3A_129, %dma_start3A_130] : memref<125000x8x64xf32, #tpu.memory_space<hbm>> -> memref<1x8x64xf32, #tpu.memory_space<hbm>>
        %dma_start3A_132 = tpu.memref_squeeze %dma_start3A_131 : memref<1x8x64xf32, #tpu.memory_space<hbm>> -> memref<8x64xf32, #tpu.memory_space<hbm>>
        tpu.enqueue_dma source(%dma_start3A_132 : memref<8x64xf32, #tpu.memory_space<hbm>>) target(%dma_start3A_128 : memref<8x64xf32, #tpu.memory_space<vmem>>) target_semaphore(%dma_start3A_126 : memref<!tpu.dma_semaphore, #tpu.memory_space<semaphore_mem>>)
        %dma_start3A_133 = arith.constant 0 : i32
        %dma_start3A_134 = tpu.memref_slice %arg9[%add3A_104, %dma_start3A_133] : memref<256x64xf32, #tpu.memory_space<vmem>> -> memref<8x64xf32, #tpu.memory_space<vmem>>
        %dma_start3A_135 = arith.constant 0 : i32
        %dma_start3A_136 = arith.constant 0 : i32
        %dma_start3A_137 = tpu.memref_slice %arg3[%shift_right_arithmetic3A_102, %dma_start3A_135, %dma_start3A_136] : memref<125x8x64xf32, #tpu.memory_space<hbm>> -> memref<1x8x64xf32, #tpu.memory_space<hbm>>
        %dma_start3A_138 = tpu.memref_squeeze %dma_start3A_137 : memref<1x8x64xf32, #tpu.memory_space<hbm>> -> memref<8x64xf32, #tpu.memory_space<hbm>>
        %dma_start3A_139 = tpu.memref_slice %arg15[%rem3A_29] : memref<2x!tpu.dma_semaphore, #tpu.memory_space<semaphore_mem>> -> memref<1x!tpu.dma_semaphore, #tpu.memory_space<semaphore_mem>>
        %dma_start3A_140 = tpu.memref_squeeze %dma_start3A_139 : memref<1x!tpu.dma_semaphore, #tpu.memory_space<semaphore_mem>> -> memref<!tpu.dma_semaphore, #tpu.memory_space<semaphore_mem>>
        %dma_start3A_141 = arith.constant 0 : i32
        %dma_start3A_142 = tpu.memref_slice %arg9[%add3A_104, %dma_start3A_141] : memref<256x64xf32, #tpu.memory_space<vmem>> -> memref<8x64xf32, #tpu.memory_space<vmem>>
        %dma_start3A_143 = arith.constant 0 : i32
        %dma_start3A_144 = arith.constant 0 : i32
        %dma_start3A_145 = tpu.memref_slice %arg3[%shift_right_arithmetic3A_102, %dma_start3A_143, %dma_start3A_144] : memref<125x8x64xf32, #tpu.memory_space<hbm>> -> memref<1x8x64xf32, #tpu.memory_space<hbm>>
        %dma_start3A_146 = tpu.memref_squeeze %dma_start3A_145 : memref<1x8x64xf32, #tpu.memory_space<hbm>> -> memref<8x64xf32, #tpu.memory_space<hbm>>
        tpu.enqueue_dma source(%dma_start3A_146 : memref<8x64xf32, #tpu.memory_space<hbm>>) target(%dma_start3A_142 : memref<8x64xf32, #tpu.memory_space<vmem>>) target_semaphore(%dma_start3A_140 : memref<!tpu.dma_semaphore, #tpu.memory_space<semaphore_mem>>)
        %slice3A_147 = vector.extract_strided_slice %get3A_34 {offsets = [2], sizes = [1], strides = [1]} : vector<16xi32> to vector<1xi32>
        %squeeze3A_148 = vector.extract %slice3A_147[0] : i32 from vector<1xi32>
        %shift_right_arithmetic3A_149 = arith.constant 3 : i32
        %shift_right_arithmetic3A_150 = arith.shrsi %squeeze3A_148, %shift_right_arithmetic3A_149 : i32
        %slice3A_151 = vector.extract_strided_slice %get3A_38 {offsets = [2], sizes = [1], strides = [1]} : vector<16xi32> to vector<1xi32>
        %squeeze3A_152 = vector.extract %slice3A_151[0] : i32 from vector<1xi32>
        %shift_right_arithmetic3A_153 = arith.constant 3 : i32
        %shift_right_arithmetic3A_154 = arith.shrsi %squeeze3A_152, %shift_right_arithmetic3A_153 : i32
        %slice3A_155 = vector.extract_strided_slice %get3A_36 {offsets = [2], sizes = [1], strides = [1]} : vector<16xi32> to vector<1xi32>
        %squeeze3A_156 = vector.extract %slice3A_155[0] : i32 from vector<1xi32>
        %shift_right_arithmetic3A_157 = arith.constant 3 : i32
        %shift_right_arithmetic3A_158 = arith.shrsi %squeeze3A_156, %shift_right_arithmetic3A_157 : i32
        %add3A_159 = arith.constant 16 : i32
        %add3A_160 = arith.addi %mul3A_31, %add3A_159 : i32
        %dma_start3A_161 = arith.constant 0 : i32
        %dma_start3A_162 = tpu.memref_slice %arg8[%add3A_160, %dma_start3A_161] : memref<256x64xf32, #tpu.memory_space<vmem>> -> memref<8x64xf32, #tpu.memory_space<vmem>>
        %dma_start3A_163 = arith.constant 0 : i32
        %dma_start3A_164 = arith.constant 0 : i32
        %dma_start3A_165 = tpu.memref_slice %arg2[%shift_right_arithmetic3A_150, %dma_start3A_163, %dma_start3A_164] : memref<125000x8x64xf32, #tpu.memory_space<hbm>> -> memref<1x8x64xf32, #tpu.memory_space<hbm>>
        %dma_start3A_166 = tpu.memref_squeeze %dma_start3A_165 : memref<1x8x64xf32, #tpu.memory_space<hbm>> -> memref<8x64xf32, #tpu.memory_space<hbm>>
        %dma_start3A_167 = tpu.memref_slice %arg15[%rem3A_29] : memref<2x!tpu.dma_semaphore, #tpu.memory_space<semaphore_mem>> -> memref<1x!tpu.dma_semaphore, #tpu.memory_space<semaphore_mem>>
        %dma_start3A_168 = tpu.memref_squeeze %dma_start3A_167 : memref<1x!tpu.dma_semaphore, #tpu.memory_space<semaphore_mem>> -> memref<!tpu.dma_semaphore, #tpu.memory_space<semaphore_mem>>
        %dma_start3A_169 = arith.constant 0 : i32
        %dma_start3A_170 = tpu.memref_slice %arg8[%add3A_160, %dma_start3A_169] : memref<256x64xf32, #tpu.memory_space<vmem>> -> memref<8x64xf32, #tpu.memory_space<vmem>>
        %dma_start3A_171 = arith.constant 0 : i32
        %dma_start3A_172 = arith.constant 0 : i32
        %dma_start3A_173 = tpu.memref_slice %arg2[%shift_right_arithmetic3A_150, %dma_start3A_171, %dma_start3A_172] : memref<125000x8x64xf32, #tpu.memory_space<hbm>> -> memref<1x8x64xf32, #tpu.memory_space<hbm>>
        %dma_start3A_174 = tpu.memref_squeeze %dma_start3A_173 : memref<1x8x64xf32, #tpu.memory_space<hbm>> -> memref<8x64xf32, #tpu.memory_space<hbm>>
        tpu.enqueue_dma source(%dma_start3A_174 : memref<8x64xf32, #tpu.memory_space<hbm>>) target(%dma_start3A_170 : memref<8x64xf32, #tpu.memory_space<vmem>>) target_semaphore(%dma_start3A_168 : memref<!tpu.dma_semaphore, #tpu.memory_space<semaphore_mem>>)
        %dma_start3A_175 = arith.constant 0 : i32
        %dma_start3A_176 = tpu.memref_slice %arg10[%add3A_160, %dma_start3A_175] : memref<256x64xf32, #tpu.memory_space<vmem>> -> memref<8x64xf32, #tpu.memory_space<vmem>>
        %dma_start3A_177 = arith.constant 0 : i32
        %dma_start3A_178 = arith.constant 0 : i32
        %dma_start3A_179 = tpu.memref_slice %arg2[%shift_right_arithmetic3A_154, %dma_start3A_177, %dma_start3A_178] : memref<125000x8x64xf32, #tpu.memory_space<hbm>> -> memref<1x8x64xf32, #tpu.memory_space<hbm>>
        %dma_start3A_180 = tpu.memref_squeeze %dma_start3A_179 : memref<1x8x64xf32, #tpu.memory_space<hbm>> -> memref<8x64xf32, #tpu.memory_space<hbm>>
        %dma_start3A_181 = tpu.memref_slice %arg15[%rem3A_29] : memref<2x!tpu.dma_semaphore, #tpu.memory_space<semaphore_mem>> -> memref<1x!tpu.dma_semaphore, #tpu.memory_space<semaphore_mem>>
        %dma_start3A_182 = tpu.memref_squeeze %dma_start3A_181 : memref<1x!tpu.dma_semaphore, #tpu.memory_space<semaphore_mem>> -> memref<!tpu.dma_semaphore, #tpu.memory_space<semaphore_mem>>
        %dma_start3A_183 = arith.constant 0 : i32
        %dma_start3A_184 = tpu.memref_slice %arg10[%add3A_160, %dma_start3A_183] : memref<256x64xf32, #tpu.memory_space<vmem>> -> memref<8x64xf32, #tpu.memory_space<vmem>>
        %dma_start3A_185 = arith.constant 0 : i32
        %dma_start3A_186 = arith.constant 0 : i32
        %dma_start3A_187 = tpu.memref_slice %arg2[%shift_right_arithmetic3A_154, %dma_start3A_185, %dma_start3A_186] : memref<125000x8x64xf32, #tpu.memory_space<hbm>> -> memref<1x8x64xf32, #tpu.memory_space<hbm>>
        %dma_start3A_188 = tpu.memref_squeeze %dma_start3A_187 : memref<1x8x64xf32, #tpu.memory_space<hbm>> -> memref<8x64xf32, #tpu.memory_space<hbm>>
        tpu.enqueue_dma source(%dma_start3A_188 : memref<8x64xf32, #tpu.memory_space<hbm>>) target(%dma_start3A_184 : memref<8x64xf32, #tpu.memory_space<vmem>>) target_semaphore(%dma_start3A_182 : memref<!tpu.dma_semaphore, #tpu.memory_space<semaphore_mem>>)
        %dma_start3A_189 = arith.constant 0 : i32
        %dma_start3A_190 = tpu.memref_slice %arg9[%add3A_160, %dma_start3A_189] : memref<256x64xf32, #tpu.memory_space<vmem>> -> memref<8x64xf32, #tpu.memory_space<vmem>>
        %dma_start3A_191 = arith.constant 0 : i32
        %dma_start3A_192 = arith.constant 0 : i32
        %dma_start3A_193 = tpu.memref_slice %arg3[%shift_right_arithmetic3A_158, %dma_start3A_191, %dma_start3A_192] : memref<125x8x64xf32, #tpu.memory_space<hbm>> -> memref<1x8x64xf32, #tpu.memory_space<hbm>>
        %dma_start3A_194 = tpu.memref_squeeze %dma_start3A_193 : memref<1x8x64xf32, #tpu.memory_space<hbm>> -> memref<8x64xf32, #tpu.memory_space<hbm>>
        %dma_start3A_195 = tpu.memref_slice %arg15[%rem3A_29] : memref<2x!tpu.dma_semaphore, #tpu.memory_space<semaphore_mem>> -> memref<1x!tpu.dma_semaphore, #tpu.memory_space<semaphore_mem>>
        %dma_start3A_196 = tpu.memref_squeeze %dma_start3A_195 : memref<1x!tpu.dma_semaphore, #tpu.memory_space<semaphore_mem>> -> memref<!tpu.dma_semaphore, #tpu.memory_space<semaphore_mem>>
        %dma_start3A_197 = arith.constant 0 : i32
        %dma_start3A_198 = tpu.memref_slice %arg9[%add3A_160, %dma_start3A_197] : memref<256x64xf32, #tpu.memory_space<vmem>> -> memref<8x64xf32, #tpu.memory_space<vmem>>
        %dma_start3A_199 = arith.constant 0 : i32
        %dma_start3A_200 = arith.constant 0 : i32
        %dma_start3A_201 = tpu.memref_slice %arg3[%shift_right_arithmetic3A_158, %dma_start3A_199, %dma_start3A_200] : memref<125x8x64xf32, #tpu.memory_space<hbm>> -> memref<1x8x64xf32, #tpu.memory_space<hbm>>
        %dma_start3A_202 = tpu.memref_squeeze %dma_start3A_201 : memref<1x8x64xf32, #tpu.memory_space<hbm>> -> memref<8x64xf32, #tpu.memory_space<hbm>>
        tpu.enqueue_dma source(%dma_start3A_202 : memref<8x64xf32, #tpu.memory_space<hbm>>) target(%dma_start3A_198 : memref<8x64xf32, #tpu.memory_space<vmem>>) target_semaphore(%dma_start3A_196 : memref<!tpu.dma_semaphore, #tpu.memory_space<semaphore_mem>>)
        %slice3A_203 = vector.extract_strided_slice %get3A_34 {offsets = [3], sizes = [1], strides = [1]} : vector<16xi32> to vector<1xi32>
        %squeeze3A_204 = vector.extract %slice3A_203[0] : i32 from vector<1xi32>
        %shift_right_arithmetic3A_205 = arith.constant 3 : i32
        %shift_right_arithmetic3A_206 = arith.shrsi %squeeze3A_204, %shift_right_arithmetic3A_205 : i32
        %slice3A_207 = vector.extract_strided_slice %get3A_38 {offsets = [3], sizes = [1], strides = [1]} : vector<16xi32> to vector<1xi32>
        %squeeze3A_208 = vector.extract %slice3A_207[0] : i32 from vector<1xi32>
        %shift_right_arithmetic3A_209 = arith.constant 3 : i32
        %shift_right_arithmetic3A_210 = arith.shrsi %squeeze3A_208, %shift_right_arithmetic3A_209 : i32
        %slice3A_211 = vector.extract_strided_slice %get3A_36 {offsets = [3], sizes = [1], strides = [1]} : vector<16xi32> to vector<1xi32>
        %squeeze3A_212 = vector.extract %slice3A_211[0] : i32 from vector<1xi32>
        %shift_right_arithmetic3A_213 = arith.constant 3 : i32
        %shift_right_arithmetic3A_214 = arith.shrsi %squeeze3A_212, %shift_right_arithmetic3A_213 : i32
        %add3A_215 = arith.constant 24 : i32
        %add3A_216 = arith.addi %mul3A_31, %add3A_215 : i32
        %dma_start3A_217 = arith.constant 0 : i32
        %dma_start3A_218 = tpu.memref_slice %arg8[%add3A_216, %dma_start3A_217] : memref<256x64xf32, #tpu.memory_space<vmem>> -> memref<8x64xf32, #tpu.memory_space<vmem>>
        %dma_start3A_219 = arith.constant 0 : i32
        %dma_start3A_220 = arith.constant 0 : i32
        %dma_start3A_221 = tpu.memref_slice %arg2[%shift_right_arithmetic3A_206, %dma_start3A_219, %dma_start3A_220] : memref<125000x8x64xf32, #tpu.memory_space<hbm>> -> memref<1x8x64xf32, #tpu.memory_space<hbm>>
        %dma_start3A_222 = tpu.memref_squeeze %dma_start3A_221 : memref<1x8x64xf32, #tpu.memory_space<hbm>> -> memref<8x64xf32, #tpu.memory_space<hbm>>
        %dma_start3A_223 = tpu.memref_slice %arg15[%rem3A_29] : memref<2x!tpu.dma_semaphore, #tpu.memory_space<semaphore_mem>> -> memref<1x!tpu.dma_semaphore, #tpu.memory_space<semaphore_mem>>
        %dma_start3A_224 = tpu.memref_squeeze %dma_start3A_223 : memref<1x!tpu.dma_semaphore, #tpu.memory_space<semaphore_mem>> -> memref<!tpu.dma_semaphore, #tpu.memory_space<semaphore_mem>>
        %dma_start3A_225 = arith.constant 0 : i32
        %dma_start3A_226 = tpu.memref_slice %arg8[%add3A_216, %dma_start3A_225] : memref<256x64xf32, #tpu.memory_space<vmem>> -> memref<8x64xf32, #tpu.memory_space<vmem>>
        %dma_start3A_227 = arith.constant 0 : i32
        %dma_start3A_228 = arith.constant 0 : i32
        %dma_start3A_229 = tpu.memref_slice %arg2[%shift_right_arithmetic3A_206, %dma_start3A_227, %dma_start3A_228] : memref<125000x8x64xf32, #tpu.memory_space<hbm>> -> memref<1x8x64xf32, #tpu.memory_space<hbm>>
        %dma_start3A_230 = tpu.memref_squeeze %dma_start3A_229 : memref<1x8x64xf32, #tpu.memory_space<hbm>> -> memref<8x64xf32, #tpu.memory_space<hbm>>
        tpu.enqueue_dma source(%dma_start3A_230 : memref<8x64xf32, #tpu.memory_space<hbm>>) target(%dma_start3A_226 : memref<8x64xf32, #tpu.memory_space<vmem>>) target_semaphore(%dma_start3A_224 : memref<!tpu.dma_semaphore, #tpu.memory_space<semaphore_mem>>)
        %dma_start3A_231 = arith.constant 0 : i32
        %dma_start3A_232 = tpu.memref_slice %arg10[%add3A_216, %dma_start3A_231] : memref<256x64xf32, #tpu.memory_space<vmem>> -> memref<8x64xf32, #tpu.memory_space<vmem>>
        %dma_start3A_233 = arith.constant 0 : i32
        %dma_start3A_234 = arith.constant 0 : i32
        %dma_start3A_235 = tpu.memref_slice %arg2[%shift_right_arithmetic3A_210, %dma_start3A_233, %dma_start3A_234] : memref<125000x8x64xf32, #tpu.memory_space<hbm>> -> memref<1x8x64xf32, #tpu.memory_space<hbm>>
        %dma_start3A_236 = tpu.memref_squeeze %dma_start3A_235 : memref<1x8x64xf32, #tpu.memory_space<hbm>> -> memref<8x64xf32, #tpu.memory_space<hbm>>
        %dma_start3A_237 = tpu.memref_slice %arg15[%rem3A_29] : memref<2x!tpu.dma_semaphore, #tpu.memory_space<semaphore_mem>> -> memref<1x!tpu.dma_semaphore, #tpu.memory_space<semaphore_mem>>
        %dma_start3A_238 = tpu.memref_squeeze %dma_start3A_237 : memref<1x!tpu.dma_semaphore, #tpu.memory_space<semaphore_mem>> -> memref<!tpu.dma_semaphore, #tpu.memory_space<semaphore_mem>>
        %dma_start3A_239 = arith.constant 0 : i32
        %dma_start3A_240 = tpu.memref_slice %arg10[%add3A_216, %dma_start3A_239] : memref<256x64xf32, #tpu.memory_space<vmem>> -> memref<8x64xf32, #tpu.memory_space<vmem>>
        %dma_start3A_241 = arith.constant 0 : i32
        %dma_start3A_242 = arith.constant 0 : i32
        %dma_start3A_243 = tpu.memref_slice %arg2[%shift_right_arithmetic3A_210, %dma_start3A_241, %dma_start3A_242] : memref<125000x8x64xf32, #tpu.memory_space<hbm>> -> memref<1x8x64xf32, #tpu.memory_space<hbm>>
        %dma_start3A_244 = tpu.memref_squeeze %dma_start3A_243 : memref<1x8x64xf32, #tpu.memory_space<hbm>> -> memref<8x64xf32, #tpu.memory_space<hbm>>
        tpu.enqueue_dma source(%dma_start3A_244 : memref<8x64xf32, #tpu.memory_space<hbm>>) target(%dma_start3A_240 : memref<8x64xf32, #tpu.memory_space<vmem>>) target_semaphore(%dma_start3A_238 : memref<!tpu.dma_semaphore, #tpu.memory_space<semaphore_mem>>)
        %dma_start3A_245 = arith.constant 0 : i32
        %dma_start3A_246 = tpu.memref_slice %arg9[%add3A_216, %dma_start3A_245] : memref<256x64xf32, #tpu.memory_space<vmem>> -> memref<8x64xf32, #tpu.memory_space<vmem>>
        %dma_start3A_247 = arith.constant 0 : i32
        %dma_start3A_248 = arith.constant 0 : i32
        %dma_start3A_249 = tpu.memref_slice %arg3[%shift_right_arithmetic3A_214, %dma_start3A_247, %dma_start3A_248] : memref<125x8x64xf32, #tpu.memory_space<hbm>> -> memref<1x8x64xf32, #tpu.memory_space<hbm>>
        %dma_start3A_250 = tpu.memref_squeeze %dma_start3A_249 : memref<1x8x64xf32, #tpu.memory_space<hbm>> -> memref<8x64xf32, #tpu.memory_space<hbm>>
        %dma_start3A_251 = tpu.memref_slice %arg15[%rem3A_29] : memref<2x!tpu.dma_semaphore, #tpu.memory_space<semaphore_mem>> -> memref<1x!tpu.dma_semaphore, #tpu.memory_space<semaphore_mem>>
        %dma_start3A_252 = tpu.memref_squeeze %dma_start3A_251 : memref<1x!tpu.dma_semaphore, #tpu.memory_space<semaphore_mem>> -> memref<!tpu.dma_semaphore, #tpu.memory_space<semaphore_mem>>
        %dma_start3A_253 = arith.constant 0 : i32
        %dma_start3A_254 = tpu.memref_slice %arg9[%add3A_216, %dma_start3A_253] : memref<256x64xf32, #tpu.memory_space<vmem>> -> memref<8x64xf32, #tpu.memory_space<vmem>>
        %dma_start3A_255 = arith.constant 0 : i32
        %dma_start3A_256 = arith.constant 0 : i32
        %dma_start3A_257 = tpu.memref_slice %arg3[%shift_right_arithmetic3A_214, %dma_start3A_255, %dma_start3A_256] : memref<125x8x64xf32, #tpu.memory_space<hbm>> -> memref<1x8x64xf32, #tpu.memory_space<hbm>>
        %dma_start3A_258 = tpu.memref_squeeze %dma_start3A_257 : memref<1x8x64xf32, #tpu.memory_space<hbm>> -> memref<8x64xf32, #tpu.memory_space<hbm>>
        tpu.enqueue_dma source(%dma_start3A_258 : memref<8x64xf32, #tpu.memory_space<hbm>>) target(%dma_start3A_254 : memref<8x64xf32, #tpu.memory_space<vmem>>) target_semaphore(%dma_start3A_252 : memref<!tpu.dma_semaphore, #tpu.memory_space<semaphore_mem>>)
        %slice3A_259 = vector.extract_strided_slice %get3A_34 {offsets = [4], sizes = [1], strides = [1]} : vector<16xi32> to vector<1xi32>
        %squeeze3A_260 = vector.extract %slice3A_259[0] : i32 from vector<1xi32>
        %shift_right_arithmetic3A_261 = arith.constant 3 : i32
        %shift_right_arithmetic3A_262 = arith.shrsi %squeeze3A_260, %shift_right_arithmetic3A_261 : i32
        %slice3A_263 = vector.extract_strided_slice %get3A_38 {offsets = [4], sizes = [1], strides = [1]} : vector<16xi32> to vector<1xi32>
        %squeeze3A_264 = vector.extract %slice3A_263[0] : i32 from vector<1xi32>
        %shift_right_arithmetic3A_265 = arith.constant 3 : i32
        %shift_right_arithmetic3A_266 = arith.shrsi %squeeze3A_264, %shift_right_arithmetic3A_265 : i32
        %slice3A_267 = vector.extract_strided_slice %get3A_36 {offsets = [4], sizes = [1], strides = [1]} : vector<16xi32> to vector<1xi32>
        %squeeze3A_268 = vector.extract %slice3A_267[0] : i32 from vector<1xi32>
        %shift_right_arithmetic3A_269 = arith.constant 3 : i32
        %shift_right_arithmetic3A_270 = arith.shrsi %squeeze3A_268, %shift_right_arithmetic3A_269 : i32
        %add3A_271 = arith.constant 32 : i32
        %add3A_272 = arith.addi %mul3A_31, %add3A_271 : i32
        %dma_start3A_273 = arith.constant 0 : i32
        %dma_start3A_274 = tpu.memref_slice %arg8[%add3A_272, %dma_start3A_273] : memref<256x64xf32, #tpu.memory_space<vmem>> -> memref<8x64xf32, #tpu.memory_space<vmem>>
        %dma_start3A_275 = arith.constant 0 : i32
        %dma_start3A_276 = arith.constant 0 : i32
        %dma_start3A_277 = tpu.memref_slice %arg2[%shift_right_arithmetic3A_262, %dma_start3A_275, %dma_start3A_276] : memref<125000x8x64xf32, #tpu.memory_space<hbm>> -> memref<1x8x64xf32, #tpu.memory_space<hbm>>
        %dma_start3A_278 = tpu.memref_squeeze %dma_start3A_277 : memref<1x8x64xf32, #tpu.memory_space<hbm>> -> memref<8x64xf32, #tpu.memory_space<hbm>>
        %dma_start3A_279 = tpu.memref_slice %arg15[%rem3A_29] : memref<2x!tpu.dma_semaphore, #tpu.memory_space<semaphore_mem>> -> memref<1x!tpu.dma_semaphore, #tpu.memory_space<semaphore_mem>>
        %dma_start3A_280 = tpu.memref_squeeze %dma_start3A_279 : memref<1x!tpu.dma_semaphore, #tpu.memory_space<semaphore_mem>> -> memref<!tpu.dma_semaphore, #tpu.memory_space<semaphore_mem>>
        %dma_start3A_281 = arith.constant 0 : i32
        %dma_start3A_282 = tpu.memref_slice %arg8[%add3A_272, %dma_start3A_281] : memref<256x64xf32, #tpu.memory_space<vmem>> -> memref<8x64xf32, #tpu.memory_space<vmem>>
        %dma_start3A_283 = arith.constant 0 : i32
        %dma_start3A_284 = arith.constant 0 : i32
        %dma_start3A_285 = tpu.memref_slice %arg2[%shift_right_arithmetic3A_262, %dma_start3A_283, %dma_start3A_284] : memref<125000x8x64xf32, #tpu.memory_space<hbm>> -> memref<1x8x64xf32, #tpu.memory_space<hbm>>
        %dma_start3A_286 = tpu.memref_squeeze %dma_start3A_285 : memref<1x8x64xf32, #tpu.memory_space<hbm>> -> memref<8x64xf32, #tpu.memory_space<hbm>>
        tpu.enqueue_dma source(%dma_start3A_286 : memref<8x64xf32, #tpu.memory_space<hbm>>) target(%dma_start3A_282 : memref<8x64xf32, #tpu.memory_space<vmem>>) target_semaphore(%dma_start3A_280 : memref<!tpu.dma_semaphore, #tpu.memory_space<semaphore_mem>>)
        %dma_start3A_287 = arith.constant 0 : i32
        %dma_start3A_288 = tpu.memref_slice %arg10[%add3A_272, %dma_start3A_287] : memref<256x64xf32, #tpu.memory_space<vmem>> -> memref<8x64xf32, #tpu.memory_space<vmem>>
        %dma_start3A_289 = arith.constant 0 : i32
        %dma_start3A_290 = arith.constant 0 : i32
        %dma_start3A_291 = tpu.memref_slice %arg2[%shift_right_arithmetic3A_266, %dma_start3A_289, %dma_start3A_290] : memref<125000x8x64xf32, #tpu.memory_space<hbm>> -> memref<1x8x64xf32, #tpu.memory_space<hbm>>
        %dma_start3A_292 = tpu.memref_squeeze %dma_start3A_291 : memref<1x8x64xf32, #tpu.memory_space<hbm>> -> memref<8x64xf32, #tpu.memory_space<hbm>>
        %dma_start3A_293 = tpu.memref_slice %arg15[%rem3A_29] : memref<2x!tpu.dma_semaphore, #tpu.memory_space<semaphore_mem>> -> memref<1x!tpu.dma_semaphore, #tpu.memory_space<semaphore_mem>>
        %dma_start3A_294 = tpu.memref_squeeze %dma_start3A_293 : memref<1x!tpu.dma_semaphore, #tpu.memory_space<semaphore_mem>> -> memref<!tpu.dma_semaphore, #tpu.memory_space<semaphore_mem>>
        %dma_start3A_295 = arith.constant 0 : i32
        %dma_start3A_296 = tpu.memref_slice %arg10[%add3A_272, %dma_start3A_295] : memref<256x64xf32, #tpu.memory_space<vmem>> -> memref<8x64xf32, #tpu.memory_space<vmem>>
        %dma_start3A_297 = arith.constant 0 : i32
        %dma_start3A_298 = arith.constant 0 : i32
        %dma_start3A_299 = tpu.memref_slice %arg2[%shift_right_arithmetic3A_266, %dma_start3A_297, %dma_start3A_298] : memref<125000x8x64xf32, #tpu.memory_space<hbm>> -> memref<1x8x64xf32, #tpu.memory_space<hbm>>
        %dma_start3A_300 = tpu.memref_squeeze %dma_start3A_299 : memref<1x8x64xf32, #tpu.memory_space<hbm>> -> memref<8x64xf32, #tpu.memory_space<hbm>>
        tpu.enqueue_dma source(%dma_start3A_300 : memref<8x64xf32, #tpu.memory_space<hbm>>) target(%dma_start3A_296 : memref<8x64xf32, #tpu.memory_space<vmem>>) target_semaphore(%dma_start3A_294 : memref<!tpu.dma_semaphore, #tpu.memory_space<semaphore_mem>>)
        %dma_start3A_301 = arith.constant 0 : i32
        %dma_start3A_302 = tpu.memref_slice %arg9[%add3A_272, %dma_start3A_301] : memref<256x64xf32, #tpu.memory_space<vmem>> -> memref<8x64xf32, #tpu.memory_space<vmem>>
        %dma_start3A_303 = arith.constant 0 : i32
        %dma_start3A_304 = arith.constant 0 : i32
        %dma_start3A_305 = tpu.memref_slice %arg3[%shift_right_arithmetic3A_270, %dma_start3A_303, %dma_start3A_304] : memref<125x8x64xf32, #tpu.memory_space<hbm>> -> memref<1x8x64xf32, #tpu.memory_space<hbm>>
        %dma_start3A_306 = tpu.memref_squeeze %dma_start3A_305 : memref<1x8x64xf32, #tpu.memory_space<hbm>> -> memref<8x64xf32, #tpu.memory_space<hbm>>
        %dma_start3A_307 = tpu.memref_slice %arg15[%rem3A_29] : memref<2x!tpu.dma_semaphore, #tpu.memory_space<semaphore_mem>> -> memref<1x!tpu.dma_semaphore, #tpu.memory_space<semaphore_mem>>
        %dma_start3A_308 = tpu.memref_squeeze %dma_start3A_307 : memref<1x!tpu.dma_semaphore, #tpu.memory_space<semaphore_mem>> -> memref<!tpu.dma_semaphore, #tpu.memory_space<semaphore_mem>>
        %dma_start3A_309 = arith.constant 0 : i32
        %dma_start3A_310 = tpu.memref_slice %arg9[%add3A_272, %dma_start3A_309] : memref<256x64xf32, #tpu.memory_space<vmem>> -> memref<8x64xf32, #tpu.memory_space<vmem>>
        %dma_start3A_311 = arith.constant 0 : i32
        %dma_start3A_312 = arith.constant 0 : i32
        %dma_start3A_313 = tpu.memref_slice %arg3[%shift_right_arithmetic3A_270, %dma_start3A_311, %dma_start3A_312] : memref<125x8x64xf32, #tpu.memory_space<hbm>> -> memref<1x8x64xf32, #tpu.memory_space<hbm>>
        %dma_start3A_314 = tpu.memref_squeeze %dma_start3A_313 : memref<1x8x64xf32, #tpu.memory_space<hbm>> -> memref<8x64xf32, #tpu.memory_space<hbm>>
        tpu.enqueue_dma source(%dma_start3A_314 : memref<8x64xf32, #tpu.memory_space<hbm>>) target(%dma_start3A_310 : memref<8x64xf32, #tpu.memory_space<vmem>>) target_semaphore(%dma_start3A_308 : memref<!tpu.dma_semaphore, #tpu.memory_space<semaphore_mem>>)
        %slice3A_315 = vector.extract_strided_slice %get3A_34 {offsets = [5], sizes = [1], strides = [1]} : vector<16xi32> to vector<1xi32>
        %squeeze3A_316 = vector.extract %slice3A_315[0] : i32 from vector<1xi32>
        %shift_right_arithmetic3A_317 = arith.constant 3 : i32
        %shift_right_arithmetic3A_318 = arith.shrsi %squeeze3A_316, %shift_right_arithmetic3A_317 : i32
        %slice3A_319 = vector.extract_strided_slice %get3A_38 {offsets = [5], sizes = [1], strides = [1]} : vector<16xi32> to vector<1xi32>
        %squeeze3A_320 = vector.extract %slice3A_319[0] : i32 from vector<1xi32>
        %shift_right_arithmetic3A_321 = arith.constant 3 : i32
        %shift_right_arithmetic3A_322 = arith.shrsi %squeeze3A_320, %shift_right_arithmetic3A_321 : i32
        %slice3A_323 = vector.extract_strided_slice %get3A_36 {offsets = [5], sizes = [1], strides = [1]} : vector<16xi32> to vector<1xi32>
        %squeeze3A_324 = vector.extract %slice3A_323[0] : i32 from vector<1xi32>
        %shift_right_arithmetic3A_325 = arith.constant 3 : i32
        %shift_right_arithmetic3A_326 = arith.shrsi %squeeze3A_324, %shift_right_arithmetic3A_325 : i32
        %add3A_327 = arith.constant 40 : i32
        %add3A_328 = arith.addi %mul3A_31, %add3A_327 : i32
        %dma_start3A_329 = arith.constant 0 : i32
        %dma_start3A_330 = tpu.memref_slice %arg8[%add3A_328, %dma_start3A_329] : memref<256x64xf32, #tpu.memory_space<vmem>> -> memref<8x64xf32, #tpu.memory_space<vmem>>
        %dma_start3A_331 = arith.constant 0 : i32
        %dma_start3A_332 = arith.constant 0 : i32
        %dma_start3A_333 = tpu.memref_slice %arg2[%shift_right_arithmetic3A_318, %dma_start3A_331, %dma_start3A_332] : memref<125000x8x64xf32, #tpu.memory_space<hbm>> -> memref<1x8x64xf32, #tpu.memory_space<hbm>>
        %dma_start3A_334 = tpu.memref_squeeze %dma_start3A_333 : memref<1x8x64xf32, #tpu.memory_space<hbm>> -> memref<8x64xf32, #tpu.memory_space<hbm>>
        %dma_start3A_335 = tpu.memref_slice %arg15[%rem3A_29] : memref<2x!tpu.dma_semaphore, #tpu.memory_space<semaphore_mem>> -> memref<1x!tpu.dma_semaphore, #tpu.memory_space<semaphore_mem>>
        %dma_start3A_336 = tpu.memref_squeeze %dma_start3A_335 : memref<1x!tpu.dma_semaphore, #tpu.memory_space<semaphore_mem>> -> memref<!tpu.dma_semaphore, #tpu.memory_space<semaphore_mem>>
        %dma_start3A_337 = arith.constant 0 : i32
        %dma_start3A_338 = tpu.memref_slice %arg8[%add3A_328, %dma_start3A_337] : memref<256x64xf32, #tpu.memory_space<vmem>> -> memref<8x64xf32, #tpu.memory_space<vmem>>
        %dma_start3A_339 = arith.constant 0 : i32
        %dma_start3A_340 = arith.constant 0 : i32
        %dma_start3A_341 = tpu.memref_slice %arg2[%shift_right_arithmetic3A_318, %dma_start3A_339, %dma_start3A_340] : memref<125000x8x64xf32, #tpu.memory_space<hbm>> -> memref<1x8x64xf32, #tpu.memory_space<hbm>>
        %dma_start3A_342 = tpu.memref_squeeze %dma_start3A_341 : memref<1x8x64xf32, #tpu.memory_space<hbm>> -> memref<8x64xf32, #tpu.memory_space<hbm>>
        tpu.enqueue_dma source(%dma_start3A_342 : memref<8x64xf32, #tpu.memory_space<hbm>>) target(%dma_start3A_338 : memref<8x64xf32, #tpu.memory_space<vmem>>) target_semaphore(%dma_start3A_336 : memref<!tpu.dma_semaphore, #tpu.memory_space<semaphore_mem>>)
        %dma_start3A_343 = arith.constant 0 : i32
        %dma_start3A_344 = tpu.memref_slice %arg10[%add3A_328, %dma_start3A_343] : memref<256x64xf32, #tpu.memory_space<vmem>> -> memref<8x64xf32, #tpu.memory_space<vmem>>
        %dma_start3A_345 = arith.constant 0 : i32
        %dma_start3A_346 = arith.constant 0 : i32
        %dma_start3A_347 = tpu.memref_slice %arg2[%shift_right_arithmetic3A_322, %dma_start3A_345, %dma_start3A_346] : memref<125000x8x64xf32, #tpu.memory_space<hbm>> -> memref<1x8x64xf32, #tpu.memory_space<hbm>>
        %dma_start3A_348 = tpu.memref_squeeze %dma_start3A_347 : memref<1x8x64xf32, #tpu.memory_space<hbm>> -> memref<8x64xf32, #tpu.memory_space<hbm>>
        %dma_start3A_349 = tpu.memref_slice %arg15[%rem3A_29] : memref<2x!tpu.dma_semaphore, #tpu.memory_space<semaphore_mem>> -> memref<1x!tpu.dma_semaphore, #tpu.memory_space<semaphore_mem>>
        %dma_start3A_350 = tpu.memref_squeeze %dma_start3A_349 : memref<1x!tpu.dma_semaphore, #tpu.memory_space<semaphore_mem>> -> memref<!tpu.dma_semaphore, #tpu.memory_space<semaphore_mem>>
        %dma_start3A_351 = arith.constant 0 : i32
        %dma_start3A_352 = tpu.memref_slice %arg10[%add3A_328, %dma_start3A_351] : memref<256x64xf32, #tpu.memory_space<vmem>> -> memref<8x64xf32, #tpu.memory_space<vmem>>
        %dma_start3A_353 = arith.constant 0 : i32
        %dma_start3A_354 = arith.constant 0 : i32
        %dma_start3A_355 = tpu.memref_slice %arg2[%shift_right_arithmetic3A_322, %dma_start3A_353, %dma_start3A_354] : memref<125000x8x64xf32, #tpu.memory_space<hbm>> -> memref<1x8x64xf32, #tpu.memory_space<hbm>>
        %dma_start3A_356 = tpu.memref_squeeze %dma_start3A_355 : memref<1x8x64xf32, #tpu.memory_space<hbm>> -> memref<8x64xf32, #tpu.memory_space<hbm>>
        tpu.enqueue_dma source(%dma_start3A_356 : memref<8x64xf32, #tpu.memory_space<hbm>>) target(%dma_start3A_352 : memref<8x64xf32, #tpu.memory_space<vmem>>) target_semaphore(%dma_start3A_350 : memref<!tpu.dma_semaphore, #tpu.memory_space<semaphore_mem>>)
        %dma_start3A_357 = arith.constant 0 : i32
        %dma_start3A_358 = tpu.memref_slice %arg9[%add3A_328, %dma_start3A_357] : memref<256x64xf32, #tpu.memory_space<vmem>> -> memref<8x64xf32, #tpu.memory_space<vmem>>
        %dma_start3A_359 = arith.constant 0 : i32
        %dma_start3A_360 = arith.constant 0 : i32
        %dma_start3A_361 = tpu.memref_slice %arg3[%shift_right_arithmetic3A_326, %dma_start3A_359, %dma_start3A_360] : memref<125x8x64xf32, #tpu.memory_space<hbm>> -> memref<1x8x64xf32, #tpu.memory_space<hbm>>
        %dma_start3A_362 = tpu.memref_squeeze %dma_start3A_361 : memref<1x8x64xf32, #tpu.memory_space<hbm>> -> memref<8x64xf32, #tpu.memory_space<hbm>>
        %dma_start3A_363 = tpu.memref_slice %arg15[%rem3A_29] : memref<2x!tpu.dma_semaphore, #tpu.memory_space<semaphore_mem>> -> memref<1x!tpu.dma_semaphore, #tpu.memory_space<semaphore_mem>>
        %dma_start3A_364 = tpu.memref_squeeze %dma_start3A_363 : memref<1x!tpu.dma_semaphore, #tpu.memory_space<semaphore_mem>> -> memref<!tpu.dma_semaphore, #tpu.memory_space<semaphore_mem>>
        %dma_start3A_365 = arith.constant 0 : i32
        %dma_start3A_366 = tpu.memref_slice %arg9[%add3A_328, %dma_start3A_365] : memref<256x64xf32, #tpu.memory_space<vmem>> -> memref<8x64xf32, #tpu.memory_space<vmem>>
        %dma_start3A_367 = arith.constant 0 : i32
        %dma_start3A_368 = arith.constant 0 : i32
        %dma_start3A_369 = tpu.memref_slice %arg3[%shift_right_arithmetic3A_326, %dma_start3A_367, %dma_start3A_368] : memref<125x8x64xf32, #tpu.memory_space<hbm>> -> memref<1x8x64xf32, #tpu.memory_space<hbm>>
        %dma_start3A_370 = tpu.memref_squeeze %dma_start3A_369 : memref<1x8x64xf32, #tpu.memory_space<hbm>> -> memref<8x64xf32, #tpu.memory_space<hbm>>
        tpu.enqueue_dma source(%dma_start3A_370 : memref<8x64xf32, #tpu.memory_space<hbm>>) target(%dma_start3A_366 : memref<8x64xf32, #tpu.memory_space<vmem>>) target_semaphore(%dma_start3A_364 : memref<!tpu.dma_semaphore, #tpu.memory_space<semaphore_mem>>)
        %slice3A_371 = vector.extract_strided_slice %get3A_34 {offsets = [6], sizes = [1], strides = [1]} : vector<16xi32> to vector<1xi32>
        %squeeze3A_372 = vector.extract %slice3A_371[0] : i32 from vector<1xi32>
        %shift_right_arithmetic3A_373 = arith.constant 3 : i32
        %shift_right_arithmetic3A_374 = arith.shrsi %squeeze3A_372, %shift_right_arithmetic3A_373 : i32
        %slice3A_375 = vector.extract_strided_slice %get3A_38 {offsets = [6], sizes = [1], strides = [1]} : vector<16xi32> to vector<1xi32>
        %squeeze3A_376 = vector.extract %slice3A_375[0] : i32 from vector<1xi32>
        %shift_right_arithmetic3A_377 = arith.constant 3 : i32
        %shift_right_arithmetic3A_378 = arith.shrsi %squeeze3A_376, %shift_right_arithmetic3A_377 : i32
        %slice3A_379 = vector.extract_strided_slice %get3A_36 {offsets = [6], sizes = [1], strides = [1]} : vector<16xi32> to vector<1xi32>
        %squeeze3A_380 = vector.extract %slice3A_379[0] : i32 from vector<1xi32>
        %shift_right_arithmetic3A_381 = arith.constant 3 : i32
        %shift_right_arithmetic3A_382 = arith.shrsi %squeeze3A_380, %shift_right_arithmetic3A_381 : i32
        %add3A_383 = arith.constant 48 : i32
        %add3A_384 = arith.addi %mul3A_31, %add3A_383 : i32
        %dma_start3A_385 = arith.constant 0 : i32
        %dma_start3A_386 = tpu.memref_slice %arg8[%add3A_384, %dma_start3A_385] : memref<256x64xf32, #tpu.memory_space<vmem>> -> memref<8x64xf32, #tpu.memory_space<vmem>>
        %dma_start3A_387 = arith.constant 0 : i32
        %dma_start3A_388 = arith.constant 0 : i32
        %dma_start3A_389 = tpu.memref_slice %arg2[%shift_right_arithmetic3A_374, %dma_start3A_387, %dma_start3A_388] : memref<125000x8x64xf32, #tpu.memory_space<hbm>> -> memref<1x8x64xf32, #tpu.memory_space<hbm>>
        %dma_start3A_390 = tpu.memref_squeeze %dma_start3A_389 : memref<1x8x64xf32, #tpu.memory_space<hbm>> -> memref<8x64xf32, #tpu.memory_space<hbm>>
        %dma_start3A_391 = tpu.memref_slice %arg15[%rem3A_29] : memref<2x!tpu.dma_semaphore, #tpu.memory_space<semaphore_mem>> -> memref<1x!tpu.dma_semaphore, #tpu.memory_space<semaphore_mem>>
        %dma_start3A_392 = tpu.memref_squeeze %dma_start3A_391 : memref<1x!tpu.dma_semaphore, #tpu.memory_space<semaphore_mem>> -> memref<!tpu.dma_semaphore, #tpu.memory_space<semaphore_mem>>
        %dma_start3A_393 = arith.constant 0 : i32
        %dma_start3A_394 = tpu.memref_slice %arg8[%add3A_384, %dma_start3A_393] : memref<256x64xf32, #tpu.memory_space<vmem>> -> memref<8x64xf32, #tpu.memory_space<vmem>>
        %dma_start3A_395 = arith.constant 0 : i32
        %dma_start3A_396 = arith.constant 0 : i32
        %dma_start3A_397 = tpu.memref_slice %arg2[%shift_right_arithmetic3A_374, %dma_start3A_395, %dma_start3A_396] : memref<125000x8x64xf32, #tpu.memory_space<hbm>> -> memref<1x8x64xf32, #tpu.memory_space<hbm>>
        %dma_start3A_398 = tpu.memref_squeeze %dma_start3A_397 : memref<1x8x64xf32, #tpu.memory_space<hbm>> -> memref<8x64xf32, #tpu.memory_space<hbm>>
        tpu.enqueue_dma source(%dma_start3A_398 : memref<8x64xf32, #tpu.memory_space<hbm>>) target(%dma_start3A_394 : memref<8x64xf32, #tpu.memory_space<vmem>>) target_semaphore(%dma_start3A_392 : memref<!tpu.dma_semaphore, #tpu.memory_space<semaphore_mem>>)
        %dma_start3A_399 = arith.constant 0 : i32
        %dma_start3A_400 = tpu.memref_slice %arg10[%add3A_384, %dma_start3A_399] : memref<256x64xf32, #tpu.memory_space<vmem>> -> memref<8x64xf32, #tpu.memory_space<vmem>>
        %dma_start3A_401 = arith.constant 0 : i32
        %dma_start3A_402 = arith.constant 0 : i32
        %dma_start3A_403 = tpu.memref_slice %arg2[%shift_right_arithmetic3A_378, %dma_start3A_401, %dma_start3A_402] : memref<125000x8x64xf32, #tpu.memory_space<hbm>> -> memref<1x8x64xf32, #tpu.memory_space<hbm>>
        %dma_start3A_404 = tpu.memref_squeeze %dma_start3A_403 : memref<1x8x64xf32, #tpu.memory_space<hbm>> -> memref<8x64xf32, #tpu.memory_space<hbm>>
        %dma_start3A_405 = tpu.memref_slice %arg15[%rem3A_29] : memref<2x!tpu.dma_semaphore, #tpu.memory_space<semaphore_mem>> -> memref<1x!tpu.dma_semaphore, #tpu.memory_space<semaphore_mem>>
        %dma_start3A_406 = tpu.memref_squeeze %dma_start3A_405 : memref<1x!tpu.dma_semaphore, #tpu.memory_space<semaphore_mem>> -> memref<!tpu.dma_semaphore, #tpu.memory_space<semaphore_mem>>
        %dma_start3A_407 = arith.constant 0 : i32
        %dma_start3A_408 = tpu.memref_slice %arg10[%add3A_384, %dma_start3A_407] : memref<256x64xf32, #tpu.memory_space<vmem>> -> memref<8x64xf32, #tpu.memory_space<vmem>>
        %dma_start3A_409 = arith.constant 0 : i32
        %dma_start3A_410 = arith.constant 0 : i32
        %dma_start3A_411 = tpu.memref_slice %arg2[%shift_right_arithmetic3A_378, %dma_start3A_409, %dma_start3A_410] : memref<125000x8x64xf32, #tpu.memory_space<hbm>> -> memref<1x8x64xf32, #tpu.memory_space<hbm>>
        %dma_start3A_412 = tpu.memref_squeeze %dma_start3A_411 : memref<1x8x64xf32, #tpu.memory_space<hbm>> -> memref<8x64xf32, #tpu.memory_space<hbm>>
        tpu.enqueue_dma source(%dma_start3A_412 : memref<8x64xf32, #tpu.memory_space<hbm>>) target(%dma_start3A_408 : memref<8x64xf32, #tpu.memory_space<vmem>>) target_semaphore(%dma_start3A_406 : memref<!tpu.dma_semaphore, #tpu.memory_space<semaphore_mem>>)
        %dma_start3A_413 = arith.constant 0 : i32
        %dma_start3A_414 = tpu.memref_slice %arg9[%add3A_384, %dma_start3A_413] : memref<256x64xf32, #tpu.memory_space<vmem>> -> memref<8x64xf32, #tpu.memory_space<vmem>>
        %dma_start3A_415 = arith.constant 0 : i32
        %dma_start3A_416 = arith.constant 0 : i32
        %dma_start3A_417 = tpu.memref_slice %arg3[%shift_right_arithmetic3A_382, %dma_start3A_415, %dma_start3A_416] : memref<125x8x64xf32, #tpu.memory_space<hbm>> -> memref<1x8x64xf32, #tpu.memory_space<hbm>>
        %dma_start3A_418 = tpu.memref_squeeze %dma_start3A_417 : memref<1x8x64xf32, #tpu.memory_space<hbm>> -> memref<8x64xf32, #tpu.memory_space<hbm>>
        %dma_start3A_419 = tpu.memref_slice %arg15[%rem3A_29] : memref<2x!tpu.dma_semaphore, #tpu.memory_space<semaphore_mem>> -> memref<1x!tpu.dma_semaphore, #tpu.memory_space<semaphore_mem>>
        %dma_start3A_420 = tpu.memref_squeeze %dma_start3A_419 : memref<1x!tpu.dma_semaphore, #tpu.memory_space<semaphore_mem>> -> memref<!tpu.dma_semaphore, #tpu.memory_space<semaphore_mem>>
        %dma_start3A_421 = arith.constant 0 : i32
        %dma_start3A_422 = tpu.memref_slice %arg9[%add3A_384, %dma_start3A_421] : memref<256x64xf32, #tpu.memory_space<vmem>> -> memref<8x64xf32, #tpu.memory_space<vmem>>
        %dma_start3A_423 = arith.constant 0 : i32
        %dma_start3A_424 = arith.constant 0 : i32
        %dma_start3A_425 = tpu.memref_slice %arg3[%shift_right_arithmetic3A_382, %dma_start3A_423, %dma_start3A_424] : memref<125x8x64xf32, #tpu.memory_space<hbm>> -> memref<1x8x64xf32, #tpu.memory_space<hbm>>
        %dma_start3A_426 = tpu.memref_squeeze %dma_start3A_425 : memref<1x8x64xf32, #tpu.memory_space<hbm>> -> memref<8x64xf32, #tpu.memory_space<hbm>>
        tpu.enqueue_dma source(%dma_start3A_426 : memref<8x64xf32, #tpu.memory_space<hbm>>) target(%dma_start3A_422 : memref<8x64xf32, #tpu.memory_space<vmem>>) target_semaphore(%dma_start3A_420 : memref<!tpu.dma_semaphore, #tpu.memory_space<semaphore_mem>>)
        %slice3A_427 = vector.extract_strided_slice %get3A_34 {offsets = [7], sizes = [1], strides = [1]} : vector<16xi32> to vector<1xi32>
        %squeeze3A_428 = vector.extract %slice3A_427[0] : i32 from vector<1xi32>
        %shift_right_arithmetic3A_429 = arith.constant 3 : i32
        %shift_right_arithmetic3A_430 = arith.shrsi %squeeze3A_428, %shift_right_arithmetic3A_429 : i32
        %slice3A_431 = vector.extract_strided_slice %get3A_38 {offsets = [7], sizes = [1], strides = [1]} : vector<16xi32> to vector<1xi32>
        %squeeze3A_432 = vector.extract %slice3A_431[0] : i32 from vector<1xi32>
        %shift_right_arithmetic3A_433 = arith.constant 3 : i32
        %shift_right_arithmetic3A_434 = arith.shrsi %squeeze3A_432, %shift_right_arithmetic3A_433 : i32
        %slice3A_435 = vector.extract_strided_slice %get3A_36 {offsets = [7], sizes = [1], strides = [1]} : vector<16xi32> to vector<1xi32>
        %squeeze3A_436 = vector.extract %slice3A_435[0] : i32 from vector<1xi32>
        %shift_right_arithmetic3A_437 = arith.constant 3 : i32
        %shift_right_arithmetic3A_438 = arith.shrsi %squeeze3A_436, %shift_right_arithmetic3A_437 : i32
        %add3A_439 = arith.constant 56 : i32
        %add3A_440 = arith.addi %mul3A_31, %add3A_439 : i32
        %dma_start3A_441 = arith.constant 0 : i32
        %dma_start3A_442 = tpu.memref_slice %arg8[%add3A_440, %dma_start3A_441] : memref<256x64xf32, #tpu.memory_space<vmem>> -> memref<8x64xf32, #tpu.memory_space<vmem>>
        %dma_start3A_443 = arith.constant 0 : i32
        %dma_start3A_444 = arith.constant 0 : i32
        %dma_start3A_445 = tpu.memref_slice %arg2[%shift_right_arithmetic3A_430, %dma_start3A_443, %dma_start3A_444] : memref<125000x8x64xf32, #tpu.memory_space<hbm>> -> memref<1x8x64xf32, #tpu.memory_space<hbm>>
        %dma_start3A_446 = tpu.memref_squeeze %dma_start3A_445 : memref<1x8x64xf32, #tpu.memory_space<hbm>> -> memref<8x64xf32, #tpu.memory_space<hbm>>
        %dma_start3A_447 = tpu.memref_slice %arg15[%rem3A_29] : memref<2x!tpu.dma_semaphore, #tpu.memory_space<semaphore_mem>> -> memref<1x!tpu.dma_semaphore, #tpu.memory_space<semaphore_mem>>
        %dma_start3A_448 = tpu.memref_squeeze %dma_start3A_447 : memref<1x!tpu.dma_semaphore, #tpu.memory_space<semaphore_mem>> -> memref<!tpu.dma_semaphore, #tpu.memory_space<semaphore_mem>>
        %dma_start3A_449 = arith.constant 0 : i32
        %dma_start3A_450 = tpu.memref_slice %arg8[%add3A_440, %dma_start3A_449] : memref<256x64xf32, #tpu.memory_space<vmem>> -> memref<8x64xf32, #tpu.memory_space<vmem>>
        %dma_start3A_451 = arith.constant 0 : i32
        %dma_start3A_452 = arith.constant 0 : i32
        %dma_start3A_453 = tpu.memref_slice %arg2[%shift_right_arithmetic3A_430, %dma_start3A_451, %dma_start3A_452] : memref<125000x8x64xf32, #tpu.memory_space<hbm>> -> memref<1x8x64xf32, #tpu.memory_space<hbm>>
        %dma_start3A_454 = tpu.memref_squeeze %dma_start3A_453 : memref<1x8x64xf32, #tpu.memory_space<hbm>> -> memref<8x64xf32, #tpu.memory_space<hbm>>
        tpu.enqueue_dma source(%dma_start3A_454 : memref<8x64xf32, #tpu.memory_space<hbm>>) target(%dma_start3A_450 : memref<8x64xf32, #tpu.memory_space<vmem>>) target_semaphore(%dma_start3A_448 : memref<!tpu.dma_semaphore, #tpu.memory_space<semaphore_mem>>)
        %dma_start3A_455 = arith.constant 0 : i32
        %dma_start3A_456 = tpu.memref_slice %arg10[%add3A_440, %dma_start3A_455] : memref<256x64xf32, #tpu.memory_space<vmem>> -> memref<8x64xf32, #tpu.memory_space<vmem>>
        %dma_start3A_457 = arith.constant 0 : i32
        %dma_start3A_458 = arith.constant 0 : i32
        %dma_start3A_459 = tpu.memref_slice %arg2[%shift_right_arithmetic3A_434, %dma_start3A_457, %dma_start3A_458] : memref<125000x8x64xf32, #tpu.memory_space<hbm>> -> memref<1x8x64xf32, #tpu.memory_space<hbm>>
        %dma_start3A_460 = tpu.memref_squeeze %dma_start3A_459 : memref<1x8x64xf32, #tpu.memory_space<hbm>> -> memref<8x64xf32, #tpu.memory_space<hbm>>
        %dma_start3A_461 = tpu.memref_slice %arg15[%rem3A_29] : memref<2x!tpu.dma_semaphore, #tpu.memory_space<semaphore_mem>> -> memref<1x!tpu.dma_semaphore, #tpu.memory_space<semaphore_mem>>
        %dma_start3A_462 = tpu.memref_squeeze %dma_start3A_461 : memref<1x!tpu.dma_semaphore, #tpu.memory_space<semaphore_mem>> -> memref<!tpu.dma_semaphore, #tpu.memory_space<semaphore_mem>>
        %dma_start3A_463 = arith.constant 0 : i32
        %dma_start3A_464 = tpu.memref_slice %arg10[%add3A_440, %dma_start3A_463] : memref<256x64xf32, #tpu.memory_space<vmem>> -> memref<8x64xf32, #tpu.memory_space<vmem>>
        %dma_start3A_465 = arith.constant 0 : i32
        %dma_start3A_466 = arith.constant 0 : i32
        %dma_start3A_467 = tpu.memref_slice %arg2[%shift_right_arithmetic3A_434, %dma_start3A_465, %dma_start3A_466] : memref<125000x8x64xf32, #tpu.memory_space<hbm>> -> memref<1x8x64xf32, #tpu.memory_space<hbm>>
        %dma_start3A_468 = tpu.memref_squeeze %dma_start3A_467 : memref<1x8x64xf32, #tpu.memory_space<hbm>> -> memref<8x64xf32, #tpu.memory_space<hbm>>
        tpu.enqueue_dma source(%dma_start3A_468 : memref<8x64xf32, #tpu.memory_space<hbm>>) target(%dma_start3A_464 : memref<8x64xf32, #tpu.memory_space<vmem>>) target_semaphore(%dma_start3A_462 : memref<!tpu.dma_semaphore, #tpu.memory_space<semaphore_mem>>)
        %dma_start3A_469 = arith.constant 0 : i32
        %dma_start3A_470 = tpu.memref_slice %arg9[%add3A_440, %dma_start3A_469] : memref<256x64xf32, #tpu.memory_space<vmem>> -> memref<8x64xf32, #tpu.memory_space<vmem>>
        %dma_start3A_471 = arith.constant 0 : i32
        %dma_start3A_472 = arith.constant 0 : i32
        %dma_start3A_473 = tpu.memref_slice %arg3[%shift_right_arithmetic3A_438, %dma_start3A_471, %dma_start3A_472] : memref<125x8x64xf32, #tpu.memory_space<hbm>> -> memref<1x8x64xf32, #tpu.memory_space<hbm>>
        %dma_start3A_474 = tpu.memref_squeeze %dma_start3A_473 : memref<1x8x64xf32, #tpu.memory_space<hbm>> -> memref<8x64xf32, #tpu.memory_space<hbm>>
        %dma_start3A_475 = tpu.memref_slice %arg15[%rem3A_29] : memref<2x!tpu.dma_semaphore, #tpu.memory_space<semaphore_mem>> -> memref<1x!tpu.dma_semaphore, #tpu.memory_space<semaphore_mem>>
        %dma_start3A_476 = tpu.memref_squeeze %dma_start3A_475 : memref<1x!tpu.dma_semaphore, #tpu.memory_space<semaphore_mem>> -> memref<!tpu.dma_semaphore, #tpu.memory_space<semaphore_mem>>
        %dma_start3A_477 = arith.constant 0 : i32
        %dma_start3A_478 = tpu.memref_slice %arg9[%add3A_440, %dma_start3A_477] : memref<256x64xf32, #tpu.memory_space<vmem>> -> memref<8x64xf32, #tpu.memory_space<vmem>>
        %dma_start3A_479 = arith.constant 0 : i32
        %dma_start3A_480 = arith.constant 0 : i32
        %dma_start3A_481 = tpu.memref_slice %arg3[%shift_right_arithmetic3A_438, %dma_start3A_479, %dma_start3A_480] : memref<125x8x64xf32, #tpu.memory_space<hbm>> -> memref<1x8x64xf32, #tpu.memory_space<hbm>>
        %dma_start3A_482 = tpu.memref_squeeze %dma_start3A_481 : memref<1x8x64xf32, #tpu.memory_space<hbm>> -> memref<8x64xf32, #tpu.memory_space<hbm>>
        tpu.enqueue_dma source(%dma_start3A_482 : memref<8x64xf32, #tpu.memory_space<hbm>>) target(%dma_start3A_478 : memref<8x64xf32, #tpu.memory_space<vmem>>) target_semaphore(%dma_start3A_476 : memref<!tpu.dma_semaphore, #tpu.memory_space<semaphore_mem>>)
        %slice3A_483 = vector.extract_strided_slice %get3A_34 {offsets = [8], sizes = [1], strides = [1]} : vector<16xi32> to vector<1xi32>
        %squeeze3A_484 = vector.extract %slice3A_483[0] : i32 from vector<1xi32>
        %shift_right_arithmetic3A_485 = arith.constant 3 : i32
        %shift_right_arithmetic3A_486 = arith.shrsi %squeeze3A_484, %shift_right_arithmetic3A_485 : i32
        %slice3A_487 = vector.extract_strided_slice %get3A_38 {offsets = [8], sizes = [1], strides = [1]} : vector<16xi32> to vector<1xi32>
        %squeeze3A_488 = vector.extract %slice3A_487[0] : i32 from vector<1xi32>
        %shift_right_arithmetic3A_489 = arith.constant 3 : i32
        %shift_right_arithmetic3A_490 = arith.shrsi %squeeze3A_488, %shift_right_arithmetic3A_489 : i32
        %slice3A_491 = vector.extract_strided_slice %get3A_36 {offsets = [8], sizes = [1], strides = [1]} : vector<16xi32> to vector<1xi32>
        %squeeze3A_492 = vector.extract %slice3A_491[0] : i32 from vector<1xi32>
        %shift_right_arithmetic3A_493 = arith.constant 3 : i32
        %shift_right_arithmetic3A_494 = arith.shrsi %squeeze3A_492, %shift_right_arithmetic3A_493 : i32
        %add3A_495 = arith.constant 64 : i32
        %add3A_496 = arith.addi %mul3A_31, %add3A_495 : i32
        %dma_start3A_497 = arith.constant 0 : i32
        %dma_start3A_498 = tpu.memref_slice %arg8[%add3A_496, %dma_start3A_497] : memref<256x64xf32, #tpu.memory_space<vmem>> -> memref<8x64xf32, #tpu.memory_space<vmem>>
        %dma_start3A_499 = arith.constant 0 : i32
        %dma_start3A_500 = arith.constant 0 : i32
        %dma_start3A_501 = tpu.memref_slice %arg2[%shift_right_arithmetic3A_486, %dma_start3A_499, %dma_start3A_500] : memref<125000x8x64xf32, #tpu.memory_space<hbm>> -> memref<1x8x64xf32, #tpu.memory_space<hbm>>
        %dma_start3A_502 = tpu.memref_squeeze %dma_start3A_501 : memref<1x8x64xf32, #tpu.memory_space<hbm>> -> memref<8x64xf32, #tpu.memory_space<hbm>>
        %dma_start3A_503 = tpu.memref_slice %arg15[%rem3A_29] : memref<2x!tpu.dma_semaphore, #tpu.memory_space<semaphore_mem>> -> memref<1x!tpu.dma_semaphore, #tpu.memory_space<semaphore_mem>>
        %dma_start3A_504 = tpu.memref_squeeze %dma_start3A_503 : memref<1x!tpu.dma_semaphore, #tpu.memory_space<semaphore_mem>> -> memref<!tpu.dma_semaphore, #tpu.memory_space<semaphore_mem>>
        %dma_start3A_505 = arith.constant 0 : i32
        %dma_start3A_506 = tpu.memref_slice %arg8[%add3A_496, %dma_start3A_505] : memref<256x64xf32, #tpu.memory_space<vmem>> -> memref<8x64xf32, #tpu.memory_space<vmem>>
        %dma_start3A_507 = arith.constant 0 : i32
        %dma_start3A_508 = arith.constant 0 : i32
        %dma_start3A_509 = tpu.memref_slice %arg2[%shift_right_arithmetic3A_486, %dma_start3A_507, %dma_start3A_508] : memref<125000x8x64xf32, #tpu.memory_space<hbm>> -> memref<1x8x64xf32, #tpu.memory_space<hbm>>
        %dma_start3A_510 = tpu.memref_squeeze %dma_start3A_509 : memref<1x8x64xf32, #tpu.memory_space<hbm>> -> memref<8x64xf32, #tpu.memory_space<hbm>>
        tpu.enqueue_dma source(%dma_start3A_510 : memref<8x64xf32, #tpu.memory_space<hbm>>) target(%dma_start3A_506 : memref<8x64xf32, #tpu.memory_space<vmem>>) target_semaphore(%dma_start3A_504 : memref<!tpu.dma_semaphore, #tpu.memory_space<semaphore_mem>>)
        %dma_start3A_511 = arith.constant 0 : i32
        %dma_start3A_512 = tpu.memref_slice %arg10[%add3A_496, %dma_start3A_511] : memref<256x64xf32, #tpu.memory_space<vmem>> -> memref<8x64xf32, #tpu.memory_space<vmem>>
        %dma_start3A_513 = arith.constant 0 : i32
        %dma_start3A_514 = arith.constant 0 : i32
        %dma_start3A_515 = tpu.memref_slice %arg2[%shift_right_arithmetic3A_490, %dma_start3A_513, %dma_start3A_514] : memref<125000x8x64xf32, #tpu.memory_space<hbm>> -> memref<1x8x64xf32, #tpu.memory_space<hbm>>
        %dma_start3A_516 = tpu.memref_squeeze %dma_start3A_515 : memref<1x8x64xf32, #tpu.memory_space<hbm>> -> memref<8x64xf32, #tpu.memory_space<hbm>>
        %dma_start3A_517 = tpu.memref_slice %arg15[%rem3A_29] : memref<2x!tpu.dma_semaphore, #tpu.memory_space<semaphore_mem>> -> memref<1x!tpu.dma_semaphore, #tpu.memory_space<semaphore_mem>>
        %dma_start3A_518 = tpu.memref_squeeze %dma_start3A_517 : memref<1x!tpu.dma_semaphore, #tpu.memory_space<semaphore_mem>> -> memref<!tpu.dma_semaphore, #tpu.memory_space<semaphore_mem>>
        %dma_start3A_519 = arith.constant 0 : i32
        %dma_start3A_520 = tpu.memref_slice %arg10[%add3A_496, %dma_start3A_519] : memref<256x64xf32, #tpu.memory_space<vmem>> -> memref<8x64xf32, #tpu.memory_space<vmem>>
        %dma_start3A_521 = arith.constant 0 : i32
        %dma_start3A_522 = arith.constant 0 : i32
        %dma_start3A_523 = tpu.memref_slice %arg2[%shift_right_arithmetic3A_490, %dma_start3A_521, %dma_start3A_522] : memref<125000x8x64xf32, #tpu.memory_space<hbm>> -> memref<1x8x64xf32, #tpu.memory_space<hbm>>
        %dma_start3A_524 = tpu.memref_squeeze %dma_start3A_523 : memref<1x8x64xf32, #tpu.memory_space<hbm>> -> memref<8x64xf32, #tpu.memory_space<hbm>>
        tpu.enqueue_dma source(%dma_start3A_524 : memref<8x64xf32, #tpu.memory_space<hbm>>) target(%dma_start3A_520 : memref<8x64xf32, #tpu.memory_space<vmem>>) target_semaphore(%dma_start3A_518 : memref<!tpu.dma_semaphore, #tpu.memory_space<semaphore_mem>>)
        %dma_start3A_525 = arith.constant 0 : i32
        %dma_start3A_526 = tpu.memref_slice %arg9[%add3A_496, %dma_start3A_525] : memref<256x64xf32, #tpu.memory_space<vmem>> -> memref<8x64xf32, #tpu.memory_space<vmem>>
        %dma_start3A_527 = arith.constant 0 : i32
        %dma_start3A_528 = arith.constant 0 : i32
        %dma_start3A_529 = tpu.memref_slice %arg3[%shift_right_arithmetic3A_494, %dma_start3A_527, %dma_start3A_528] : memref<125x8x64xf32, #tpu.memory_space<hbm>> -> memref<1x8x64xf32, #tpu.memory_space<hbm>>
        %dma_start3A_530 = tpu.memref_squeeze %dma_start3A_529 : memref<1x8x64xf32, #tpu.memory_space<hbm>> -> memref<8x64xf32, #tpu.memory_space<hbm>>
        %dma_start3A_531 = tpu.memref_slice %arg15[%rem3A_29] : memref<2x!tpu.dma_semaphore, #tpu.memory_space<semaphore_mem>> -> memref<1x!tpu.dma_semaphore, #tpu.memory_space<semaphore_mem>>
        %dma_start3A_532 = tpu.memref_squeeze %dma_start3A_531 : memref<1x!tpu.dma_semaphore, #tpu.memory_space<semaphore_mem>> -> memref<!tpu.dma_semaphore, #tpu.memory_space<semaphore_mem>>
        %dma_start3A_533 = arith.constant 0 : i32
        %dma_start3A_534 = tpu.memref_slice %arg9[%add3A_496, %dma_start3A_533] : memref<256x64xf32, #tpu.memory_space<vmem>> -> memref<8x64xf32, #tpu.memory_space<vmem>>
        %dma_start3A_535 = arith.constant 0 : i32
        %dma_start3A_536 = arith.constant 0 : i32
        %dma_start3A_537 = tpu.memref_slice %arg3[%shift_right_arithmetic3A_494, %dma_start3A_535, %dma_start3A_536] : memref<125x8x64xf32, #tpu.memory_space<hbm>> -> memref<1x8x64xf32, #tpu.memory_space<hbm>>
        %dma_start3A_538 = tpu.memref_squeeze %dma_start3A_537 : memref<1x8x64xf32, #tpu.memory_space<hbm>> -> memref<8x64xf32, #tpu.memory_space<hbm>>
        tpu.enqueue_dma source(%dma_start3A_538 : memref<8x64xf32, #tpu.memory_space<hbm>>) target(%dma_start3A_534 : memref<8x64xf32, #tpu.memory_space<vmem>>) target_semaphore(%dma_start3A_532 : memref<!tpu.dma_semaphore, #tpu.memory_space<semaphore_mem>>)
        %slice3A_539 = vector.extract_strided_slice %get3A_34 {offsets = [9], sizes = [1], strides = [1]} : vector<16xi32> to vector<1xi32>
        %squeeze3A_540 = vector.extract %slice3A_539[0] : i32 from vector<1xi32>
        %shift_right_arithmetic3A_541 = arith.constant 3 : i32
        %shift_right_arithmetic3A_542 = arith.shrsi %squeeze3A_540, %shift_right_arithmetic3A_541 : i32
        %slice3A_543 = vector.extract_strided_slice %get3A_38 {offsets = [9], sizes = [1], strides = [1]} : vector<16xi32> to vector<1xi32>
        %squeeze3A_544 = vector.extract %slice3A_543[0] : i32 from vector<1xi32>
        %shift_right_arithmetic3A_545 = arith.constant 3 : i32
        %shift_right_arithmetic3A_546 = arith.shrsi %squeeze3A_544, %shift_right_arithmetic3A_545 : i32
        %slice3A_547 = vector.extract_strided_slice %get3A_36 {offsets = [9], sizes = [1], strides = [1]} : vector<16xi32> to vector<1xi32>
        %squeeze3A_548 = vector.extract %slice3A_547[0] : i32 from vector<1xi32>
        %shift_right_arithmetic3A_549 = arith.constant 3 : i32
        %shift_right_arithmetic3A_550 = arith.shrsi %squeeze3A_548, %shift_right_arithmetic3A_549 : i32
        %add3A_551 = arith.constant 72 : i32
        %add3A_552 = arith.addi %mul3A_31, %add3A_551 : i32
        %dma_start3A_553 = arith.constant 0 : i32
        %dma_start3A_554 = tpu.memref_slice %arg8[%add3A_552, %dma_start3A_553] : memref<256x64xf32, #tpu.memory_space<vmem>> -> memref<8x64xf32, #tpu.memory_space<vmem>>
        %dma_start3A_555 = arith.constant 0 : i32
        %dma_start3A_556 = arith.constant 0 : i32
        %dma_start3A_557 = tpu.memref_slice %arg2[%shift_right_arithmetic3A_542, %dma_start3A_555, %dma_start3A_556] : memref<125000x8x64xf32, #tpu.memory_space<hbm>> -> memref<1x8x64xf32, #tpu.memory_space<hbm>>
        %dma_start3A_558 = tpu.memref_squeeze %dma_start3A_557 : memref<1x8x64xf32, #tpu.memory_space<hbm>> -> memref<8x64xf32, #tpu.memory_space<hbm>>
        %dma_start3A_559 = tpu.memref_slice %arg15[%rem3A_29] : memref<2x!tpu.dma_semaphore, #tpu.memory_space<semaphore_mem>> -> memref<1x!tpu.dma_semaphore, #tpu.memory_space<semaphore_mem>>
        %dma_start3A_560 = tpu.memref_squeeze %dma_start3A_559 : memref<1x!tpu.dma_semaphore, #tpu.memory_space<semaphore_mem>> -> memref<!tpu.dma_semaphore, #tpu.memory_space<semaphore_mem>>
        %dma_start3A_561 = arith.constant 0 : i32
        %dma_start3A_562 = tpu.memref_slice %arg8[%add3A_552, %dma_start3A_561] : memref<256x64xf32, #tpu.memory_space<vmem>> -> memref<8x64xf32, #tpu.memory_space<vmem>>
        %dma_start3A_563 = arith.constant 0 : i32
        %dma_start3A_564 = arith.constant 0 : i32
        %dma_start3A_565 = tpu.memref_slice %arg2[%shift_right_arithmetic3A_542, %dma_start3A_563, %dma_start3A_564] : memref<125000x8x64xf32, #tpu.memory_space<hbm>> -> memref<1x8x64xf32, #tpu.memory_space<hbm>>
        %dma_start3A_566 = tpu.memref_squeeze %dma_start3A_565 : memref<1x8x64xf32, #tpu.memory_space<hbm>> -> memref<8x64xf32, #tpu.memory_space<hbm>>
        tpu.enqueue_dma source(%dma_start3A_566 : memref<8x64xf32, #tpu.memory_space<hbm>>) target(%dma_start3A_562 : memref<8x64xf32, #tpu.memory_space<vmem>>) target_semaphore(%dma_start3A_560 : memref<!tpu.dma_semaphore, #tpu.memory_space<semaphore_mem>>)
        %dma_start3A_567 = arith.constant 0 : i32
        %dma_start3A_568 = tpu.memref_slice %arg10[%add3A_552, %dma_start3A_567] : memref<256x64xf32, #tpu.memory_space<vmem>> -> memref<8x64xf32, #tpu.memory_space<vmem>>
        %dma_start3A_569 = arith.constant 0 : i32
        %dma_start3A_570 = arith.constant 0 : i32
        %dma_start3A_571 = tpu.memref_slice %arg2[%shift_right_arithmetic3A_546, %dma_start3A_569, %dma_start3A_570] : memref<125000x8x64xf32, #tpu.memory_space<hbm>> -> memref<1x8x64xf32, #tpu.memory_space<hbm>>
        %dma_start3A_572 = tpu.memref_squeeze %dma_start3A_571 : memref<1x8x64xf32, #tpu.memory_space<hbm>> -> memref<8x64xf32, #tpu.memory_space<hbm>>
        %dma_start3A_573 = tpu.memref_slice %arg15[%rem3A_29] : memref<2x!tpu.dma_semaphore, #tpu.memory_space<semaphore_mem>> -> memref<1x!tpu.dma_semaphore, #tpu.memory_space<semaphore_mem>>
        %dma_start3A_574 = tpu.memref_squeeze %dma_start3A_573 : memref<1x!tpu.dma_semaphore, #tpu.memory_space<semaphore_mem>> -> memref<!tpu.dma_semaphore, #tpu.memory_space<semaphore_mem>>
        %dma_start3A_575 = arith.constant 0 : i32
        %dma_start3A_576 = tpu.memref_slice %arg10[%add3A_552, %dma_start3A_575] : memref<256x64xf32, #tpu.memory_space<vmem>> -> memref<8x64xf32, #tpu.memory_space<vmem>>
        %dma_start3A_577 = arith.constant 0 : i32
        %dma_start3A_578 = arith.constant 0 : i32
        %dma_start3A_579 = tpu.memref_slice %arg2[%shift_right_arithmetic3A_546, %dma_start3A_577, %dma_start3A_578] : memref<125000x8x64xf32, #tpu.memory_space<hbm>> -> memref<1x8x64xf32, #tpu.memory_space<hbm>>
        %dma_start3A_580 = tpu.memref_squeeze %dma_start3A_579 : memref<1x8x64xf32, #tpu.memory_space<hbm>> -> memref<8x64xf32, #tpu.memory_space<hbm>>
        tpu.enqueue_dma source(%dma_start3A_580 : memref<8x64xf32, #tpu.memory_space<hbm>>) target(%dma_start3A_576 : memref<8x64xf32, #tpu.memory_space<vmem>>) target_semaphore(%dma_start3A_574 : memref<!tpu.dma_semaphore, #tpu.memory_space<semaphore_mem>>)
        %dma_start3A_581 = arith.constant 0 : i32
        %dma_start3A_582 = tpu.memref_slice %arg9[%add3A_552, %dma_start3A_581] : memref<256x64xf32, #tpu.memory_space<vmem>> -> memref<8x64xf32, #tpu.memory_space<vmem>>
        %dma_start3A_583 = arith.constant 0 : i32
        %dma_start3A_584 = arith.constant 0 : i32
        %dma_start3A_585 = tpu.memref_slice %arg3[%shift_right_arithmetic3A_550, %dma_start3A_583, %dma_start3A_584] : memref<125x8x64xf32, #tpu.memory_space<hbm>> -> memref<1x8x64xf32, #tpu.memory_space<hbm>>
        %dma_start3A_586 = tpu.memref_squeeze %dma_start3A_585 : memref<1x8x64xf32, #tpu.memory_space<hbm>> -> memref<8x64xf32, #tpu.memory_space<hbm>>
        %dma_start3A_587 = tpu.memref_slice %arg15[%rem3A_29] : memref<2x!tpu.dma_semaphore, #tpu.memory_space<semaphore_mem>> -> memref<1x!tpu.dma_semaphore, #tpu.memory_space<semaphore_mem>>
        %dma_start3A_588 = tpu.memref_squeeze %dma_start3A_587 : memref<1x!tpu.dma_semaphore, #tpu.memory_space<semaphore_mem>> -> memref<!tpu.dma_semaphore, #tpu.memory_space<semaphore_mem>>
        %dma_start3A_589 = arith.constant 0 : i32
        %dma_start3A_590 = tpu.memref_slice %arg9[%add3A_552, %dma_start3A_589] : memref<256x64xf32, #tpu.memory_space<vmem>> -> memref<8x64xf32, #tpu.memory_space<vmem>>
        %dma_start3A_591 = arith.constant 0 : i32
        %dma_start3A_592 = arith.constant 0 : i32
        %dma_start3A_593 = tpu.memref_slice %arg3[%shift_right_arithmetic3A_550, %dma_start3A_591, %dma_start3A_592] : memref<125x8x64xf32, #tpu.memory_space<hbm>> -> memref<1x8x64xf32, #tpu.memory_space<hbm>>
        %dma_start3A_594 = tpu.memref_squeeze %dma_start3A_593 : memref<1x8x64xf32, #tpu.memory_space<hbm>> -> memref<8x64xf32, #tpu.memory_space<hbm>>
        tpu.enqueue_dma source(%dma_start3A_594 : memref<8x64xf32, #tpu.memory_space<hbm>>) target(%dma_start3A_590 : memref<8x64xf32, #tpu.memory_space<vmem>>) target_semaphore(%dma_start3A_588 : memref<!tpu.dma_semaphore, #tpu.memory_space<semaphore_mem>>)
        %slice3A_595 = vector.extract_strided_slice %get3A_34 {offsets = [10], sizes = [1], strides = [1]} : vector<16xi32> to vector<1xi32>
        %squeeze3A_596 = vector.extract %slice3A_595[0] : i32 from vector<1xi32>
        %shift_right_arithmetic3A_597 = arith.constant 3 : i32
        %shift_right_arithmetic3A_598 = arith.shrsi %squeeze3A_596, %shift_right_arithmetic3A_597 : i32
        %slice3A_599 = vector.extract_strided_slice %get3A_38 {offsets = [10], sizes = [1], strides = [1]} : vector<16xi32> to vector<1xi32>
        %squeeze3A_600 = vector.extract %slice3A_599[0] : i32 from vector<1xi32>
        %shift_right_arithmetic3A_601 = arith.constant 3 : i32
        %shift_right_arithmetic3A_602 = arith.shrsi %squeeze3A_600, %shift_right_arithmetic3A_601 : i32
        %slice3A_603 = vector.extract_strided_slice %get3A_36 {offsets = [10], sizes = [1], strides = [1]} : vector<16xi32> to vector<1xi32>
        %squeeze3A_604 = vector.extract %slice3A_603[0] : i32 from vector<1xi32>
        %shift_right_arithmetic3A_605 = arith.constant 3 : i32
        %shift_right_arithmetic3A_606 = arith.shrsi %squeeze3A_604, %shift_right_arithmetic3A_605 : i32
        %add3A_607 = arith.constant 80 : i32
        %add3A_608 = arith.addi %mul3A_31, %add3A_607 : i32
        %dma_start3A_609 = arith.constant 0 : i32
        %dma_start3A_610 = tpu.memref_slice %arg8[%add3A_608, %dma_start3A_609] : memref<256x64xf32, #tpu.memory_space<vmem>> -> memref<8x64xf32, #tpu.memory_space<vmem>>
        %dma_start3A_611 = arith.constant 0 : i32
        %dma_start3A_612 = arith.constant 0 : i32
        %dma_start3A_613 = tpu.memref_slice %arg2[%shift_right_arithmetic3A_598, %dma_start3A_611, %dma_start3A_612] : memref<125000x8x64xf32, #tpu.memory_space<hbm>> -> memref<1x8x64xf32, #tpu.memory_space<hbm>>
        %dma_start3A_614 = tpu.memref_squeeze %dma_start3A_613 : memref<1x8x64xf32, #tpu.memory_space<hbm>> -> memref<8x64xf32, #tpu.memory_space<hbm>>
        %dma_start3A_615 = tpu.memref_slice %arg15[%rem3A_29] : memref<2x!tpu.dma_semaphore, #tpu.memory_space<semaphore_mem>> -> memref<1x!tpu.dma_semaphore, #tpu.memory_space<semaphore_mem>>
        %dma_start3A_616 = tpu.memref_squeeze %dma_start3A_615 : memref<1x!tpu.dma_semaphore, #tpu.memory_space<semaphore_mem>> -> memref<!tpu.dma_semaphore, #tpu.memory_space<semaphore_mem>>
        %dma_start3A_617 = arith.constant 0 : i32
        %dma_start3A_618 = tpu.memref_slice %arg8[%add3A_608, %dma_start3A_617] : memref<256x64xf32, #tpu.memory_space<vmem>> -> memref<8x64xf32, #tpu.memory_space<vmem>>
        %dma_start3A_619 = arith.constant 0 : i32
        %dma_start3A_620 = arith.constant 0 : i32
        %dma_start3A_621 = tpu.memref_slice %arg2[%shift_right_arithmetic3A_598, %dma_start3A_619, %dma_start3A_620] : memref<125000x8x64xf32, #tpu.memory_space<hbm>> -> memref<1x8x64xf32, #tpu.memory_space<hbm>>
        %dma_start3A_622 = tpu.memref_squeeze %dma_start3A_621 : memref<1x8x64xf32, #tpu.memory_space<hbm>> -> memref<8x64xf32, #tpu.memory_space<hbm>>
        tpu.enqueue_dma source(%dma_start3A_622 : memref<8x64xf32, #tpu.memory_space<hbm>>) target(%dma_start3A_618 : memref<8x64xf32, #tpu.memory_space<vmem>>) target_semaphore(%dma_start3A_616 : memref<!tpu.dma_semaphore, #tpu.memory_space<semaphore_mem>>)
        %dma_start3A_623 = arith.constant 0 : i32
        %dma_start3A_624 = tpu.memref_slice %arg10[%add3A_608, %dma_start3A_623] : memref<256x64xf32, #tpu.memory_space<vmem>> -> memref<8x64xf32, #tpu.memory_space<vmem>>
        %dma_start3A_625 = arith.constant 0 : i32
        %dma_start3A_626 = arith.constant 0 : i32
        %dma_start3A_627 = tpu.memref_slice %arg2[%shift_right_arithmetic3A_602, %dma_start3A_625, %dma_start3A_626] : memref<125000x8x64xf32, #tpu.memory_space<hbm>> -> memref<1x8x64xf32, #tpu.memory_space<hbm>>
        %dma_start3A_628 = tpu.memref_squeeze %dma_start3A_627 : memref<1x8x64xf32, #tpu.memory_space<hbm>> -> memref<8x64xf32, #tpu.memory_space<hbm>>
        %dma_start3A_629 = tpu.memref_slice %arg15[%rem3A_29] : memref<2x!tpu.dma_semaphore, #tpu.memory_space<semaphore_mem>> -> memref<1x!tpu.dma_semaphore, #tpu.memory_space<semaphore_mem>>
        %dma_start3A_630 = tpu.memref_squeeze %dma_start3A_629 : memref<1x!tpu.dma_semaphore, #tpu.memory_space<semaphore_mem>> -> memref<!tpu.dma_semaphore, #tpu.memory_space<semaphore_mem>>
        %dma_start3A_631 = arith.constant 0 : i32
        %dma_start3A_632 = tpu.memref_slice %arg10[%add3A_608, %dma_start3A_631] : memref<256x64xf32, #tpu.memory_space<vmem>> -> memref<8x64xf32, #tpu.memory_space<vmem>>
        %dma_start3A_633 = arith.constant 0 : i32
        %dma_start3A_634 = arith.constant 0 : i32
        %dma_start3A_635 = tpu.memref_slice %arg2[%shift_right_arithmetic3A_602, %dma_start3A_633, %dma_start3A_634] : memref<125000x8x64xf32, #tpu.memory_space<hbm>> -> memref<1x8x64xf32, #tpu.memory_space<hbm>>
        %dma_start3A_636 = tpu.memref_squeeze %dma_start3A_635 : memref<1x8x64xf32, #tpu.memory_space<hbm>> -> memref<8x64xf32, #tpu.memory_space<hbm>>
        tpu.enqueue_dma source(%dma_start3A_636 : memref<8x64xf32, #tpu.memory_space<hbm>>) target(%dma_start3A_632 : memref<8x64xf32, #tpu.memory_space<vmem>>) target_semaphore(%dma_start3A_630 : memref<!tpu.dma_semaphore, #tpu.memory_space<semaphore_mem>>)
        %dma_start3A_637 = arith.constant 0 : i32
        %dma_start3A_638 = tpu.memref_slice %arg9[%add3A_608, %dma_start3A_637] : memref<256x64xf32, #tpu.memory_space<vmem>> -> memref<8x64xf32, #tpu.memory_space<vmem>>
        %dma_start3A_639 = arith.constant 0 : i32
        %dma_start3A_640 = arith.constant 0 : i32
        %dma_start3A_641 = tpu.memref_slice %arg3[%shift_right_arithmetic3A_606, %dma_start3A_639, %dma_start3A_640] : memref<125x8x64xf32, #tpu.memory_space<hbm>> -> memref<1x8x64xf32, #tpu.memory_space<hbm>>
        %dma_start3A_642 = tpu.memref_squeeze %dma_start3A_641 : memref<1x8x64xf32, #tpu.memory_space<hbm>> -> memref<8x64xf32, #tpu.memory_space<hbm>>
        %dma_start3A_643 = tpu.memref_slice %arg15[%rem3A_29] : memref<2x!tpu.dma_semaphore, #tpu.memory_space<semaphore_mem>> -> memref<1x!tpu.dma_semaphore, #tpu.memory_space<semaphore_mem>>
        %dma_start3A_644 = tpu.memref_squeeze %dma_start3A_643 : memref<1x!tpu.dma_semaphore, #tpu.memory_space<semaphore_mem>> -> memref<!tpu.dma_semaphore, #tpu.memory_space<semaphore_mem>>
        %dma_start3A_645 = arith.constant 0 : i32
        %dma_start3A_646 = tpu.memref_slice %arg9[%add3A_608, %dma_start3A_645] : memref<256x64xf32, #tpu.memory_space<vmem>> -> memref<8x64xf32, #tpu.memory_space<vmem>>
        %dma_start3A_647 = arith.constant 0 : i32
        %dma_start3A_648 = arith.constant 0 : i32
        %dma_start3A_649 = tpu.memref_slice %arg3[%shift_right_arithmetic3A_606, %dma_start3A_647, %dma_start3A_648] : memref<125x8x64xf32, #tpu.memory_space<hbm>> -> memref<1x8x64xf32, #tpu.memory_space<hbm>>
        %dma_start3A_650 = tpu.memref_squeeze %dma_start3A_649 : memref<1x8x64xf32, #tpu.memory_space<hbm>> -> memref<8x64xf32, #tpu.memory_space<hbm>>
        tpu.enqueue_dma source(%dma_start3A_650 : memref<8x64xf32, #tpu.memory_space<hbm>>) target(%dma_start3A_646 : memref<8x64xf32, #tpu.memory_space<vmem>>) target_semaphore(%dma_start3A_644 : memref<!tpu.dma_semaphore, #tpu.memory_space<semaphore_mem>>)
        %slice3A_651 = vector.extract_strided_slice %get3A_34 {offsets = [11], sizes = [1], strides = [1]} : vector<16xi32> to vector<1xi32>
        %squeeze3A_652 = vector.extract %slice3A_651[0] : i32 from vector<1xi32>
        %shift_right_arithmetic3A_653 = arith.constant 3 : i32
        %shift_right_arithmetic3A_654 = arith.shrsi %squeeze3A_652, %shift_right_arithmetic3A_653 : i32
        %slice3A_655 = vector.extract_strided_slice %get3A_38 {offsets = [11], sizes = [1], strides = [1]} : vector<16xi32> to vector<1xi32>
        %squeeze3A_656 = vector.extract %slice3A_655[0] : i32 from vector<1xi32>
        %shift_right_arithmetic3A_657 = arith.constant 3 : i32
        %shift_right_arithmetic3A_658 = arith.shrsi %squeeze3A_656, %shift_right_arithmetic3A_657 : i32
        %slice3A_659 = vector.extract_strided_slice %get3A_36 {offsets = [11], sizes = [1], strides = [1]} : vector<16xi32> to vector<1xi32>
        %squeeze3A_660 = vector.extract %slice3A_659[0] : i32 from vector<1xi32>
        %shift_right_arithmetic3A_661 = arith.constant 3 : i32
        %shift_right_arithmetic3A_662 = arith.shrsi %squeeze3A_660, %shift_right_arithmetic3A_661 : i32
        %add3A_663 = arith.constant 88 : i32
        %add3A_664 = arith.addi %mul3A_31, %add3A_663 : i32
        %dma_start3A_665 = arith.constant 0 : i32
        %dma_start3A_666 = tpu.memref_slice %arg8[%add3A_664, %dma_start3A_665] : memref<256x64xf32, #tpu.memory_space<vmem>> -> memref<8x64xf32, #tpu.memory_space<vmem>>
        %dma_start3A_667 = arith.constant 0 : i32
        %dma_start3A_668 = arith.constant 0 : i32
        %dma_start3A_669 = tpu.memref_slice %arg2[%shift_right_arithmetic3A_654, %dma_start3A_667, %dma_start3A_668] : memref<125000x8x64xf32, #tpu.memory_space<hbm>> -> memref<1x8x64xf32, #tpu.memory_space<hbm>>
        %dma_start3A_670 = tpu.memref_squeeze %dma_start3A_669 : memref<1x8x64xf32, #tpu.memory_space<hbm>> -> memref<8x64xf32, #tpu.memory_space<hbm>>
        %dma_start3A_671 = tpu.memref_slice %arg15[%rem3A_29] : memref<2x!tpu.dma_semaphore, #tpu.memory_space<semaphore_mem>> -> memref<1x!tpu.dma_semaphore, #tpu.memory_space<semaphore_mem>>
        %dma_start3A_672 = tpu.memref_squeeze %dma_start3A_671 : memref<1x!tpu.dma_semaphore, #tpu.memory_space<semaphore_mem>> -> memref<!tpu.dma_semaphore, #tpu.memory_space<semaphore_mem>>
        %dma_start3A_673 = arith.constant 0 : i32
        %dma_start3A_674 = tpu.memref_slice %arg8[%add3A_664, %dma_start3A_673] : memref<256x64xf32, #tpu.memory_space<vmem>> -> memref<8x64xf32, #tpu.memory_space<vmem>>
        %dma_start3A_675 = arith.constant 0 : i32
        %dma_start3A_676 = arith.constant 0 : i32
        %dma_start3A_677 = tpu.memref_slice %arg2[%shift_right_arithmetic3A_654, %dma_start3A_675, %dma_start3A_676] : memref<125000x8x64xf32, #tpu.memory_space<hbm>> -> memref<1x8x64xf32, #tpu.memory_space<hbm>>
        %dma_start3A_678 = tpu.memref_squeeze %dma_start3A_677 : memref<1x8x64xf32, #tpu.memory_space<hbm>> -> memref<8x64xf32, #tpu.memory_space<hbm>>
        tpu.enqueue_dma source(%dma_start3A_678 : memref<8x64xf32, #tpu.memory_space<hbm>>) target(%dma_start3A_674 : memref<8x64xf32, #tpu.memory_space<vmem>>) target_semaphore(%dma_start3A_672 : memref<!tpu.dma_semaphore, #tpu.memory_space<semaphore_mem>>)
        %dma_start3A_679 = arith.constant 0 : i32
        %dma_start3A_680 = tpu.memref_slice %arg10[%add3A_664, %dma_start3A_679] : memref<256x64xf32, #tpu.memory_space<vmem>> -> memref<8x64xf32, #tpu.memory_space<vmem>>
        %dma_start3A_681 = arith.constant 0 : i32
        %dma_start3A_682 = arith.constant 0 : i32
        %dma_start3A_683 = tpu.memref_slice %arg2[%shift_right_arithmetic3A_658, %dma_start3A_681, %dma_start3A_682] : memref<125000x8x64xf32, #tpu.memory_space<hbm>> -> memref<1x8x64xf32, #tpu.memory_space<hbm>>
        %dma_start3A_684 = tpu.memref_squeeze %dma_start3A_683 : memref<1x8x64xf32, #tpu.memory_space<hbm>> -> memref<8x64xf32, #tpu.memory_space<hbm>>
        %dma_start3A_685 = tpu.memref_slice %arg15[%rem3A_29] : memref<2x!tpu.dma_semaphore, #tpu.memory_space<semaphore_mem>> -> memref<1x!tpu.dma_semaphore, #tpu.memory_space<semaphore_mem>>
        %dma_start3A_686 = tpu.memref_squeeze %dma_start3A_685 : memref<1x!tpu.dma_semaphore, #tpu.memory_space<semaphore_mem>> -> memref<!tpu.dma_semaphore, #tpu.memory_space<semaphore_mem>>
        %dma_start3A_687 = arith.constant 0 : i32
        %dma_start3A_688 = tpu.memref_slice %arg10[%add3A_664, %dma_start3A_687] : memref<256x64xf32, #tpu.memory_space<vmem>> -> memref<8x64xf32, #tpu.memory_space<vmem>>
        %dma_start3A_689 = arith.constant 0 : i32
        %dma_start3A_690 = arith.constant 0 : i32
        %dma_start3A_691 = tpu.memref_slice %arg2[%shift_right_arithmetic3A_658, %dma_start3A_689, %dma_start3A_690] : memref<125000x8x64xf32, #tpu.memory_space<hbm>> -> memref<1x8x64xf32, #tpu.memory_space<hbm>>
        %dma_start3A_692 = tpu.memref_squeeze %dma_start3A_691 : memref<1x8x64xf32, #tpu.memory_space<hbm>> -> memref<8x64xf32, #tpu.memory_space<hbm>>
        tpu.enqueue_dma source(%dma_start3A_692 : memref<8x64xf32, #tpu.memory_space<hbm>>) target(%dma_start3A_688 : memref<8x64xf32, #tpu.memory_space<vmem>>) target_semaphore(%dma_start3A_686 : memref<!tpu.dma_semaphore, #tpu.memory_space<semaphore_mem>>)
        %dma_start3A_693 = arith.constant 0 : i32
        %dma_start3A_694 = tpu.memref_slice %arg9[%add3A_664, %dma_start3A_693] : memref<256x64xf32, #tpu.memory_space<vmem>> -> memref<8x64xf32, #tpu.memory_space<vmem>>
        %dma_start3A_695 = arith.constant 0 : i32
        %dma_start3A_696 = arith.constant 0 : i32
        %dma_start3A_697 = tpu.memref_slice %arg3[%shift_right_arithmetic3A_662, %dma_start3A_695, %dma_start3A_696] : memref<125x8x64xf32, #tpu.memory_space<hbm>> -> memref<1x8x64xf32, #tpu.memory_space<hbm>>
        %dma_start3A_698 = tpu.memref_squeeze %dma_start3A_697 : memref<1x8x64xf32, #tpu.memory_space<hbm>> -> memref<8x64xf32, #tpu.memory_space<hbm>>
        %dma_start3A_699 = tpu.memref_slice %arg15[%rem3A_29] : memref<2x!tpu.dma_semaphore, #tpu.memory_space<semaphore_mem>> -> memref<1x!tpu.dma_semaphore, #tpu.memory_space<semaphore_mem>>
        %dma_start3A_700 = tpu.memref_squeeze %dma_start3A_699 : memref<1x!tpu.dma_semaphore, #tpu.memory_space<semaphore_mem>> -> memref<!tpu.dma_semaphore, #tpu.memory_space<semaphore_mem>>
        %dma_start3A_701 = arith.constant 0 : i32
        %dma_start3A_702 = tpu.memref_slice %arg9[%add3A_664, %dma_start3A_701] : memref<256x64xf32, #tpu.memory_space<vmem>> -> memref<8x64xf32, #tpu.memory_space<vmem>>
        %dma_start3A_703 = arith.constant 0 : i32
        %dma_start3A_704 = arith.constant 0 : i32
        %dma_start3A_705 = tpu.memref_slice %arg3[%shift_right_arithmetic3A_662, %dma_start3A_703, %dma_start3A_704] : memref<125x8x64xf32, #tpu.memory_space<hbm>> -> memref<1x8x64xf32, #tpu.memory_space<hbm>>
        %dma_start3A_706 = tpu.memref_squeeze %dma_start3A_705 : memref<1x8x64xf32, #tpu.memory_space<hbm>> -> memref<8x64xf32, #tpu.memory_space<hbm>>
        tpu.enqueue_dma source(%dma_start3A_706 : memref<8x64xf32, #tpu.memory_space<hbm>>) target(%dma_start3A_702 : memref<8x64xf32, #tpu.memory_space<vmem>>) target_semaphore(%dma_start3A_700 : memref<!tpu.dma_semaphore, #tpu.memory_space<semaphore_mem>>)
        %slice3A_707 = vector.extract_strided_slice %get3A_34 {offsets = [12], sizes = [1], strides = [1]} : vector<16xi32> to vector<1xi32>
        %squeeze3A_708 = vector.extract %slice3A_707[0] : i32 from vector<1xi32>
        %shift_right_arithmetic3A_709 = arith.constant 3 : i32
        %shift_right_arithmetic3A_710 = arith.shrsi %squeeze3A_708, %shift_right_arithmetic3A_709 : i32
        %slice3A_711 = vector.extract_strided_slice %get3A_38 {offsets = [12], sizes = [1], strides = [1]} : vector<16xi32> to vector<1xi32>
        %squeeze3A_712 = vector.extract %slice3A_711[0] : i32 from vector<1xi32>
        %shift_right_arithmetic3A_713 = arith.constant 3 : i32
        %shift_right_arithmetic3A_714 = arith.shrsi %squeeze3A_712, %shift_right_arithmetic3A_713 : i32
        %slice3A_715 = vector.extract_strided_slice %get3A_36 {offsets = [12], sizes = [1], strides = [1]} : vector<16xi32> to vector<1xi32>
        %squeeze3A_716 = vector.extract %slice3A_715[0] : i32 from vector<1xi32>
        %shift_right_arithmetic3A_717 = arith.constant 3 : i32
        %shift_right_arithmetic3A_718 = arith.shrsi %squeeze3A_716, %shift_right_arithmetic3A_717 : i32
        %add3A_719 = arith.constant 96 : i32
        %add3A_720 = arith.addi %mul3A_31, %add3A_719 : i32
        %dma_start3A_721 = arith.constant 0 : i32
        %dma_start3A_722 = tpu.memref_slice %arg8[%add3A_720, %dma_start3A_721] : memref<256x64xf32, #tpu.memory_space<vmem>> -> memref<8x64xf32, #tpu.memory_space<vmem>>
        %dma_start3A_723 = arith.constant 0 : i32
        %dma_start3A_724 = arith.constant 0 : i32
        %dma_start3A_725 = tpu.memref_slice %arg2[%shift_right_arithmetic3A_710, %dma_start3A_723, %dma_start3A_724] : memref<125000x8x64xf32, #tpu.memory_space<hbm>> -> memref<1x8x64xf32, #tpu.memory_space<hbm>>
        %dma_start3A_726 = tpu.memref_squeeze %dma_start3A_725 : memref<1x8x64xf32, #tpu.memory_space<hbm>> -> memref<8x64xf32, #tpu.memory_space<hbm>>
        %dma_start3A_727 = tpu.memref_slice %arg15[%rem3A_29] : memref<2x!tpu.dma_semaphore, #tpu.memory_space<semaphore_mem>> -> memref<1x!tpu.dma_semaphore, #tpu.memory_space<semaphore_mem>>
        %dma_start3A_728 = tpu.memref_squeeze %dma_start3A_727 : memref<1x!tpu.dma_semaphore, #tpu.memory_space<semaphore_mem>> -> memref<!tpu.dma_semaphore, #tpu.memory_space<semaphore_mem>>
        %dma_start3A_729 = arith.constant 0 : i32
        %dma_start3A_730 = tpu.memref_slice %arg8[%add3A_720, %dma_start3A_729] : memref<256x64xf32, #tpu.memory_space<vmem>> -> memref<8x64xf32, #tpu.memory_space<vmem>>
        %dma_start3A_731 = arith.constant 0 : i32
        %dma_start3A_732 = arith.constant 0 : i32
        %dma_start3A_733 = tpu.memref_slice %arg2[%shift_right_arithmetic3A_710, %dma_start3A_731, %dma_start3A_732] : memref<125000x8x64xf32, #tpu.memory_space<hbm>> -> memref<1x8x64xf32, #tpu.memory_space<hbm>>
        %dma_start3A_734 = tpu.memref_squeeze %dma_start3A_733 : memref<1x8x64xf32, #tpu.memory_space<hbm>> -> memref<8x64xf32, #tpu.memory_space<hbm>>
        tpu.enqueue_dma source(%dma_start3A_734 : memref<8x64xf32, #tpu.memory_space<hbm>>) target(%dma_start3A_730 : memref<8x64xf32, #tpu.memory_space<vmem>>) target_semaphore(%dma_start3A_728 : memref<!tpu.dma_semaphore, #tpu.memory_space<semaphore_mem>>)
        %dma_start3A_735 = arith.constant 0 : i32
        %dma_start3A_736 = tpu.memref_slice %arg10[%add3A_720, %dma_start3A_735] : memref<256x64xf32, #tpu.memory_space<vmem>> -> memref<8x64xf32, #tpu.memory_space<vmem>>
        %dma_start3A_737 = arith.constant 0 : i32
        %dma_start3A_738 = arith.constant 0 : i32
        %dma_start3A_739 = tpu.memref_slice %arg2[%shift_right_arithmetic3A_714, %dma_start3A_737, %dma_start3A_738] : memref<125000x8x64xf32, #tpu.memory_space<hbm>> -> memref<1x8x64xf32, #tpu.memory_space<hbm>>
        %dma_start3A_740 = tpu.memref_squeeze %dma_start3A_739 : memref<1x8x64xf32, #tpu.memory_space<hbm>> -> memref<8x64xf32, #tpu.memory_space<hbm>>
        %dma_start3A_741 = tpu.memref_slice %arg15[%rem3A_29] : memref<2x!tpu.dma_semaphore, #tpu.memory_space<semaphore_mem>> -> memref<1x!tpu.dma_semaphore, #tpu.memory_space<semaphore_mem>>
        %dma_start3A_742 = tpu.memref_squeeze %dma_start3A_741 : memref<1x!tpu.dma_semaphore, #tpu.memory_space<semaphore_mem>> -> memref<!tpu.dma_semaphore, #tpu.memory_space<semaphore_mem>>
        %dma_start3A_743 = arith.constant 0 : i32
        %dma_start3A_744 = tpu.memref_slice %arg10[%add3A_720, %dma_start3A_743] : memref<256x64xf32, #tpu.memory_space<vmem>> -> memref<8x64xf32, #tpu.memory_space<vmem>>
        %dma_start3A_745 = arith.constant 0 : i32
        %dma_start3A_746 = arith.constant 0 : i32
        %dma_start3A_747 = tpu.memref_slice %arg2[%shift_right_arithmetic3A_714, %dma_start3A_745, %dma_start3A_746] : memref<125000x8x64xf32, #tpu.memory_space<hbm>> -> memref<1x8x64xf32, #tpu.memory_space<hbm>>
        %dma_start3A_748 = tpu.memref_squeeze %dma_start3A_747 : memref<1x8x64xf32, #tpu.memory_space<hbm>> -> memref<8x64xf32, #tpu.memory_space<hbm>>
        tpu.enqueue_dma source(%dma_start3A_748 : memref<8x64xf32, #tpu.memory_space<hbm>>) target(%dma_start3A_744 : memref<8x64xf32, #tpu.memory_space<vmem>>) target_semaphore(%dma_start3A_742 : memref<!tpu.dma_semaphore, #tpu.memory_space<semaphore_mem>>)
        %dma_start3A_749 = arith.constant 0 : i32
        %dma_start3A_750 = tpu.memref_slice %arg9[%add3A_720, %dma_start3A_749] : memref<256x64xf32, #tpu.memory_space<vmem>> -> memref<8x64xf32, #tpu.memory_space<vmem>>
        %dma_start3A_751 = arith.constant 0 : i32
        %dma_start3A_752 = arith.constant 0 : i32
        %dma_start3A_753 = tpu.memref_slice %arg3[%shift_right_arithmetic3A_718, %dma_start3A_751, %dma_start3A_752] : memref<125x8x64xf32, #tpu.memory_space<hbm>> -> memref<1x8x64xf32, #tpu.memory_space<hbm>>
        %dma_start3A_754 = tpu.memref_squeeze %dma_start3A_753 : memref<1x8x64xf32, #tpu.memory_space<hbm>> -> memref<8x64xf32, #tpu.memory_space<hbm>>
        %dma_start3A_755 = tpu.memref_slice %arg15[%rem3A_29] : memref<2x!tpu.dma_semaphore, #tpu.memory_space<semaphore_mem>> -> memref<1x!tpu.dma_semaphore, #tpu.memory_space<semaphore_mem>>
        %dma_start3A_756 = tpu.memref_squeeze %dma_start3A_755 : memref<1x!tpu.dma_semaphore, #tpu.memory_space<semaphore_mem>> -> memref<!tpu.dma_semaphore, #tpu.memory_space<semaphore_mem>>
        %dma_start3A_757 = arith.constant 0 : i32
        %dma_start3A_758 = tpu.memref_slice %arg9[%add3A_720, %dma_start3A_757] : memref<256x64xf32, #tpu.memory_space<vmem>> -> memref<8x64xf32, #tpu.memory_space<vmem>>
        %dma_start3A_759 = arith.constant 0 : i32
        %dma_start3A_760 = arith.constant 0 : i32
        %dma_start3A_761 = tpu.memref_slice %arg3[%shift_right_arithmetic3A_718, %dma_start3A_759, %dma_start3A_760] : memref<125x8x64xf32, #tpu.memory_space<hbm>> -> memref<1x8x64xf32, #tpu.memory_space<hbm>>
        %dma_start3A_762 = tpu.memref_squeeze %dma_start3A_761 : memref<1x8x64xf32, #tpu.memory_space<hbm>> -> memref<8x64xf32, #tpu.memory_space<hbm>>
        tpu.enqueue_dma source(%dma_start3A_762 : memref<8x64xf32, #tpu.memory_space<hbm>>) target(%dma_start3A_758 : memref<8x64xf32, #tpu.memory_space<vmem>>) target_semaphore(%dma_start3A_756 : memref<!tpu.dma_semaphore, #tpu.memory_space<semaphore_mem>>)
        %slice3A_763 = vector.extract_strided_slice %get3A_34 {offsets = [13], sizes = [1], strides = [1]} : vector<16xi32> to vector<1xi32>
        %squeeze3A_764 = vector.extract %slice3A_763[0] : i32 from vector<1xi32>
        %shift_right_arithmetic3A_765 = arith.constant 3 : i32
        %shift_right_arithmetic3A_766 = arith.shrsi %squeeze3A_764, %shift_right_arithmetic3A_765 : i32
        %slice3A_767 = vector.extract_strided_slice %get3A_38 {offsets = [13], sizes = [1], strides = [1]} : vector<16xi32> to vector<1xi32>
        %squeeze3A_768 = vector.extract %slice3A_767[0] : i32 from vector<1xi32>
        %shift_right_arithmetic3A_769 = arith.constant 3 : i32
        %shift_right_arithmetic3A_770 = arith.shrsi %squeeze3A_768, %shift_right_arithmetic3A_769 : i32
        %slice3A_771 = vector.extract_strided_slice %get3A_36 {offsets = [13], sizes = [1], strides = [1]} : vector<16xi32> to vector<1xi32>
        %squeeze3A_772 = vector.extract %slice3A_771[0] : i32 from vector<1xi32>
        %shift_right_arithmetic3A_773 = arith.constant 3 : i32
        %shift_right_arithmetic3A_774 = arith.shrsi %squeeze3A_772, %shift_right_arithmetic3A_773 : i32
        %add3A_775 = arith.constant 104 : i32
        %add3A_776 = arith.addi %mul3A_31, %add3A_775 : i32
        %dma_start3A_777 = arith.constant 0 : i32
        %dma_start3A_778 = tpu.memref_slice %arg8[%add3A_776, %dma_start3A_777] : memref<256x64xf32, #tpu.memory_space<vmem>> -> memref<8x64xf32, #tpu.memory_space<vmem>>
        %dma_start3A_779 = arith.constant 0 : i32
        %dma_start3A_780 = arith.constant 0 : i32
        %dma_start3A_781 = tpu.memref_slice %arg2[%shift_right_arithmetic3A_766, %dma_start3A_779, %dma_start3A_780] : memref<125000x8x64xf32, #tpu.memory_space<hbm>> -> memref<1x8x64xf32, #tpu.memory_space<hbm>>
        %dma_start3A_782 = tpu.memref_squeeze %dma_start3A_781 : memref<1x8x64xf32, #tpu.memory_space<hbm>> -> memref<8x64xf32, #tpu.memory_space<hbm>>
        %dma_start3A_783 = tpu.memref_slice %arg15[%rem3A_29] : memref<2x!tpu.dma_semaphore, #tpu.memory_space<semaphore_mem>> -> memref<1x!tpu.dma_semaphore, #tpu.memory_space<semaphore_mem>>
        %dma_start3A_784 = tpu.memref_squeeze %dma_start3A_783 : memref<1x!tpu.dma_semaphore, #tpu.memory_space<semaphore_mem>> -> memref<!tpu.dma_semaphore, #tpu.memory_space<semaphore_mem>>
        %dma_start3A_785 = arith.constant 0 : i32
        %dma_start3A_786 = tpu.memref_slice %arg8[%add3A_776, %dma_start3A_785] : memref<256x64xf32, #tpu.memory_space<vmem>> -> memref<8x64xf32, #tpu.memory_space<vmem>>
        %dma_start3A_787 = arith.constant 0 : i32
        %dma_start3A_788 = arith.constant 0 : i32
        %dma_start3A_789 = tpu.memref_slice %arg2[%shift_right_arithmetic3A_766, %dma_start3A_787, %dma_start3A_788] : memref<125000x8x64xf32, #tpu.memory_space<hbm>> -> memref<1x8x64xf32, #tpu.memory_space<hbm>>
        %dma_start3A_790 = tpu.memref_squeeze %dma_start3A_789 : memref<1x8x64xf32, #tpu.memory_space<hbm>> -> memref<8x64xf32, #tpu.memory_space<hbm>>
        tpu.enqueue_dma source(%dma_start3A_790 : memref<8x64xf32, #tpu.memory_space<hbm>>) target(%dma_start3A_786 : memref<8x64xf32, #tpu.memory_space<vmem>>) target_semaphore(%dma_start3A_784 : memref<!tpu.dma_semaphore, #tpu.memory_space<semaphore_mem>>)
        %dma_start3A_791 = arith.constant 0 : i32
        %dma_start3A_792 = tpu.memref_slice %arg10[%add3A_776, %dma_start3A_791] : memref<256x64xf32, #tpu.memory_space<vmem>> -> memref<8x64xf32, #tpu.memory_space<vmem>>
        %dma_start3A_793 = arith.constant 0 : i32
        %dma_start3A_794 = arith.constant 0 : i32
        %dma_start3A_795 = tpu.memref_slice %arg2[%shift_right_arithmetic3A_770, %dma_start3A_793, %dma_start3A_794] : memref<125000x8x64xf32, #tpu.memory_space<hbm>> -> memref<1x8x64xf32, #tpu.memory_space<hbm>>
        %dma_start3A_796 = tpu.memref_squeeze %dma_start3A_795 : memref<1x8x64xf32, #tpu.memory_space<hbm>> -> memref<8x64xf32, #tpu.memory_space<hbm>>
        %dma_start3A_797 = tpu.memref_slice %arg15[%rem3A_29] : memref<2x!tpu.dma_semaphore, #tpu.memory_space<semaphore_mem>> -> memref<1x!tpu.dma_semaphore, #tpu.memory_space<semaphore_mem>>
        %dma_start3A_798 = tpu.memref_squeeze %dma_start3A_797 : memref<1x!tpu.dma_semaphore, #tpu.memory_space<semaphore_mem>> -> memref<!tpu.dma_semaphore, #tpu.memory_space<semaphore_mem>>
        %dma_start3A_799 = arith.constant 0 : i32
        %dma_start3A_800 = tpu.memref_slice %arg10[%add3A_776, %dma_start3A_799] : memref<256x64xf32, #tpu.memory_space<vmem>> -> memref<8x64xf32, #tpu.memory_space<vmem>>
        %dma_start3A_801 = arith.constant 0 : i32
        %dma_start3A_802 = arith.constant 0 : i32
        %dma_start3A_803 = tpu.memref_slice %arg2[%shift_right_arithmetic3A_770, %dma_start3A_801, %dma_start3A_802] : memref<125000x8x64xf32, #tpu.memory_space<hbm>> -> memref<1x8x64xf32, #tpu.memory_space<hbm>>
        %dma_start3A_804 = tpu.memref_squeeze %dma_start3A_803 : memref<1x8x64xf32, #tpu.memory_space<hbm>> -> memref<8x64xf32, #tpu.memory_space<hbm>>
        tpu.enqueue_dma source(%dma_start3A_804 : memref<8x64xf32, #tpu.memory_space<hbm>>) target(%dma_start3A_800 : memref<8x64xf32, #tpu.memory_space<vmem>>) target_semaphore(%dma_start3A_798 : memref<!tpu.dma_semaphore, #tpu.memory_space<semaphore_mem>>)
        %dma_start3A_805 = arith.constant 0 : i32
        %dma_start3A_806 = tpu.memref_slice %arg9[%add3A_776, %dma_start3A_805] : memref<256x64xf32, #tpu.memory_space<vmem>> -> memref<8x64xf32, #tpu.memory_space<vmem>>
        %dma_start3A_807 = arith.constant 0 : i32
        %dma_start3A_808 = arith.constant 0 : i32
        %dma_start3A_809 = tpu.memref_slice %arg3[%shift_right_arithmetic3A_774, %dma_start3A_807, %dma_start3A_808] : memref<125x8x64xf32, #tpu.memory_space<hbm>> -> memref<1x8x64xf32, #tpu.memory_space<hbm>>
        %dma_start3A_810 = tpu.memref_squeeze %dma_start3A_809 : memref<1x8x64xf32, #tpu.memory_space<hbm>> -> memref<8x64xf32, #tpu.memory_space<hbm>>
        %dma_start3A_811 = tpu.memref_slice %arg15[%rem3A_29] : memref<2x!tpu.dma_semaphore, #tpu.memory_space<semaphore_mem>> -> memref<1x!tpu.dma_semaphore, #tpu.memory_space<semaphore_mem>>
        %dma_start3A_812 = tpu.memref_squeeze %dma_start3A_811 : memref<1x!tpu.dma_semaphore, #tpu.memory_space<semaphore_mem>> -> memref<!tpu.dma_semaphore, #tpu.memory_space<semaphore_mem>>
        %dma_start3A_813 = arith.constant 0 : i32
        %dma_start3A_814 = tpu.memref_slice %arg9[%add3A_776, %dma_start3A_813] : memref<256x64xf32, #tpu.memory_space<vmem>> -> memref<8x64xf32, #tpu.memory_space<vmem>>
        %dma_start3A_815 = arith.constant 0 : i32
        %dma_start3A_816 = arith.constant 0 : i32
        %dma_start3A_817 = tpu.memref_slice %arg3[%shift_right_arithmetic3A_774, %dma_start3A_815, %dma_start3A_816] : memref<125x8x64xf32, #tpu.memory_space<hbm>> -> memref<1x8x64xf32, #tpu.memory_space<hbm>>
        %dma_start3A_818 = tpu.memref_squeeze %dma_start3A_817 : memref<1x8x64xf32, #tpu.memory_space<hbm>> -> memref<8x64xf32, #tpu.memory_space<hbm>>
        tpu.enqueue_dma source(%dma_start3A_818 : memref<8x64xf32, #tpu.memory_space<hbm>>) target(%dma_start3A_814 : memref<8x64xf32, #tpu.memory_space<vmem>>) target_semaphore(%dma_start3A_812 : memref<!tpu.dma_semaphore, #tpu.memory_space<semaphore_mem>>)
        %slice3A_819 = vector.extract_strided_slice %get3A_34 {offsets = [14], sizes = [1], strides = [1]} : vector<16xi32> to vector<1xi32>
        %squeeze3A_820 = vector.extract %slice3A_819[0] : i32 from vector<1xi32>
        %shift_right_arithmetic3A_821 = arith.constant 3 : i32
        %shift_right_arithmetic3A_822 = arith.shrsi %squeeze3A_820, %shift_right_arithmetic3A_821 : i32
        %slice3A_823 = vector.extract_strided_slice %get3A_38 {offsets = [14], sizes = [1], strides = [1]} : vector<16xi32> to vector<1xi32>
        %squeeze3A_824 = vector.extract %slice3A_823[0] : i32 from vector<1xi32>
        %shift_right_arithmetic3A_825 = arith.constant 3 : i32
        %shift_right_arithmetic3A_826 = arith.shrsi %squeeze3A_824, %shift_right_arithmetic3A_825 : i32
        %slice3A_827 = vector.extract_strided_slice %get3A_36 {offsets = [14], sizes = [1], strides = [1]} : vector<16xi32> to vector<1xi32>
        %squeeze3A_828 = vector.extract %slice3A_827[0] : i32 from vector<1xi32>
        %shift_right_arithmetic3A_829 = arith.constant 3 : i32
        %shift_right_arithmetic3A_830 = arith.shrsi %squeeze3A_828, %shift_right_arithmetic3A_829 : i32
        %add3A_831 = arith.constant 112 : i32
        %add3A_832 = arith.addi %mul3A_31, %add3A_831 : i32
        %dma_start3A_833 = arith.constant 0 : i32
        %dma_start3A_834 = tpu.memref_slice %arg8[%add3A_832, %dma_start3A_833] : memref<256x64xf32, #tpu.memory_space<vmem>> -> memref<8x64xf32, #tpu.memory_space<vmem>>
        %dma_start3A_835 = arith.constant 0 : i32
        %dma_start3A_836 = arith.constant 0 : i32
        %dma_start3A_837 = tpu.memref_slice %arg2[%shift_right_arithmetic3A_822, %dma_start3A_835, %dma_start3A_836] : memref<125000x8x64xf32, #tpu.memory_space<hbm>> -> memref<1x8x64xf32, #tpu.memory_space<hbm>>
        %dma_start3A_838 = tpu.memref_squeeze %dma_start3A_837 : memref<1x8x64xf32, #tpu.memory_space<hbm>> -> memref<8x64xf32, #tpu.memory_space<hbm>>
        %dma_start3A_839 = tpu.memref_slice %arg15[%rem3A_29] : memref<2x!tpu.dma_semaphore, #tpu.memory_space<semaphore_mem>> -> memref<1x!tpu.dma_semaphore, #tpu.memory_space<semaphore_mem>>
        %dma_start3A_840 = tpu.memref_squeeze %dma_start3A_839 : memref<1x!tpu.dma_semaphore, #tpu.memory_space<semaphore_mem>> -> memref<!tpu.dma_semaphore, #tpu.memory_space<semaphore_mem>>
        %dma_start3A_841 = arith.constant 0 : i32
        %dma_start3A_842 = tpu.memref_slice %arg8[%add3A_832, %dma_start3A_841] : memref<256x64xf32, #tpu.memory_space<vmem>> -> memref<8x64xf32, #tpu.memory_space<vmem>>
        %dma_start3A_843 = arith.constant 0 : i32
        %dma_start3A_844 = arith.constant 0 : i32
        %dma_start3A_845 = tpu.memref_slice %arg2[%shift_right_arithmetic3A_822, %dma_start3A_843, %dma_start3A_844] : memref<125000x8x64xf32, #tpu.memory_space<hbm>> -> memref<1x8x64xf32, #tpu.memory_space<hbm>>
        %dma_start3A_846 = tpu.memref_squeeze %dma_start3A_845 : memref<1x8x64xf32, #tpu.memory_space<hbm>> -> memref<8x64xf32, #tpu.memory_space<hbm>>
        tpu.enqueue_dma source(%dma_start3A_846 : memref<8x64xf32, #tpu.memory_space<hbm>>) target(%dma_start3A_842 : memref<8x64xf32, #tpu.memory_space<vmem>>) target_semaphore(%dma_start3A_840 : memref<!tpu.dma_semaphore, #tpu.memory_space<semaphore_mem>>)
        %dma_start3A_847 = arith.constant 0 : i32
        %dma_start3A_848 = tpu.memref_slice %arg10[%add3A_832, %dma_start3A_847] : memref<256x64xf32, #tpu.memory_space<vmem>> -> memref<8x64xf32, #tpu.memory_space<vmem>>
        %dma_start3A_849 = arith.constant 0 : i32
        %dma_start3A_850 = arith.constant 0 : i32
        %dma_start3A_851 = tpu.memref_slice %arg2[%shift_right_arithmetic3A_826, %dma_start3A_849, %dma_start3A_850] : memref<125000x8x64xf32, #tpu.memory_space<hbm>> -> memref<1x8x64xf32, #tpu.memory_space<hbm>>
        %dma_start3A_852 = tpu.memref_squeeze %dma_start3A_851 : memref<1x8x64xf32, #tpu.memory_space<hbm>> -> memref<8x64xf32, #tpu.memory_space<hbm>>
        %dma_start3A_853 = tpu.memref_slice %arg15[%rem3A_29] : memref<2x!tpu.dma_semaphore, #tpu.memory_space<semaphore_mem>> -> memref<1x!tpu.dma_semaphore, #tpu.memory_space<semaphore_mem>>
        %dma_start3A_854 = tpu.memref_squeeze %dma_start3A_853 : memref<1x!tpu.dma_semaphore, #tpu.memory_space<semaphore_mem>> -> memref<!tpu.dma_semaphore, #tpu.memory_space<semaphore_mem>>
        %dma_start3A_855 = arith.constant 0 : i32
        %dma_start3A_856 = tpu.memref_slice %arg10[%add3A_832, %dma_start3A_855] : memref<256x64xf32, #tpu.memory_space<vmem>> -> memref<8x64xf32, #tpu.memory_space<vmem>>
        %dma_start3A_857 = arith.constant 0 : i32
        %dma_start3A_858 = arith.constant 0 : i32
        %dma_start3A_859 = tpu.memref_slice %arg2[%shift_right_arithmetic3A_826, %dma_start3A_857, %dma_start3A_858] : memref<125000x8x64xf32, #tpu.memory_space<hbm>> -> memref<1x8x64xf32, #tpu.memory_space<hbm>>
        %dma_start3A_860 = tpu.memref_squeeze %dma_start3A_859 : memref<1x8x64xf32, #tpu.memory_space<hbm>> -> memref<8x64xf32, #tpu.memory_space<hbm>>
        tpu.enqueue_dma source(%dma_start3A_860 : memref<8x64xf32, #tpu.memory_space<hbm>>) target(%dma_start3A_856 : memref<8x64xf32, #tpu.memory_space<vmem>>) target_semaphore(%dma_start3A_854 : memref<!tpu.dma_semaphore, #tpu.memory_space<semaphore_mem>>)
        %dma_start3A_861 = arith.constant 0 : i32
        %dma_start3A_862 = tpu.memref_slice %arg9[%add3A_832, %dma_start3A_861] : memref<256x64xf32, #tpu.memory_space<vmem>> -> memref<8x64xf32, #tpu.memory_space<vmem>>
        %dma_start3A_863 = arith.constant 0 : i32
        %dma_start3A_864 = arith.constant 0 : i32
        %dma_start3A_865 = tpu.memref_slice %arg3[%shift_right_arithmetic3A_830, %dma_start3A_863, %dma_start3A_864] : memref<125x8x64xf32, #tpu.memory_space<hbm>> -> memref<1x8x64xf32, #tpu.memory_space<hbm>>
        %dma_start3A_866 = tpu.memref_squeeze %dma_start3A_865 : memref<1x8x64xf32, #tpu.memory_space<hbm>> -> memref<8x64xf32, #tpu.memory_space<hbm>>
        %dma_start3A_867 = tpu.memref_slice %arg15[%rem3A_29] : memref<2x!tpu.dma_semaphore, #tpu.memory_space<semaphore_mem>> -> memref<1x!tpu.dma_semaphore, #tpu.memory_space<semaphore_mem>>
        %dma_start3A_868 = tpu.memref_squeeze %dma_start3A_867 : memref<1x!tpu.dma_semaphore, #tpu.memory_space<semaphore_mem>> -> memref<!tpu.dma_semaphore, #tpu.memory_space<semaphore_mem>>
        %dma_start3A_869 = arith.constant 0 : i32
        %dma_start3A_870 = tpu.memref_slice %arg9[%add3A_832, %dma_start3A_869] : memref<256x64xf32, #tpu.memory_space<vmem>> -> memref<8x64xf32, #tpu.memory_space<vmem>>
        %dma_start3A_871 = arith.constant 0 : i32
        %dma_start3A_872 = arith.constant 0 : i32
        %dma_start3A_873 = tpu.memref_slice %arg3[%shift_right_arithmetic3A_830, %dma_start3A_871, %dma_start3A_872] : memref<125x8x64xf32, #tpu.memory_space<hbm>> -> memref<1x8x64xf32, #tpu.memory_space<hbm>>
        %dma_start3A_874 = tpu.memref_squeeze %dma_start3A_873 : memref<1x8x64xf32, #tpu.memory_space<hbm>> -> memref<8x64xf32, #tpu.memory_space<hbm>>
        tpu.enqueue_dma source(%dma_start3A_874 : memref<8x64xf32, #tpu.memory_space<hbm>>) target(%dma_start3A_870 : memref<8x64xf32, #tpu.memory_space<vmem>>) target_semaphore(%dma_start3A_868 : memref<!tpu.dma_semaphore, #tpu.memory_space<semaphore_mem>>)
        %slice3A_875 = vector.extract_strided_slice %get3A_34 {offsets = [15], sizes = [1], strides = [1]} : vector<16xi32> to vector<1xi32>
        %squeeze3A_876 = vector.extract %slice3A_875[0] : i32 from vector<1xi32>
        %shift_right_arithmetic3A_877 = arith.constant 3 : i32
        %shift_right_arithmetic3A_878 = arith.shrsi %squeeze3A_876, %shift_right_arithmetic3A_877 : i32
        %slice3A_879 = vector.extract_strided_slice %get3A_38 {offsets = [15], sizes = [1], strides = [1]} : vector<16xi32> to vector<1xi32>
        %squeeze3A_880 = vector.extract %slice3A_879[0] : i32 from vector<1xi32>
        %shift_right_arithmetic3A_881 = arith.constant 3 : i32
        %shift_right_arithmetic3A_882 = arith.shrsi %squeeze3A_880, %shift_right_arithmetic3A_881 : i32
        %slice3A_883 = vector.extract_strided_slice %get3A_36 {offsets = [15], sizes = [1], strides = [1]} : vector<16xi32> to vector<1xi32>
        %squeeze3A_884 = vector.extract %slice3A_883[0] : i32 from vector<1xi32>
        %shift_right_arithmetic3A_885 = arith.constant 3 : i32
        %shift_right_arithmetic3A_886 = arith.shrsi %squeeze3A_884, %shift_right_arithmetic3A_885 : i32
        %add3A_887 = arith.constant 120 : i32
        %add3A_888 = arith.addi %mul3A_31, %add3A_887 : i32
        %dma_start3A_889 = arith.constant 0 : i32
        %dma_start3A_890 = tpu.memref_slice %arg8[%add3A_888, %dma_start3A_889] : memref<256x64xf32, #tpu.memory_space<vmem>> -> memref<8x64xf32, #tpu.memory_space<vmem>>
        %dma_start3A_891 = arith.constant 0 : i32
        %dma_start3A_892 = arith.constant 0 : i32
        %dma_start3A_893 = tpu.memref_slice %arg2[%shift_right_arithmetic3A_878, %dma_start3A_891, %dma_start3A_892] : memref<125000x8x64xf32, #tpu.memory_space<hbm>> -> memref<1x8x64xf32, #tpu.memory_space<hbm>>
        %dma_start3A_894 = tpu.memref_squeeze %dma_start3A_893 : memref<1x8x64xf32, #tpu.memory_space<hbm>> -> memref<8x64xf32, #tpu.memory_space<hbm>>
        %dma_start3A_895 = tpu.memref_slice %arg15[%rem3A_29] : memref<2x!tpu.dma_semaphore, #tpu.memory_space<semaphore_mem>> -> memref<1x!tpu.dma_semaphore, #tpu.memory_space<semaphore_mem>>
        %dma_start3A_896 = tpu.memref_squeeze %dma_start3A_895 : memref<1x!tpu.dma_semaphore, #tpu.memory_space<semaphore_mem>> -> memref<!tpu.dma_semaphore, #tpu.memory_space<semaphore_mem>>
        %dma_start3A_897 = arith.constant 0 : i32
        %dma_start3A_898 = tpu.memref_slice %arg8[%add3A_888, %dma_start3A_897] : memref<256x64xf32, #tpu.memory_space<vmem>> -> memref<8x64xf32, #tpu.memory_space<vmem>>
        %dma_start3A_899 = arith.constant 0 : i32
        %dma_start3A_900 = arith.constant 0 : i32
        %dma_start3A_901 = tpu.memref_slice %arg2[%shift_right_arithmetic3A_878, %dma_start3A_899, %dma_start3A_900] : memref<125000x8x64xf32, #tpu.memory_space<hbm>> -> memref<1x8x64xf32, #tpu.memory_space<hbm>>
        %dma_start3A_902 = tpu.memref_squeeze %dma_start3A_901 : memref<1x8x64xf32, #tpu.memory_space<hbm>> -> memref<8x64xf32, #tpu.memory_space<hbm>>
        tpu.enqueue_dma source(%dma_start3A_902 : memref<8x64xf32, #tpu.memory_space<hbm>>) target(%dma_start3A_898 : memref<8x64xf32, #tpu.memory_space<vmem>>) target_semaphore(%dma_start3A_896 : memref<!tpu.dma_semaphore, #tpu.memory_space<semaphore_mem>>)
        %dma_start3A_903 = arith.constant 0 : i32
        %dma_start3A_904 = tpu.memref_slice %arg10[%add3A_888, %dma_start3A_903] : memref<256x64xf32, #tpu.memory_space<vmem>> -> memref<8x64xf32, #tpu.memory_space<vmem>>
        %dma_start3A_905 = arith.constant 0 : i32
        %dma_start3A_906 = arith.constant 0 : i32
        %dma_start3A_907 = tpu.memref_slice %arg2[%shift_right_arithmetic3A_882, %dma_start3A_905, %dma_start3A_906] : memref<125000x8x64xf32, #tpu.memory_space<hbm>> -> memref<1x8x64xf32, #tpu.memory_space<hbm>>
        %dma_start3A_908 = tpu.memref_squeeze %dma_start3A_907 : memref<1x8x64xf32, #tpu.memory_space<hbm>> -> memref<8x64xf32, #tpu.memory_space<hbm>>
        %dma_start3A_909 = tpu.memref_slice %arg15[%rem3A_29] : memref<2x!tpu.dma_semaphore, #tpu.memory_space<semaphore_mem>> -> memref<1x!tpu.dma_semaphore, #tpu.memory_space<semaphore_mem>>
        %dma_start3A_910 = tpu.memref_squeeze %dma_start3A_909 : memref<1x!tpu.dma_semaphore, #tpu.memory_space<semaphore_mem>> -> memref<!tpu.dma_semaphore, #tpu.memory_space<semaphore_mem>>
        %dma_start3A_911 = arith.constant 0 : i32
        %dma_start3A_912 = tpu.memref_slice %arg10[%add3A_888, %dma_start3A_911] : memref<256x64xf32, #tpu.memory_space<vmem>> -> memref<8x64xf32, #tpu.memory_space<vmem>>
        %dma_start3A_913 = arith.constant 0 : i32
        %dma_start3A_914 = arith.constant 0 : i32
        %dma_start3A_915 = tpu.memref_slice %arg2[%shift_right_arithmetic3A_882, %dma_start3A_913, %dma_start3A_914] : memref<125000x8x64xf32, #tpu.memory_space<hbm>> -> memref<1x8x64xf32, #tpu.memory_space<hbm>>
        %dma_start3A_916 = tpu.memref_squeeze %dma_start3A_915 : memref<1x8x64xf32, #tpu.memory_space<hbm>> -> memref<8x64xf32, #tpu.memory_space<hbm>>
        tpu.enqueue_dma source(%dma_start3A_916 : memref<8x64xf32, #tpu.memory_space<hbm>>) target(%dma_start3A_912 : memref<8x64xf32, #tpu.memory_space<vmem>>) target_semaphore(%dma_start3A_910 : memref<!tpu.dma_semaphore, #tpu.memory_space<semaphore_mem>>)
        %dma_start3A_917 = arith.constant 0 : i32
        %dma_start3A_918 = tpu.memref_slice %arg9[%add3A_888, %dma_start3A_917] : memref<256x64xf32, #tpu.memory_space<vmem>> -> memref<8x64xf32, #tpu.memory_space<vmem>>
        %dma_start3A_919 = arith.constant 0 : i32
        %dma_start3A_920 = arith.constant 0 : i32
        %dma_start3A_921 = tpu.memref_slice %arg3[%shift_right_arithmetic3A_886, %dma_start3A_919, %dma_start3A_920] : memref<125x8x64xf32, #tpu.memory_space<hbm>> -> memref<1x8x64xf32, #tpu.memory_space<hbm>>
        %dma_start3A_922 = tpu.memref_squeeze %dma_start3A_921 : memref<1x8x64xf32, #tpu.memory_space<hbm>> -> memref<8x64xf32, #tpu.memory_space<hbm>>
        %dma_start3A_923 = tpu.memref_slice %arg15[%rem3A_29] : memref<2x!tpu.dma_semaphore, #tpu.memory_space<semaphore_mem>> -> memref<1x!tpu.dma_semaphore, #tpu.memory_space<semaphore_mem>>
        %dma_start3A_924 = tpu.memref_squeeze %dma_start3A_923 : memref<1x!tpu.dma_semaphore, #tpu.memory_space<semaphore_mem>> -> memref<!tpu.dma_semaphore, #tpu.memory_space<semaphore_mem>>
        %dma_start3A_925 = arith.constant 0 : i32
        %dma_start3A_926 = tpu.memref_slice %arg9[%add3A_888, %dma_start3A_925] : memref<256x64xf32, #tpu.memory_space<vmem>> -> memref<8x64xf32, #tpu.memory_space<vmem>>
        %dma_start3A_927 = arith.constant 0 : i32
        %dma_start3A_928 = arith.constant 0 : i32
        %dma_start3A_929 = tpu.memref_slice %arg3[%shift_right_arithmetic3A_886, %dma_start3A_927, %dma_start3A_928] : memref<125x8x64xf32, #tpu.memory_space<hbm>> -> memref<1x8x64xf32, #tpu.memory_space<hbm>>
        %dma_start3A_930 = tpu.memref_squeeze %dma_start3A_929 : memref<1x8x64xf32, #tpu.memory_space<hbm>> -> memref<8x64xf32, #tpu.memory_space<hbm>>
        tpu.enqueue_dma source(%dma_start3A_930 : memref<8x64xf32, #tpu.memory_space<hbm>>) target(%dma_start3A_926 : memref<8x64xf32, #tpu.memory_space<vmem>>) target_semaphore(%dma_start3A_924 : memref<!tpu.dma_semaphore, #tpu.memory_space<semaphore_mem>>)
      } else {
      }
      %ge3A = arith.constant 1 : i32
      %ge3A_25 = arith.cmpi sge, %scan3A_22, %ge3A : i32
      %convert_element_type3A_26 = arith.extui %ge3A_25 : i1 to i32
      %cond3A_27 = arith.constant 0 : i32
      %cond3A_28 = arith.cmpi ne, %convert_element_type3A_26, %cond3A_27 : i32
      scf.if %cond3A_28 {
        %sub3A = arith.constant 1 : i32
        %sub3A_29 = arith.subi %scan3A_22, %sub3A : i32
        %rem3A = arith.constant 2 : i32
        %rem3A_30 = arith.remsi %sub3A_29, %rem3A : i32
        %mul3A_31 = arith.constant 128 : i32
        %mul3A_32 = arith.muli %rem3A_30, %mul3A_31 : i32
        %multiple_of3A = tpu.assume_multiple %mul3A_32, 8 : i32
        %dma_wait3A_33 = arith.constant 0 : i32
        %dma_wait3A_34 = tpu.memref_slice %arg8[%multiple_of3A, %dma_wait3A_33] : memref<256x64xf32, #tpu.memory_space<vmem>> -> memref<128x64xf32, #tpu.memory_space<vmem>>
        %dma_wait3A_35 = tpu.memref_reshape %dma_wait3A_34 : memref<128x64xf32, #tpu.memory_space<vmem>> -> memref<16x8x64xf32, #tpu.memory_space<vmem>>
        %dma_wait3A_36 = arith.constant 0 : i32
        %dma_wait3A_37 = arith.constant 0 : i32
        %dma_wait3A_38 = arith.constant 0 : i32
        %dma_wait3A_39 = tpu.memref_slice %arg2[%dma_wait3A_36, %dma_wait3A_37, %dma_wait3A_38] : memref<125000x8x64xf32, #tpu.memory_space<hbm>> -> memref<16x8x64xf32, #tpu.memory_space<hbm>>
        %dma_wait3A_40 = tpu.memref_slice %arg15[%rem3A_30] : memref<2x!tpu.dma_semaphore, #tpu.memory_space<semaphore_mem>> -> memref<1x!tpu.dma_semaphore, #tpu.memory_space<semaphore_mem>>
        %dma_wait3A_41 = tpu.memref_squeeze %dma_wait3A_40 : memref<1x!tpu.dma_semaphore, #tpu.memory_space<semaphore_mem>> -> memref<!tpu.dma_semaphore, #tpu.memory_space<semaphore_mem>>
        %dma_wait3A_42 = arith.constant 0 : i32
        %dma_wait3A_43 = tpu.memref_slice %arg8[%multiple_of3A, %dma_wait3A_42] : memref<256x64xf32, #tpu.memory_space<vmem>> -> memref<128x64xf32, #tpu.memory_space<vmem>>
        %dma_wait3A_44 = tpu.memref_reshape %dma_wait3A_43 : memref<128x64xf32, #tpu.memory_space<vmem>> -> memref<16x8x64xf32, #tpu.memory_space<vmem>>
        %dma_wait3A_45 = arith.constant 0 : i32
        %dma_wait3A_46 = arith.constant 0 : i32
        %dma_wait3A_47 = arith.constant 0 : i32
        %dma_wait3A_48 = tpu.memref_slice %arg2[%dma_wait3A_45, %dma_wait3A_46, %dma_wait3A_47] : memref<125000x8x64xf32, #tpu.memory_space<hbm>> -> memref<16x8x64xf32, #tpu.memory_space<hbm>>
        tpu.wait_dma2 semaphore(%dma_wait3A_41 : memref<!tpu.dma_semaphore, #tpu.memory_space<semaphore_mem>>) src(%dma_wait3A_48 : memref<16x8x64xf32, #tpu.memory_space<hbm>>) dst(%dma_wait3A_44 : memref<16x8x64xf32, #tpu.memory_space<vmem>>)
        %dma_wait3A_49 = arith.constant 0 : i32
        %dma_wait3A_50 = tpu.memref_slice %arg10[%multiple_of3A, %dma_wait3A_49] : memref<256x64xf32, #tpu.memory_space<vmem>> -> memref<128x64xf32, #tpu.memory_space<vmem>>
        %dma_wait3A_51 = tpu.memref_reshape %dma_wait3A_50 : memref<128x64xf32, #tpu.memory_space<vmem>> -> memref<16x8x64xf32, #tpu.memory_space<vmem>>
        %dma_wait3A_52 = arith.constant 0 : i32
        %dma_wait3A_53 = arith.constant 0 : i32
        %dma_wait3A_54 = arith.constant 0 : i32
        %dma_wait3A_55 = tpu.memref_slice %arg2[%dma_wait3A_52, %dma_wait3A_53, %dma_wait3A_54] : memref<125000x8x64xf32, #tpu.memory_space<hbm>> -> memref<16x8x64xf32, #tpu.memory_space<hbm>>
        %dma_wait3A_56 = tpu.memref_slice %arg15[%rem3A_30] : memref<2x!tpu.dma_semaphore, #tpu.memory_space<semaphore_mem>> -> memref<1x!tpu.dma_semaphore, #tpu.memory_space<semaphore_mem>>
        %dma_wait3A_57 = tpu.memref_squeeze %dma_wait3A_56 : memref<1x!tpu.dma_semaphore, #tpu.memory_space<semaphore_mem>> -> memref<!tpu.dma_semaphore, #tpu.memory_space<semaphore_mem>>
        %dma_wait3A_58 = arith.constant 0 : i32
        %dma_wait3A_59 = tpu.memref_slice %arg10[%multiple_of3A, %dma_wait3A_58] : memref<256x64xf32, #tpu.memory_space<vmem>> -> memref<128x64xf32, #tpu.memory_space<vmem>>
        %dma_wait3A_60 = tpu.memref_reshape %dma_wait3A_59 : memref<128x64xf32, #tpu.memory_space<vmem>> -> memref<16x8x64xf32, #tpu.memory_space<vmem>>
        %dma_wait3A_61 = arith.constant 0 : i32
        %dma_wait3A_62 = arith.constant 0 : i32
        %dma_wait3A_63 = arith.constant 0 : i32
        %dma_wait3A_64 = tpu.memref_slice %arg2[%dma_wait3A_61, %dma_wait3A_62, %dma_wait3A_63] : memref<125000x8x64xf32, #tpu.memory_space<hbm>> -> memref<16x8x64xf32, #tpu.memory_space<hbm>>
        tpu.wait_dma2 semaphore(%dma_wait3A_57 : memref<!tpu.dma_semaphore, #tpu.memory_space<semaphore_mem>>) src(%dma_wait3A_64 : memref<16x8x64xf32, #tpu.memory_space<hbm>>) dst(%dma_wait3A_60 : memref<16x8x64xf32, #tpu.memory_space<vmem>>)
        %dma_wait3A_65 = arith.constant 0 : i32
        %dma_wait3A_66 = tpu.memref_slice %arg9[%multiple_of3A, %dma_wait3A_65] : memref<256x64xf32, #tpu.memory_space<vmem>> -> memref<128x64xf32, #tpu.memory_space<vmem>>
        %dma_wait3A_67 = tpu.memref_reshape %dma_wait3A_66 : memref<128x64xf32, #tpu.memory_space<vmem>> -> memref<16x8x64xf32, #tpu.memory_space<vmem>>
        %dma_wait3A_68 = arith.constant 0 : i32
        %dma_wait3A_69 = arith.constant 0 : i32
        %dma_wait3A_70 = arith.constant 0 : i32
        %dma_wait3A_71 = tpu.memref_slice %arg2[%dma_wait3A_68, %dma_wait3A_69, %dma_wait3A_70] : memref<125000x8x64xf32, #tpu.memory_space<hbm>> -> memref<16x8x64xf32, #tpu.memory_space<hbm>>
        %dma_wait3A_72 = tpu.memref_slice %arg15[%rem3A_30] : memref<2x!tpu.dma_semaphore, #tpu.memory_space<semaphore_mem>> -> memref<1x!tpu.dma_semaphore, #tpu.memory_space<semaphore_mem>>
        %dma_wait3A_73 = tpu.memref_squeeze %dma_wait3A_72 : memref<1x!tpu.dma_semaphore, #tpu.memory_space<semaphore_mem>> -> memref<!tpu.dma_semaphore, #tpu.memory_space<semaphore_mem>>
        %dma_wait3A_74 = arith.constant 0 : i32
        %dma_wait3A_75 = tpu.memref_slice %arg9[%multiple_of3A, %dma_wait3A_74] : memref<256x64xf32, #tpu.memory_space<vmem>> -> memref<128x64xf32, #tpu.memory_space<vmem>>
        %dma_wait3A_76 = tpu.memref_reshape %dma_wait3A_75 : memref<128x64xf32, #tpu.memory_space<vmem>> -> memref<16x8x64xf32, #tpu.memory_space<vmem>>
        %dma_wait3A_77 = arith.constant 0 : i32
        %dma_wait3A_78 = arith.constant 0 : i32
        %dma_wait3A_79 = arith.constant 0 : i32
        %dma_wait3A_80 = tpu.memref_slice %arg2[%dma_wait3A_77, %dma_wait3A_78, %dma_wait3A_79] : memref<125000x8x64xf32, #tpu.memory_space<hbm>> -> memref<16x8x64xf32, #tpu.memory_space<hbm>>
        tpu.wait_dma2 semaphore(%dma_wait3A_73 : memref<!tpu.dma_semaphore, #tpu.memory_space<semaphore_mem>>) src(%dma_wait3A_80 : memref<16x8x64xf32, #tpu.memory_space<hbm>>) dst(%dma_wait3A_76 : memref<16x8x64xf32, #tpu.memory_space<vmem>>)
        %mul3A_81 = arith.constant 16 : i32
        %mul3A_82 = arith.muli %sub3A_29, %mul3A_81 : i32
        %get3A = arith.index_cast %mul3A_82 : i32 to index
        %get3A_83 = tpu.vector_load %arg12[%get3A] {strides = array<i32>} : memref<512xi32, #tpu.memory_space<vmem>>, vector<16xi32>,
        %get3A_84 = arith.index_cast %mul3A_82 : i32 to index
        %get3A_85 = tpu.vector_load %arg13[%get3A_84] {strides = array<i32>} : memref<512xi32, #tpu.memory_space<vmem>>, vector<16xi32>,
        %get3A_86 = arith.index_cast %mul3A_82 : i32 to index
        %get3A_87 = tpu.vector_load %arg14[%get3A_86] {strides = array<i32>} : memref<512xi32, #tpu.memory_space<vmem>>, vector<16xi32>,
        %mul3A_88 = arith.constant 128 : i32
        %mul3A_89 = arith.muli %rem3A_30, %mul3A_88 : i32
        %broadcast_in_dim3A = vector.broadcast %mul3A_89 : i32 to vector<16xi32>
        %mul3A_90 = arith.constant 8 : i32
        %mul3A_91 = vector.broadcast %mul3A_90 : i32 to vector<16xi32>
        %mul3A_92 = arith.muli %iota3A, %mul3A_91 : vector<16xi32>
        %add3A_93 = arith.addi %broadcast_in_dim3A, %mul3A_92 : vector<16xi32>
        %and3A = arith.constant 7 : i32
        %and3A_94 = vector.broadcast %and3A : i32 to vector<16xi32>
        %and3A_95 = arith.andi %get3A_83, %and3A_94 : vector<16xi32>
        %add3A_96 = arith.addi %add3A_93, %and3A_95 : vector<16xi32>
        %and3A_97 = arith.constant 7 : i32
        %and3A_98 = vector.broadcast %and3A_97 : i32 to vector<16xi32>
        %and3A_99 = arith.andi %get3A_87, %and3A_98 : vector<16xi32>
        %add3A_100 = arith.addi %add3A_93, %and3A_99 : vector<16xi32>
        %and3A_101 = arith.constant 7 : i32
        %and3A_102 = vector.broadcast %and3A_101 : i32 to vector<16xi32>
        %and3A_103 = arith.andi %get3A_85, %and3A_102 : vector<16xi32>
        %add3A_104 = arith.addi %add3A_93, %and3A_103 : vector<16xi32>
        %jit3A = arith.constant 8 : i32
        %div3A = arith.divsi %sub3A_29, %jit3A : i32
        %sign3A = arith.constant 0 : i32
        %sign3A_105 = arith.cmpi sgt, %sub3A_29, %sign3A : i32
        %sign3A_106 = arith.extui %sign3A_105 : i1 to i32
        %sign3A_107 = arith.constant 0 : i32
        %sign3A_108 = arith.cmpi slt, %sub3A_29, %sign3A_107 : i32
        %sign3A_109 = arith.extui %sign3A_108 : i1 to i32
        %sign3A_110 = arith.subi %sign3A_106, %sign3A_109 : i32
        %sign3A_111 = arith.constant 0 : i32
        %sign3A_112 = arith.cmpi sgt, %jit3A, %sign3A_111 : i32
        %sign3A_113 = arith.extui %sign3A_112 : i1 to i32
        %sign3A_114 = arith.constant 0 : i32
        %sign3A_115 = arith.cmpi slt, %jit3A, %sign3A_114 : i32
        %sign3A_116 = arith.extui %sign3A_115 : i1 to i32
        %sign3A_117 = arith.subi %sign3A_113, %sign3A_116 : i32
        %ne3A = arith.cmpi ne, %sign3A_110, %sign3A_117 : i32
        %rem3A_118 = arith.remsi %sub3A_29, %jit3A : i32
        %ne3A_119 = arith.constant 0 : i32
        %ne3A_120 = arith.cmpi ne, %rem3A_118, %ne3A_119 : i32
        %and3A_121 = arith.andi %ne3A, %ne3A_120 : i1
        %sub3A_122 = arith.constant 1 : i32
        %sub3A_123 = arith.subi %div3A, %sub3A_122 : i32
        %select_n3A = arith.select %and3A_121, %sub3A_123, %div3A : i32
        %rem3A_124 = arith.constant 2 : i32
        %rem3A_125 = arith.remsi %select_n3A, %rem3A_124 : i32
        %broadcast_in_dim3A_126 = vector.broadcast %rem3A_30 : i32 to vector<16xi32>
        %broadcast_in_dim3A_127 = vector.broadcast %rem3A_125 : i32 to vector<16xi32>
        %jit3A_128 = arith.constant 8 : i32
        %eq3A = arith.constant 0 : i32
        %eq3A_129 = arith.cmpi eq, %jit3A_128, %eq3A : i32
        %jit3A_130 = arith.constant 1 : i32
        %select_n3A_131 = arith.select %eq3A_129, %jit3A_130, %jit3A_128 : i32
        %rem3A_132 = arith.remsi %sub3A_29, %select_n3A_131 : i32
        %ne3A_133 = arith.constant 0 : i32
        %ne3A_134 = arith.cmpi ne, %rem3A_132, %ne3A_133 : i32
        %lt3A_135 = arith.constant 0 : i32
        %lt3A_136 = arith.cmpi slt, %rem3A_132, %lt3A_135 : i32
        %lt3A_137 = arith.constant 0 : i32
        %lt3A_138 = arith.cmpi slt, %select_n3A_131, %lt3A_137 : i32
        %ne3A_139 = arith.xori %lt3A_136, %lt3A_138 : i1
        %and3A_140 = arith.andi %ne3A_139, %ne3A_134 : i1
        %add3A_141 = arith.addi %rem3A_132, %select_n3A_131 : i32
        %select_n3A_142 = arith.select %and3A_140, %add3A_141, %rem3A_132 : i32
        %mul3A_143 = arith.constant 16 : i32
        %mul3A_144 = arith.muli %select_n3A_142, %mul3A_143 : i32
        %broadcast_in_dim3A_145 = arith.constant 0 : i32
        %broadcast_in_dim3A_146 = vector.broadcast %broadcast_in_dim3A_145 : i32 to vector<16xi32>
        %gather3A = tpu.vector_load_idx %arg8[%add3A_96, %broadcast_in_dim3A_146] : memref<256x64xf32, #tpu.memory_space<vmem>>[vector<16xi32>, vector<16xi32>], vector<16xf32>,
        %gather3A_147 = tpu.vector_load_idx %arg10[%add3A_100, %broadcast_in_dim3A_146] : memref<256x64xf32, #tpu.memory_space<vmem>>[vector<16xi32>, vector<16xi32>], vector<16xf32>,
        %gather3A_148 = tpu.vector_load_idx %arg9[%add3A_104, %broadcast_in_dim3A_146] : memref<256x64xf32, #tpu.memory_space<vmem>>[vector<16xi32>, vector<16xi32>], vector<16xf32>,
        %mul3A_149 = arith.mulf %gather3A, %gather3A_148 : vector<16xf32>
        %mul3A_150 = arith.mulf %mul3A_149, %gather3A_147 : vector<16xf32>
        %swap3A = arith.constant 0 : i32
        %swap3A_151 = arith.index_cast %rem3A_125 : i32 to index
        %swap3A_152 = arith.index_cast %swap3A : i32 to index
        %swap3A_153 = arith.index_cast %mul3A_144 : i32 to index
        %swap3A_154 = tpu.vector_load %arg11[%swap3A_151, %swap3A_152, %swap3A_153] {strides = array<i32>} : memref<2x64x128xf32, #tpu.memory_space<vmem>>, vector<16xf32>,
        tpu.vector_store %arg11[%swap3A_151, %swap3A_152, %swap3A_153], %mul3A_150 {strides = array<i32>} : memref<2x64x128xf32, #tpu.memory_space<vmem>>, vector<16xf32>,
        %broadcast_in_dim3A_155 = arith.constant 1 : i32
        %broadcast_in_dim3A_156 = vector.broadcast %broadcast_in_dim3A_155 : i32 to vector<16xi32>
        %gather3A_157 = tpu.vector_load_idx %arg8[%add3A_96, %broadcast_in_dim3A_156] : memref<256x64xf32, #tpu.memory_space<vmem>>[vector<16xi32>, vector<16xi32>], vector<16xf32>,
        %gather3A_158 = tpu.vector_load_idx %arg10[%add3A_100, %broadcast_in_dim3A_156] : memref<256x64xf32, #tpu.memory_space<vmem>>[vector<16xi32>, vector<16xi32>], vector<16xf32>,
        %gather3A_159 = tpu.vector_load_idx %arg9[%add3A_104, %broadcast_in_dim3A_156] : memref<256x64xf32, #tpu.memory_space<vmem>>[vector<16xi32>, vector<16xi32>], vector<16xf32>,
        %mul3A_160 = arith.mulf %gather3A_157, %gather3A_159 : vector<16xf32>
        %mul3A_161 = arith.mulf %mul3A_160, %gather3A_158 : vector<16xf32>
        %swap3A_162 = arith.constant 1 : i32
        %swap3A_163 = arith.index_cast %rem3A_125 : i32 to index
        %swap3A_164 = arith.index_cast %swap3A_162 : i32 to index
        %swap3A_165 = arith.index_cast %mul3A_144 : i32 to index
        %swap3A_166 = tpu.vector_load %arg11[%swap3A_163, %swap3A_164, %swap3A_165] {strides = array<i32>} : memref<2x64x128xf32, #tpu.memory_space<vmem>>, vector<16xf32>,
        tpu.vector_store %arg11[%swap3A_163, %swap3A_164, %swap3A_165], %mul3A_161 {strides = array<i32>} : memref<2x64x128xf32, #tpu.memory_space<vmem>>, vector<16xf32>,
        %broadcast_in_dim3A_167 = arith.constant 2 : i32
        %broadcast_in_dim3A_168 = vector.broadcast %broadcast_in_dim3A_167 : i32 to vector<16xi32>
        %gather3A_169 = tpu.vector_load_idx %arg8[%add3A_96, %broadcast_in_dim3A_168] : memref<256x64xf32, #tpu.memory_space<vmem>>[vector<16xi32>, vector<16xi32>], vector<16xf32>,
        %gather3A_170 = tpu.vector_load_idx %arg10[%add3A_100, %broadcast_in_dim3A_168] : memref<256x64xf32, #tpu.memory_space<vmem>>[vector<16xi32>, vector<16xi32>], vector<16xf32>,
        %gather3A_171 = tpu.vector_load_idx %arg9[%add3A_104, %broadcast_in_dim3A_168] : memref<256x64xf32, #tpu.memory_space<vmem>>[vector<16xi32>, vector<16xi32>], vector<16xf32>,
        %mul3A_172 = arith.mulf %gather3A_169, %gather3A_171 : vector<16xf32>
        %mul3A_173 = arith.mulf %mul3A_172, %gather3A_170 : vector<16xf32>
        %swap3A_174 = arith.constant 2 : i32
        %swap3A_175 = arith.index_cast %rem3A_125 : i32 to index
        %swap3A_176 = arith.index_cast %swap3A_174 : i32 to index
        %swap3A_177 = arith.index_cast %mul3A_144 : i32 to index
        %swap3A_178 = tpu.vector_load %arg11[%swap3A_175, %swap3A_176, %swap3A_177] {strides = array<i32>} : memref<2x64x128xf32, #tpu.memory_space<vmem>>, vector<16xf32>,
        tpu.vector_store %arg11[%swap3A_175, %swap3A_176, %swap3A_177], %mul3A_173 {strides = array<i32>} : memref<2x64x128xf32, #tpu.memory_space<vmem>>, vector<16xf32>,
        %broadcast_in_dim3A_179 = arith.constant 3 : i32
        %broadcast_in_dim3A_180 = vector.broadcast %broadcast_in_dim3A_179 : i32 to vector<16xi32>
        %gather3A_181 = tpu.vector_load_idx %arg8[%add3A_96, %broadcast_in_dim3A_180] : memref<256x64xf32, #tpu.memory_space<vmem>>[vector<16xi32>, vector<16xi32>], vector<16xf32>,
        %gather3A_182 = tpu.vector_load_idx %arg10[%add3A_100, %broadcast_in_dim3A_180] : memref<256x64xf32, #tpu.memory_space<vmem>>[vector<16xi32>, vector<16xi32>], vector<16xf32>,
        %gather3A_183 = tpu.vector_load_idx %arg9[%add3A_104, %broadcast_in_dim3A_180] : memref<256x64xf32, #tpu.memory_space<vmem>>[vector<16xi32>, vector<16xi32>], vector<16xf32>,
        %mul3A_184 = arith.mulf %gather3A_181, %gather3A_183 : vector<16xf32>
        %mul3A_185 = arith.mulf %mul3A_184, %gather3A_182 : vector<16xf32>
        %swap3A_186 = arith.constant 3 : i32
        %swap3A_187 = arith.index_cast %rem3A_125 : i32 to index
        %swap3A_188 = arith.index_cast %swap3A_186 : i32 to index
        %swap3A_189 = arith.index_cast %mul3A_144 : i32 to index
        %swap3A_190 = tpu.vector_load %arg11[%swap3A_187, %swap3A_188, %swap3A_189] {strides = array<i32>} : memref<2x64x128xf32, #tpu.memory_space<vmem>>, vector<16xf32>,
        tpu.vector_store %arg11[%swap3A_187, %swap3A_188, %swap3A_189], %mul3A_185 {strides = array<i32>} : memref<2x64x128xf32, #tpu.memory_space<vmem>>, vector<16xf32>,
        %broadcast_in_dim3A_191 = arith.constant 4 : i32
        %broadcast_in_dim3A_192 = vector.broadcast %broadcast_in_dim3A_191 : i32 to vector<16xi32>
        %gather3A_193 = tpu.vector_load_idx %arg8[%add3A_96, %broadcast_in_dim3A_192] : memref<256x64xf32, #tpu.memory_space<vmem>>[vector<16xi32>, vector<16xi32>], vector<16xf32>,
        %gather3A_194 = tpu.vector_load_idx %arg10[%add3A_100, %broadcast_in_dim3A_192] : memref<256x64xf32, #tpu.memory_space<vmem>>[vector<16xi32>, vector<16xi32>], vector<16xf32>,
        %gather3A_195 = tpu.vector_load_idx %arg9[%add3A_104, %broadcast_in_dim3A_192] : memref<256x64xf32, #tpu.memory_space<vmem>>[vector<16xi32>, vector<16xi32>], vector<16xf32>,
        %mul3A_196 = arith.mulf %gather3A_193, %gather3A_195 : vector<16xf32>
        %mul3A_197 = arith.mulf %mul3A_196, %gather3A_194 : vector<16xf32>
        %swap3A_198 = arith.constant 4 : i32
        %swap3A_199 = arith.index_cast %rem3A_125 : i32 to index
        %swap3A_200 = arith.index_cast %swap3A_198 : i32 to index
        %swap3A_201 = arith.index_cast %mul3A_144 : i32 to index
        %swap3A_202 = tpu.vector_load %arg11[%swap3A_199, %swap3A_200, %swap3A_201] {strides = array<i32>} : memref<2x64x128xf32, #tpu.memory_space<vmem>>, vector<16xf32>,
        tpu.vector_store %arg11[%swap3A_199, %swap3A_200, %swap3A_201], %mul3A_197 {strides = array<i32>} : memref<2x64x128xf32, #tpu.memory_space<vmem>>, vector<16xf32>,
        %broadcast_in_dim3A_203 = arith.constant 5 : i32
        %broadcast_in_dim3A_204 = vector.broadcast %broadcast_in_dim3A_203 : i32 to vector<16xi32>
        %gather3A_205 = tpu.vector_load_idx %arg8[%add3A_96, %broadcast_in_dim3A_204] : memref<256x64xf32, #tpu.memory_space<vmem>>[vector<16xi32>, vector<16xi32>], vector<16xf32>,
        %gather3A_206 = tpu.vector_load_idx %arg10[%add3A_100, %broadcast_in_dim3A_204] : memref<256x64xf32, #tpu.memory_space<vmem>>[vector<16xi32>, vector<16xi32>], vector<16xf32>,
        %gather3A_207 = tpu.vector_load_idx %arg9[%add3A_104, %broadcast_in_dim3A_204] : memref<256x64xf32, #tpu.memory_space<vmem>>[vector<16xi32>, vector<16xi32>], vector<16xf32>,
        %mul3A_208 = arith.mulf %gather3A_205, %gather3A_207 : vector<16xf32>
        %mul3A_209 = arith.mulf %mul3A_208, %gather3A_206 : vector<16xf32>
        %swap3A_210 = arith.constant 5 : i32
        %swap3A_211 = arith.index_cast %rem3A_125 : i32 to index
        %swap3A_212 = arith.index_cast %swap3A_210 : i32 to index
        %swap3A_213 = arith.index_cast %mul3A_144 : i32 to index
        %swap3A_214 = tpu.vector_load %arg11[%swap3A_211, %swap3A_212, %swap3A_213] {strides = array<i32>} : memref<2x64x128xf32, #tpu.memory_space<vmem>>, vector<16xf32>,
        tpu.vector_store %arg11[%swap3A_211, %swap3A_212, %swap3A_213], %mul3A_209 {strides = array<i32>} : memref<2x64x128xf32, #tpu.memory_space<vmem>>, vector<16xf32>,
        %broadcast_in_dim3A_215 = arith.constant 6 : i32
        %broadcast_in_dim3A_216 = vector.broadcast %broadcast_in_dim3A_215 : i32 to vector<16xi32>
        %gather3A_217 = tpu.vector_load_idx %arg8[%add3A_96, %broadcast_in_dim3A_216] : memref<256x64xf32, #tpu.memory_space<vmem>>[vector<16xi32>, vector<16xi32>], vector<16xf32>,
        %gather3A_218 = tpu.vector_load_idx %arg10[%add3A_100, %broadcast_in_dim3A_216] : memref<256x64xf32, #tpu.memory_space<vmem>>[vector<16xi32>, vector<16xi32>], vector<16xf32>,
        %gather3A_219 = tpu.vector_load_idx %arg9[%add3A_104, %broadcast_in_dim3A_216] : memref<256x64xf32, #tpu.memory_space<vmem>>[vector<16xi32>, vector<16xi32>], vector<16xf32>,
        %mul3A_220 = arith.mulf %gather3A_217, %gather3A_219 : vector<16xf32>
        %mul3A_221 = arith.mulf %mul3A_220, %gather3A_218 : vector<16xf32>
        %swap3A_222 = arith.constant 6 : i32
        %swap3A_223 = arith.index_cast %rem3A_125 : i32 to index
        %swap3A_224 = arith.index_cast %swap3A_222 : i32 to index
        %swap3A_225 = arith.index_cast %mul3A_144 : i32 to index
        %swap3A_226 = tpu.vector_load %arg11[%swap3A_223, %swap3A_224, %swap3A_225] {strides = array<i32>} : memref<2x64x128xf32, #tpu.memory_space<vmem>>, vector<16xf32>,
        tpu.vector_store %arg11[%swap3A_223, %swap3A_224, %swap3A_225], %mul3A_221 {strides = array<i32>} : memref<2x64x128xf32, #tpu.memory_space<vmem>>, vector<16xf32>,
        %broadcast_in_dim3A_227 = arith.constant 7 : i32
        %broadcast_in_dim3A_228 = vector.broadcast %broadcast_in_dim3A_227 : i32 to vector<16xi32>
        %gather3A_229 = tpu.vector_load_idx %arg8[%add3A_96, %broadcast_in_dim3A_228] : memref<256x64xf32, #tpu.memory_space<vmem>>[vector<16xi32>, vector<16xi32>], vector<16xf32>,
        %gather3A_230 = tpu.vector_load_idx %arg10[%add3A_100, %broadcast_in_dim3A_228] : memref<256x64xf32, #tpu.memory_space<vmem>>[vector<16xi32>, vector<16xi32>], vector<16xf32>,
        %gather3A_231 = tpu.vector_load_idx %arg9[%add3A_104, %broadcast_in_dim3A_228] : memref<256x64xf32, #tpu.memory_space<vmem>>[vector<16xi32>, vector<16xi32>], vector<16xf32>,
        %mul3A_232 = arith.mulf %gather3A_229, %gather3A_231 : vector<16xf32>
        %mul3A_233 = arith.mulf %mul3A_232, %gather3A_230 : vector<16xf32>
        %swap3A_234 = arith.constant 7 : i32
        %swap3A_235 = arith.index_cast %rem3A_125 : i32 to index
        %swap3A_236 = arith.index_cast %swap3A_234 : i32 to index
        %swap3A_237 = arith.index_cast %mul3A_144 : i32 to index
        %swap3A_238 = tpu.vector_load %arg11[%swap3A_235, %swap3A_236, %swap3A_237] {strides = array<i32>} : memref<2x64x128xf32, #tpu.memory_space<vmem>>, vector<16xf32>,
        tpu.vector_store %arg11[%swap3A_235, %swap3A_236, %swap3A_237], %mul3A_233 {strides = array<i32>} : memref<2x64x128xf32, #tpu.memory_space<vmem>>, vector<16xf32>,
        %broadcast_in_dim3A_239 = arith.constant 8 : i32
        %broadcast_in_dim3A_240 = vector.broadcast %broadcast_in_dim3A_239 : i32 to vector<16xi32>
        %gather3A_241 = tpu.vector_load_idx %arg8[%add3A_96, %broadcast_in_dim3A_240] : memref<256x64xf32, #tpu.memory_space<vmem>>[vector<16xi32>, vector<16xi32>], vector<16xf32>,
        %gather3A_242 = tpu.vector_load_idx %arg10[%add3A_100, %broadcast_in_dim3A_240] : memref<256x64xf32, #tpu.memory_space<vmem>>[vector<16xi32>, vector<16xi32>], vector<16xf32>,
        %gather3A_243 = tpu.vector_load_idx %arg9[%add3A_104, %broadcast_in_dim3A_240] : memref<256x64xf32, #tpu.memory_space<vmem>>[vector<16xi32>, vector<16xi32>], vector<16xf32>,
        %mul3A_244 = arith.mulf %gather3A_241, %gather3A_243 : vector<16xf32>
        %mul3A_245 = arith.mulf %mul3A_244, %gather3A_242 : vector<16xf32>
        %swap3A_246 = arith.constant 8 : i32
        %swap3A_247 = arith.index_cast %rem3A_125 : i32 to index
        %swap3A_248 = arith.index_cast %swap3A_246 : i32 to index
        %swap3A_249 = arith.index_cast %mul3A_144 : i32 to index
        %swap3A_250 = tpu.vector_load %arg11[%swap3A_247, %swap3A_248, %swap3A_249] {strides = array<i32>} : memref<2x64x128xf32, #tpu.memory_space<vmem>>, vector<16xf32>,
        tpu.vector_store %arg11[%swap3A_247, %swap3A_248, %swap3A_249], %mul3A_245 {strides = array<i32>} : memref<2x64x128xf32, #tpu.memory_space<vmem>>, vector<16xf32>,
        %broadcast_in_dim3A_251 = arith.constant 9 : i32
        %broadcast_in_dim3A_252 = vector.broadcast %broadcast_in_dim3A_251 : i32 to vector<16xi32>
        %gather3A_253 = tpu.vector_load_idx %arg8[%add3A_96, %broadcast_in_dim3A_252] : memref<256x64xf32, #tpu.memory_space<vmem>>[vector<16xi32>, vector<16xi32>], vector<16xf32>,
        %gather3A_254 = tpu.vector_load_idx %arg10[%add3A_100, %broadcast_in_dim3A_252] : memref<256x64xf32, #tpu.memory_space<vmem>>[vector<16xi32>, vector<16xi32>], vector<16xf32>,
        %gather3A_255 = tpu.vector_load_idx %arg9[%add3A_104, %broadcast_in_dim3A_252] : memref<256x64xf32, #tpu.memory_space<vmem>>[vector<16xi32>, vector<16xi32>], vector<16xf32>,
        %mul3A_256 = arith.mulf %gather3A_253, %gather3A_255 : vector<16xf32>
        %mul3A_257 = arith.mulf %mul3A_256, %gather3A_254 : vector<16xf32>
        %swap3A_258 = arith.constant 9 : i32
        %swap3A_259 = arith.index_cast %rem3A_125 : i32 to index
        %swap3A_260 = arith.index_cast %swap3A_258 : i32 to index
        %swap3A_261 = arith.index_cast %mul3A_144 : i32 to index
        %swap3A_262 = tpu.vector_load %arg11[%swap3A_259, %swap3A_260, %swap3A_261] {strides = array<i32>} : memref<2x64x128xf32, #tpu.memory_space<vmem>>, vector<16xf32>,
        tpu.vector_store %arg11[%swap3A_259, %swap3A_260, %swap3A_261], %mul3A_257 {strides = array<i32>} : memref<2x64x128xf32, #tpu.memory_space<vmem>>, vector<16xf32>,
        %broadcast_in_dim3A_263 = arith.constant 10 : i32
        %broadcast_in_dim3A_264 = vector.broadcast %broadcast_in_dim3A_263 : i32 to vector<16xi32>
        %gather3A_265 = tpu.vector_load_idx %arg8[%add3A_96, %broadcast_in_dim3A_264] : memref<256x64xf32, #tpu.memory_space<vmem>>[vector<16xi32>, vector<16xi32>], vector<16xf32>,
        %gather3A_266 = tpu.vector_load_idx %arg10[%add3A_100, %broadcast_in_dim3A_264] : memref<256x64xf32, #tpu.memory_space<vmem>>[vector<16xi32>, vector<16xi32>], vector<16xf32>,
        %gather3A_267 = tpu.vector_load_idx %arg9[%add3A_104, %broadcast_in_dim3A_264] : memref<256x64xf32, #tpu.memory_space<vmem>>[vector<16xi32>, vector<16xi32>], vector<16xf32>,
        %mul3A_268 = arith.mulf %gather3A_265, %gather3A_267 : vector<16xf32>
        %mul3A_269 = arith.mulf %mul3A_268, %gather3A_266 : vector<16xf32>
        %swap3A_270 = arith.constant 10 : i32
        %swap3A_271 = arith.index_cast %rem3A_125 : i32 to index
        %swap3A_272 = arith.index_cast %swap3A_270 : i32 to index
        %swap3A_273 = arith.index_cast %mul3A_144 : i32 to index
        %swap3A_274 = tpu.vector_load %arg11[%swap3A_271, %swap3A_272, %swap3A_273] {strides = array<i32>} : memref<2x64x128xf32, #tpu.memory_space<vmem>>, vector<16xf32>,
        tpu.vector_store %arg11[%swap3A_271, %swap3A_272, %swap3A_273], %mul3A_269 {strides = array<i32>} : memref<2x64x128xf32, #tpu.memory_space<vmem>>, vector<16xf32>,
        %broadcast_in_dim3A_275 = arith.constant 11 : i32
        %broadcast_in_dim3A_276 = vector.broadcast %broadcast_in_dim3A_275 : i32 to vector<16xi32>
        %gather3A_277 = tpu.vector_load_idx %arg8[%add3A_96, %broadcast_in_dim3A_276] : memref<256x64xf32, #tpu.memory_space<vmem>>[vector<16xi32>, vector<16xi32>], vector<16xf32>,
        %gather3A_278 = tpu.vector_load_idx %arg10[%add3A_100, %broadcast_in_dim3A_276] : memref<256x64xf32, #tpu.memory_space<vmem>>[vector<16xi32>, vector<16xi32>], vector<16xf32>,
        %gather3A_279 = tpu.vector_load_idx %arg9[%add3A_104, %broadcast_in_dim3A_276] : memref<256x64xf32, #tpu.memory_space<vmem>>[vector<16xi32>, vector<16xi32>], vector<16xf32>,
        %mul3A_280 = arith.mulf %gather3A_277, %gather3A_279 : vector<16xf32>
        %mul3A_281 = arith.mulf %mul3A_280, %gather3A_278 : vector<16xf32>
        %swap3A_282 = arith.constant 11 : i32
        %swap3A_283 = arith.index_cast %rem3A_125 : i32 to index
        %swap3A_284 = arith.index_cast %swap3A_282 : i32 to index
        %swap3A_285 = arith.index_cast %mul3A_144 : i32 to index
        %swap3A_286 = tpu.vector_load %arg11[%swap3A_283, %swap3A_284, %swap3A_285] {strides = array<i32>} : memref<2x64x128xf32, #tpu.memory_space<vmem>>, vector<16xf32>,
        tpu.vector_store %arg11[%swap3A_283, %swap3A_284, %swap3A_285], %mul3A_281 {strides = array<i32>} : memref<2x64x128xf32, #tpu.memory_space<vmem>>, vector<16xf32>,
        %broadcast_in_dim3A_287 = arith.constant 12 : i32
        %broadcast_in_dim3A_288 = vector.broadcast %broadcast_in_dim3A_287 : i32 to vector<16xi32>
        %gather3A_289 = tpu.vector_load_idx %arg8[%add3A_96, %broadcast_in_dim3A_288] : memref<256x64xf32, #tpu.memory_space<vmem>>[vector<16xi32>, vector<16xi32>], vector<16xf32>,
        %gather3A_290 = tpu.vector_load_idx %arg10[%add3A_100, %broadcast_in_dim3A_288] : memref<256x64xf32, #tpu.memory_space<vmem>>[vector<16xi32>, vector<16xi32>], vector<16xf32>,
        %gather3A_291 = tpu.vector_load_idx %arg9[%add3A_104, %broadcast_in_dim3A_288] : memref<256x64xf32, #tpu.memory_space<vmem>>[vector<16xi32>, vector<16xi32>], vector<16xf32>,
        %mul3A_292 = arith.mulf %gather3A_289, %gather3A_291 : vector<16xf32>
        %mul3A_293 = arith.mulf %mul3A_292, %gather3A_290 : vector<16xf32>
        %swap3A_294 = arith.constant 12 : i32
        %swap3A_295 = arith.index_cast %rem3A_125 : i32 to index
        %swap3A_296 = arith.index_cast %swap3A_294 : i32 to index
        %swap3A_297 = arith.index_cast %mul3A_144 : i32 to index
        %swap3A_298 = tpu.vector_load %arg11[%swap3A_295, %swap3A_296, %swap3A_297] {strides = array<i32>} : memref<2x64x128xf32, #tpu.memory_space<vmem>>, vector<16xf32>,
        tpu.vector_store %arg11[%swap3A_295, %swap3A_296, %swap3A_297], %mul3A_293 {strides = array<i32>} : memref<2x64x128xf32, #tpu.memory_space<vmem>>, vector<16xf32>,
        %broadcast_in_dim3A_299 = arith.constant 13 : i32
        %broadcast_in_dim3A_300 = vector.broadcast %broadcast_in_dim3A_299 : i32 to vector<16xi32>
        %gather3A_301 = tpu.vector_load_idx %arg8[%add3A_96, %broadcast_in_dim3A_300] : memref<256x64xf32, #tpu.memory_space<vmem>>[vector<16xi32>, vector<16xi32>], vector<16xf32>,
        %gather3A_302 = tpu.vector_load_idx %arg10[%add3A_100, %broadcast_in_dim3A_300] : memref<256x64xf32, #tpu.memory_space<vmem>>[vector<16xi32>, vector<16xi32>], vector<16xf32>,
        %gather3A_303 = tpu.vector_load_idx %arg9[%add3A_104, %broadcast_in_dim3A_300] : memref<256x64xf32, #tpu.memory_space<vmem>>[vector<16xi32>, vector<16xi32>], vector<16xf32>,
        %mul3A_304 = arith.mulf %gather3A_301, %gather3A_303 : vector<16xf32>
        %mul3A_305 = arith.mulf %mul3A_304, %gather3A_302 : vector<16xf32>
        %swap3A_306 = arith.constant 13 : i32
        %swap3A_307 = arith.index_cast %rem3A_125 : i32 to index
        %swap3A_308 = arith.index_cast %swap3A_306 : i32 to index
        %swap3A_309 = arith.index_cast %mul3A_144 : i32 to index
        %swap3A_310 = tpu.vector_load %arg11[%swap3A_307, %swap3A_308, %swap3A_309] {strides = array<i32>} : memref<2x64x128xf32, #tpu.memory_space<vmem>>, vector<16xf32>,
        tpu.vector_store %arg11[%swap3A_307, %swap3A_308, %swap3A_309], %mul3A_305 {strides = array<i32>} : memref<2x64x128xf32, #tpu.memory_space<vmem>>, vector<16xf32>,
        %broadcast_in_dim3A_311 = arith.constant 14 : i32
        %broadcast_in_dim3A_312 = vector.broadcast %broadcast_in_dim3A_311 : i32 to vector<16xi32>
        %gather3A_313 = tpu.vector_load_idx %arg8[%add3A_96, %broadcast_in_dim3A_312] : memref<256x64xf32, #tpu.memory_space<vmem>>[vector<16xi32>, vector<16xi32>], vector<16xf32>,
        %gather3A_314 = tpu.vector_load_idx %arg10[%add3A_100, %broadcast_in_dim3A_312] : memref<256x64xf32, #tpu.memory_space<vmem>>[vector<16xi32>, vector<16xi32>], vector<16xf32>,
        %gather3A_315 = tpu.vector_load_idx %arg9[%add3A_104, %broadcast_in_dim3A_312] : memref<256x64xf32, #tpu.memory_space<vmem>>[vector<16xi32>, vector<16xi32>], vector<16xf32>,
        %mul3A_316 = arith.mulf %gather3A_313, %gather3A_315 : vector<16xf32>
        %mul3A_317 = arith.mulf %mul3A_316, %gather3A_314 : vector<16xf32>
        %swap3A_318 = arith.constant 14 : i32
        %swap3A_319 = arith.index_cast %rem3A_125 : i32 to index
        %swap3A_320 = arith.index_cast %swap3A_318 : i32 to index
        %swap3A_321 = arith.index_cast %mul3A_144 : i32 to index
        %swap3A_322 = tpu.vector_load %arg11[%swap3A_319, %swap3A_320, %swap3A_321] {strides = array<i32>} : memref<2x64x128xf32, #tpu.memory_space<vmem>>, vector<16xf32>,
        tpu.vector_store %arg11[%swap3A_319, %swap3A_320, %swap3A_321], %mul3A_317 {strides = array<i32>} : memref<2x64x128xf32, #tpu.memory_space<vmem>>, vector<16xf32>,
        %broadcast_in_dim3A_323 = arith.constant 15 : i32
        %broadcast_in_dim3A_324 = vector.broadcast %broadcast_in_dim3A_323 : i32 to vector<16xi32>
        %gather3A_325 = tpu.vector_load_idx %arg8[%add3A_96, %broadcast_in_dim3A_324] : memref<256x64xf32, #tpu.memory_space<vmem>>[vector<16xi32>, vector<16xi32>], vector<16xf32>,
        %gather3A_326 = tpu.vector_load_idx %arg10[%add3A_100, %broadcast_in_dim3A_324] : memref<256x64xf32, #tpu.memory_space<vmem>>[vector<16xi32>, vector<16xi32>], vector<16xf32>,
        %gather3A_327 = tpu.vector_load_idx %arg9[%add3A_104, %broadcast_in_dim3A_324] : memref<256x64xf32, #tpu.memory_space<vmem>>[vector<16xi32>, vector<16xi32>], vector<16xf32>,
        %mul3A_328 = arith.mulf %gather3A_325, %gather3A_327 : vector<16xf32>
        %mul3A_329 = arith.mulf %mul3A_328, %gather3A_326 : vector<16xf32>
        %swap3A_330 = arith.constant 15 : i32
        %swap3A_331 = arith.index_cast %rem3A_125 : i32 to index
        %swap3A_332 = arith.index_cast %swap3A_330 : i32 to index
        %swap3A_333 = arith.index_cast %mul3A_144 : i32 to index
        %swap3A_334 = tpu.vector_load %arg11[%swap3A_331, %swap3A_332, %swap3A_333] {strides = array<i32>} : memref<2x64x128xf32, #tpu.memory_space<vmem>>, vector<16xf32>,
        tpu.vector_store %arg11[%swap3A_331, %swap3A_332, %swap3A_333], %mul3A_329 {strides = array<i32>} : memref<2x64x128xf32, #tpu.memory_space<vmem>>, vector<16xf32>,
        %broadcast_in_dim3A_335 = arith.constant 16 : i32
        %broadcast_in_dim3A_336 = vector.broadcast %broadcast_in_dim3A_335 : i32 to vector<16xi32>
        %gather3A_337 = tpu.vector_load_idx %arg8[%add3A_96, %broadcast_in_dim3A_336] : memref<256x64xf32, #tpu.memory_space<vmem>>[vector<16xi32>, vector<16xi32>], vector<16xf32>,
        %gather3A_338 = tpu.vector_load_idx %arg10[%add3A_100, %broadcast_in_dim3A_336] : memref<256x64xf32, #tpu.memory_space<vmem>>[vector<16xi32>, vector<16xi32>], vector<16xf32>,
        %gather3A_339 = tpu.vector_load_idx %arg9[%add3A_104, %broadcast_in_dim3A_336] : memref<256x64xf32, #tpu.memory_space<vmem>>[vector<16xi32>, vector<16xi32>], vector<16xf32>,
        %mul3A_340 = arith.mulf %gather3A_337, %gather3A_339 : vector<16xf32>
        %mul3A_341 = arith.mulf %mul3A_340, %gather3A_338 : vector<16xf32>
        %swap3A_342 = arith.constant 16 : i32
        %swap3A_343 = arith.index_cast %rem3A_125 : i32 to index
        %swap3A_344 = arith.index_cast %swap3A_342 : i32 to index
        %swap3A_345 = arith.index_cast %mul3A_144 : i32 to index
        %swap3A_346 = tpu.vector_load %arg11[%swap3A_343, %swap3A_344, %swap3A_345] {strides = array<i32>} : memref<2x64x128xf32, #tpu.memory_space<vmem>>, vector<16xf32>,
        tpu.vector_store %arg11[%swap3A_343, %swap3A_344, %swap3A_345], %mul3A_341 {strides = array<i32>} : memref<2x64x128xf32, #tpu.memory_space<vmem>>, vector<16xf32>,
        %broadcast_in_dim3A_347 = arith.constant 17 : i32
        %broadcast_in_dim3A_348 = vector.broadcast %broadcast_in_dim3A_347 : i32 to vector<16xi32>
        %gather3A_349 = tpu.vector_load_idx %arg8[%add3A_96, %broadcast_in_dim3A_348] : memref<256x64xf32, #tpu.memory_space<vmem>>[vector<16xi32>, vector<16xi32>], vector<16xf32>,
        %gather3A_350 = tpu.vector_load_idx %arg10[%add3A_100, %broadcast_in_dim3A_348] : memref<256x64xf32, #tpu.memory_space<vmem>>[vector<16xi32>, vector<16xi32>], vector<16xf32>,
        %gather3A_351 = tpu.vector_load_idx %arg9[%add3A_104, %broadcast_in_dim3A_348] : memref<256x64xf32, #tpu.memory_space<vmem>>[vector<16xi32>, vector<16xi32>], vector<16xf32>,
        %mul3A_352 = arith.mulf %gather3A_349, %gather3A_351 : vector<16xf32>
        %mul3A_353 = arith.mulf %mul3A_352, %gather3A_350 : vector<16xf32>
        %swap3A_354 = arith.constant 17 : i32
        %swap3A_355 = arith.index_cast %rem3A_125 : i32 to index
        %swap3A_356 = arith.index_cast %swap3A_354 : i32 to index
        %swap3A_357 = arith.index_cast %mul3A_144 : i32 to index
        %swap3A_358 = tpu.vector_load %arg11[%swap3A_355, %swap3A_356, %swap3A_357] {strides = array<i32>} : memref<2x64x128xf32, #tpu.memory_space<vmem>>, vector<16xf32>,
        tpu.vector_store %arg11[%swap3A_355, %swap3A_356, %swap3A_357], %mul3A_353 {strides = array<i32>} : memref<2x64x128xf32, #tpu.memory_space<vmem>>, vector<16xf32>,
        %broadcast_in_dim3A_359 = arith.constant 18 : i32
        %broadcast_in_dim3A_360 = vector.broadcast %broadcast_in_dim3A_359 : i32 to vector<16xi32>
        %gather3A_361 = tpu.vector_load_idx %arg8[%add3A_96, %broadcast_in_dim3A_360] : memref<256x64xf32, #tpu.memory_space<vmem>>[vector<16xi32>, vector<16xi32>], vector<16xf32>,
        %gather3A_362 = tpu.vector_load_idx %arg10[%add3A_100, %broadcast_in_dim3A_360] : memref<256x64xf32, #tpu.memory_space<vmem>>[vector<16xi32>, vector<16xi32>], vector<16xf32>,
        %gather3A_363 = tpu.vector_load_idx %arg9[%add3A_104, %broadcast_in_dim3A_360] : memref<256x64xf32, #tpu.memory_space<vmem>>[vector<16xi32>, vector<16xi32>], vector<16xf32>,
        %mul3A_364 = arith.mulf %gather3A_361, %gather3A_363 : vector<16xf32>
        %mul3A_365 = arith.mulf %mul3A_364, %gather3A_362 : vector<16xf32>
        %swap3A_366 = arith.constant 18 : i32
        %swap3A_367 = arith.index_cast %rem3A_125 : i32 to index
        %swap3A_368 = arith.index_cast %swap3A_366 : i32 to index
        %swap3A_369 = arith.index_cast %mul3A_144 : i32 to index
        %swap3A_370 = tpu.vector_load %arg11[%swap3A_367, %swap3A_368, %swap3A_369] {strides = array<i32>} : memref<2x64x128xf32, #tpu.memory_space<vmem>>, vector<16xf32>,
        tpu.vector_store %arg11[%swap3A_367, %swap3A_368, %swap3A_369], %mul3A_365 {strides = array<i32>} : memref<2x64x128xf32, #tpu.memory_space<vmem>>, vector<16xf32>,
        %broadcast_in_dim3A_371 = arith.constant 19 : i32
        %broadcast_in_dim3A_372 = vector.broadcast %broadcast_in_dim3A_371 : i32 to vector<16xi32>
        %gather3A_373 = tpu.vector_load_idx %arg8[%add3A_96, %broadcast_in_dim3A_372] : memref<256x64xf32, #tpu.memory_space<vmem>>[vector<16xi32>, vector<16xi32>], vector<16xf32>,
        %gather3A_374 = tpu.vector_load_idx %arg10[%add3A_100, %broadcast_in_dim3A_372] : memref<256x64xf32, #tpu.memory_space<vmem>>[vector<16xi32>, vector<16xi32>], vector<16xf32>,
        %gather3A_375 = tpu.vector_load_idx %arg9[%add3A_104, %broadcast_in_dim3A_372] : memref<256x64xf32, #tpu.memory_space<vmem>>[vector<16xi32>, vector<16xi32>], vector<16xf32>,
        %mul3A_376 = arith.mulf %gather3A_373, %gather3A_375 : vector<16xf32>
        %mul3A_377 = arith.mulf %mul3A_376, %gather3A_374 : vector<16xf32>
        %swap3A_378 = arith.constant 19 : i32
        %swap3A_379 = arith.index_cast %rem3A_125 : i32 to index
        %swap3A_380 = arith.index_cast %swap3A_378 : i32 to index
        %swap3A_381 = arith.index_cast %mul3A_144 : i32 to index
        %swap3A_382 = tpu.vector_load %arg11[%swap3A_379, %swap3A_380, %swap3A_381] {strides = array<i32>} : memref<2x64x128xf32, #tpu.memory_space<vmem>>, vector<16xf32>,
        tpu.vector_store %arg11[%swap3A_379, %swap3A_380, %swap3A_381], %mul3A_377 {strides = array<i32>} : memref<2x64x128xf32, #tpu.memory_space<vmem>>, vector<16xf32>,
        %broadcast_in_dim3A_383 = arith.constant 20 : i32
        %broadcast_in_dim3A_384 = vector.broadcast %broadcast_in_dim3A_383 : i32 to vector<16xi32>
        %gather3A_385 = tpu.vector_load_idx %arg8[%add3A_96, %broadcast_in_dim3A_384] : memref<256x64xf32, #tpu.memory_space<vmem>>[vector<16xi32>, vector<16xi32>], vector<16xf32>,
        %gather3A_386 = tpu.vector_load_idx %arg10[%add3A_100, %broadcast_in_dim3A_384] : memref<256x64xf32, #tpu.memory_space<vmem>>[vector<16xi32>, vector<16xi32>], vector<16xf32>,
        %gather3A_387 = tpu.vector_load_idx %arg9[%add3A_104, %broadcast_in_dim3A_384] : memref<256x64xf32, #tpu.memory_space<vmem>>[vector<16xi32>, vector<16xi32>], vector<16xf32>,
        %mul3A_388 = arith.mulf %gather3A_385, %gather3A_387 : vector<16xf32>
        %mul3A_389 = arith.mulf %mul3A_388, %gather3A_386 : vector<16xf32>
        %swap3A_390 = arith.constant 20 : i32
        %swap3A_391 = arith.index_cast %rem3A_125 : i32 to index
        %swap3A_392 = arith.index_cast %swap3A_390 : i32 to index
        %swap3A_393 = arith.index_cast %mul3A_144 : i32 to index
        %swap3A_394 = tpu.vector_load %arg11[%swap3A_391, %swap3A_392, %swap3A_393] {strides = array<i32>} : memref<2x64x128xf32, #tpu.memory_space<vmem>>, vector<16xf32>,
        tpu.vector_store %arg11[%swap3A_391, %swap3A_392, %swap3A_393], %mul3A_389 {strides = array<i32>} : memref<2x64x128xf32, #tpu.memory_space<vmem>>, vector<16xf32>,
        %broadcast_in_dim3A_395 = arith.constant 21 : i32
        %broadcast_in_dim3A_396 = vector.broadcast %broadcast_in_dim3A_395 : i32 to vector<16xi32>
        %gather3A_397 = tpu.vector_load_idx %arg8[%add3A_96, %broadcast_in_dim3A_396] : memref<256x64xf32, #tpu.memory_space<vmem>>[vector<16xi32>, vector<16xi32>], vector<16xf32>,
        %gather3A_398 = tpu.vector_load_idx %arg10[%add3A_100, %broadcast_in_dim3A_396] : memref<256x64xf32, #tpu.memory_space<vmem>>[vector<16xi32>, vector<16xi32>], vector<16xf32>,
        %gather3A_399 = tpu.vector_load_idx %arg9[%add3A_104, %broadcast_in_dim3A_396] : memref<256x64xf32, #tpu.memory_space<vmem>>[vector<16xi32>, vector<16xi32>], vector<16xf32>,
        %mul3A_400 = arith.mulf %gather3A_397, %gather3A_399 : vector<16xf32>
        %mul3A_401 = arith.mulf %mul3A_400, %gather3A_398 : vector<16xf32>
        %swap3A_402 = arith.constant 21 : i32
        %swap3A_403 = arith.index_cast %rem3A_125 : i32 to index
        %swap3A_404 = arith.index_cast %swap3A_402 : i32 to index
        %swap3A_405 = arith.index_cast %mul3A_144 : i32 to index
        %swap3A_406 = tpu.vector_load %arg11[%swap3A_403, %swap3A_404, %swap3A_405] {strides = array<i32>} : memref<2x64x128xf32, #tpu.memory_space<vmem>>, vector<16xf32>,
        tpu.vector_store %arg11[%swap3A_403, %swap3A_404, %swap3A_405], %mul3A_401 {strides = array<i32>} : memref<2x64x128xf32, #tpu.memory_space<vmem>>, vector<16xf32>,
        %broadcast_in_dim3A_407 = arith.constant 22 : i32
        %broadcast_in_dim3A_408 = vector.broadcast %broadcast_in_dim3A_407 : i32 to vector<16xi32>
        %gather3A_409 = tpu.vector_load_idx %arg8[%add3A_96, %broadcast_in_dim3A_408] : memref<256x64xf32, #tpu.memory_space<vmem>>[vector<16xi32>, vector<16xi32>], vector<16xf32>,
        %gather3A_410 = tpu.vector_load_idx %arg10[%add3A_100, %broadcast_in_dim3A_408] : memref<256x64xf32, #tpu.memory_space<vmem>>[vector<16xi32>, vector<16xi32>], vector<16xf32>,
        %gather3A_411 = tpu.vector_load_idx %arg9[%add3A_104, %broadcast_in_dim3A_408] : memref<256x64xf32, #tpu.memory_space<vmem>>[vector<16xi32>, vector<16xi32>], vector<16xf32>,
        %mul3A_412 = arith.mulf %gather3A_409, %gather3A_411 : vector<16xf32>
        %mul3A_413 = arith.mulf %mul3A_412, %gather3A_410 : vector<16xf32>
        %swap3A_414 = arith.constant 22 : i32
        %swap3A_415 = arith.index_cast %rem3A_125 : i32 to index
        %swap3A_416 = arith.index_cast %swap3A_414 : i32 to index
        %swap3A_417 = arith.index_cast %mul3A_144 : i32 to index
        %swap3A_418 = tpu.vector_load %arg11[%swap3A_415, %swap3A_416, %swap3A_417] {strides = array<i32>} : memref<2x64x128xf32, #tpu.memory_space<vmem>>, vector<16xf32>,
        tpu.vector_store %arg11[%swap3A_415, %swap3A_416, %swap3A_417], %mul3A_413 {strides = array<i32>} : memref<2x64x128xf32, #tpu.memory_space<vmem>>, vector<16xf32>,
        %broadcast_in_dim3A_419 = arith.constant 23 : i32
        %broadcast_in_dim3A_420 = vector.broadcast %broadcast_in_dim3A_419 : i32 to vector<16xi32>
        %gather3A_421 = tpu.vector_load_idx %arg8[%add3A_96, %broadcast_in_dim3A_420] : memref<256x64xf32, #tpu.memory_space<vmem>>[vector<16xi32>, vector<16xi32>], vector<16xf32>,
        %gather3A_422 = tpu.vector_load_idx %arg10[%add3A_100, %broadcast_in_dim3A_420] : memref<256x64xf32, #tpu.memory_space<vmem>>[vector<16xi32>, vector<16xi32>], vector<16xf32>,
        %gather3A_423 = tpu.vector_load_idx %arg9[%add3A_104, %broadcast_in_dim3A_420] : memref<256x64xf32, #tpu.memory_space<vmem>>[vector<16xi32>, vector<16xi32>], vector<16xf32>,
        %mul3A_424 = arith.mulf %gather3A_421, %gather3A_423 : vector<16xf32>
        %mul3A_425 = arith.mulf %mul3A_424, %gather3A_422 : vector<16xf32>
        %swap3A_426 = arith.constant 23 : i32
        %swap3A_427 = arith.index_cast %rem3A_125 : i32 to index
        %swap3A_428 = arith.index_cast %swap3A_426 : i32 to index
        %swap3A_429 = arith.index_cast %mul3A_144 : i32 to index
        %swap3A_430 = tpu.vector_load %arg11[%swap3A_427, %swap3A_428, %swap3A_429] {strides = array<i32>} : memref<2x64x128xf32, #tpu.memory_space<vmem>>, vector<16xf32>,
        tpu.vector_store %arg11[%swap3A_427, %swap3A_428, %swap3A_429], %mul3A_425 {strides = array<i32>} : memref<2x64x128xf32, #tpu.memory_space<vmem>>, vector<16xf32>,
        %broadcast_in_dim3A_431 = arith.constant 24 : i32
        %broadcast_in_dim3A_432 = vector.broadcast %broadcast_in_dim3A_431 : i32 to vector<16xi32>
        %gather3A_433 = tpu.vector_load_idx %arg8[%add3A_96, %broadcast_in_dim3A_432] : memref<256x64xf32, #tpu.memory_space<vmem>>[vector<16xi32>, vector<16xi32>], vector<16xf32>,
        %gather3A_434 = tpu.vector_load_idx %arg10[%add3A_100, %broadcast_in_dim3A_432] : memref<256x64xf32, #tpu.memory_space<vmem>>[vector<16xi32>, vector<16xi32>], vector<16xf32>,
        %gather3A_435 = tpu.vector_load_idx %arg9[%add3A_104, %broadcast_in_dim3A_432] : memref<256x64xf32, #tpu.memory_space<vmem>>[vector<16xi32>, vector<16xi32>], vector<16xf32>,
        %mul3A_436 = arith.mulf %gather3A_433, %gather3A_435 : vector<16xf32>
        %mul3A_437 = arith.mulf %mul3A_436, %gather3A_434 : vector<16xf32>
        %swap3A_438 = arith.constant 24 : i32
        %swap3A_439 = arith.index_cast %rem3A_125 : i32 to index
        %swap3A_440 = arith.index_cast %swap3A_438 : i32 to index
        %swap3A_441 = arith.index_cast %mul3A_144 : i32 to index
        %swap3A_442 = tpu.vector_load %arg11[%swap3A_439, %swap3A_440, %swap3A_441] {strides = array<i32>} : memref<2x64x128xf32, #tpu.memory_space<vmem>>, vector<16xf32>,
        tpu.vector_store %arg11[%swap3A_439, %swap3A_440, %swap3A_441], %mul3A_437 {strides = array<i32>} : memref<2x64x128xf32, #tpu.memory_space<vmem>>, vector<16xf32>,
        %broadcast_in_dim3A_443 = arith.constant 25 : i32
        %broadcast_in_dim3A_444 = vector.broadcast %broadcast_in_dim3A_443 : i32 to vector<16xi32>
        %gather3A_445 = tpu.vector_load_idx %arg8[%add3A_96, %broadcast_in_dim3A_444] : memref<256x64xf32, #tpu.memory_space<vmem>>[vector<16xi32>, vector<16xi32>], vector<16xf32>,
        %gather3A_446 = tpu.vector_load_idx %arg10[%add3A_100, %broadcast_in_dim3A_444] : memref<256x64xf32, #tpu.memory_space<vmem>>[vector<16xi32>, vector<16xi32>], vector<16xf32>,
        %gather3A_447 = tpu.vector_load_idx %arg9[%add3A_104, %broadcast_in_dim3A_444] : memref<256x64xf32, #tpu.memory_space<vmem>>[vector<16xi32>, vector<16xi32>], vector<16xf32>,
        %mul3A_448 = arith.mulf %gather3A_445, %gather3A_447 : vector<16xf32>
        %mul3A_449 = arith.mulf %mul3A_448, %gather3A_446 : vector<16xf32>
        %swap3A_450 = arith.constant 25 : i32
        %swap3A_451 = arith.index_cast %rem3A_125 : i32 to index
        %swap3A_452 = arith.index_cast %swap3A_450 : i32 to index
        %swap3A_453 = arith.index_cast %mul3A_144 : i32 to index
        %swap3A_454 = tpu.vector_load %arg11[%swap3A_451, %swap3A_452, %swap3A_453] {strides = array<i32>} : memref<2x64x128xf32, #tpu.memory_space<vmem>>, vector<16xf32>,
        tpu.vector_store %arg11[%swap3A_451, %swap3A_452, %swap3A_453], %mul3A_449 {strides = array<i32>} : memref<2x64x128xf32, #tpu.memory_space<vmem>>, vector<16xf32>,
        %broadcast_in_dim3A_455 = arith.constant 26 : i32
        %broadcast_in_dim3A_456 = vector.broadcast %broadcast_in_dim3A_455 : i32 to vector<16xi32>
        %gather3A_457 = tpu.vector_load_idx %arg8[%add3A_96, %broadcast_in_dim3A_456] : memref<256x64xf32, #tpu.memory_space<vmem>>[vector<16xi32>, vector<16xi32>], vector<16xf32>,
        %gather3A_458 = tpu.vector_load_idx %arg10[%add3A_100, %broadcast_in_dim3A_456] : memref<256x64xf32, #tpu.memory_space<vmem>>[vector<16xi32>, vector<16xi32>], vector<16xf32>,
        %gather3A_459 = tpu.vector_load_idx %arg9[%add3A_104, %broadcast_in_dim3A_456] : memref<256x64xf32, #tpu.memory_space<vmem>>[vector<16xi32>, vector<16xi32>], vector<16xf32>,
        %mul3A_460 = arith.mulf %gather3A_457, %gather3A_459 : vector<16xf32>
        %mul3A_461 = arith.mulf %mul3A_460, %gather3A_458 : vector<16xf32>
        %swap3A_462 = arith.constant 26 : i32
        %swap3A_463 = arith.index_cast %rem3A_125 : i32 to index
        %swap3A_464 = arith.index_cast %swap3A_462 : i32 to index
        %swap3A_465 = arith.index_cast %mul3A_144 : i32 to index
        %swap3A_466 = tpu.vector_load %arg11[%swap3A_463, %swap3A_464, %swap3A_465] {strides = array<i32>} : memref<2x64x128xf32, #tpu.memory_space<vmem>>, vector<16xf32>,
        tpu.vector_store %arg11[%swap3A_463, %swap3A_464, %swap3A_465], %mul3A_461 {strides = array<i32>} : memref<2x64x128xf32, #tpu.memory_space<vmem>>, vector<16xf32>,
        %broadcast_in_dim3A_467 = arith.constant 27 : i32
        %broadcast_in_dim3A_468 = vector.broadcast %broadcast_in_dim3A_467 : i32 to vector<16xi32>
        %gather3A_469 = tpu.vector_load_idx %arg8[%add3A_96, %broadcast_in_dim3A_468] : memref<256x64xf32, #tpu.memory_space<vmem>>[vector<16xi32>, vector<16xi32>], vector<16xf32>,
        %gather3A_470 = tpu.vector_load_idx %arg10[%add3A_100, %broadcast_in_dim3A_468] : memref<256x64xf32, #tpu.memory_space<vmem>>[vector<16xi32>, vector<16xi32>], vector<16xf32>,
        %gather3A_471 = tpu.vector_load_idx %arg9[%add3A_104, %broadcast_in_dim3A_468] : memref<256x64xf32, #tpu.memory_space<vmem>>[vector<16xi32>, vector<16xi32>], vector<16xf32>,
        %mul3A_472 = arith.mulf %gather3A_469, %gather3A_471 : vector<16xf32>
        %mul3A_473 = arith.mulf %mul3A_472, %gather3A_470 : vector<16xf32>
        %swap3A_474 = arith.constant 27 : i32
        %swap3A_475 = arith.index_cast %rem3A_125 : i32 to index
        %swap3A_476 = arith.index_cast %swap3A_474 : i32 to index
        %swap3A_477 = arith.index_cast %mul3A_144 : i32 to index
        %swap3A_478 = tpu.vector_load %arg11[%swap3A_475, %swap3A_476, %swap3A_477] {strides = array<i32>} : memref<2x64x128xf32, #tpu.memory_space<vmem>>, vector<16xf32>,
        tpu.vector_store %arg11[%swap3A_475, %swap3A_476, %swap3A_477], %mul3A_473 {strides = array<i32>} : memref<2x64x128xf32, #tpu.memory_space<vmem>>, vector<16xf32>,
        %broadcast_in_dim3A_479 = arith.constant 28 : i32
        %broadcast_in_dim3A_480 = vector.broadcast %broadcast_in_dim3A_479 : i32 to vector<16xi32>
        %gather3A_481 = tpu.vector_load_idx %arg8[%add3A_96, %broadcast_in_dim3A_480] : memref<256x64xf32, #tpu.memory_space<vmem>>[vector<16xi32>, vector<16xi32>], vector<16xf32>,
        %gather3A_482 = tpu.vector_load_idx %arg10[%add3A_100, %broadcast_in_dim3A_480] : memref<256x64xf32, #tpu.memory_space<vmem>>[vector<16xi32>, vector<16xi32>], vector<16xf32>,
        %gather3A_483 = tpu.vector_load_idx %arg9[%add3A_104, %broadcast_in_dim3A_480] : memref<256x64xf32, #tpu.memory_space<vmem>>[vector<16xi32>, vector<16xi32>], vector<16xf32>,
        %mul3A_484 = arith.mulf %gather3A_481, %gather3A_483 : vector<16xf32>
        %mul3A_485 = arith.mulf %mul3A_484, %gather3A_482 : vector<16xf32>
        %swap3A_486 = arith.constant 28 : i32
        %swap3A_487 = arith.index_cast %rem3A_125 : i32 to index
        %swap3A_488 = arith.index_cast %swap3A_486 : i32 to index
        %swap3A_489 = arith.index_cast %mul3A_144 : i32 to index
        %swap3A_490 = tpu.vector_load %arg11[%swap3A_487, %swap3A_488, %swap3A_489] {strides = array<i32>} : memref<2x64x128xf32, #tpu.memory_space<vmem>>, vector<16xf32>,
        tpu.vector_store %arg11[%swap3A_487, %swap3A_488, %swap3A_489], %mul3A_485 {strides = array<i32>} : memref<2x64x128xf32, #tpu.memory_space<vmem>>, vector<16xf32>,
        %broadcast_in_dim3A_491 = arith.constant 29 : i32
        %broadcast_in_dim3A_492 = vector.broadcast %broadcast_in_dim3A_491 : i32 to vector<16xi32>
        %gather3A_493 = tpu.vector_load_idx %arg8[%add3A_96, %broadcast_in_dim3A_492] : memref<256x64xf32, #tpu.memory_space<vmem>>[vector<16xi32>, vector<16xi32>], vector<16xf32>,
        %gather3A_494 = tpu.vector_load_idx %arg10[%add3A_100, %broadcast_in_dim3A_492] : memref<256x64xf32, #tpu.memory_space<vmem>>[vector<16xi32>, vector<16xi32>], vector<16xf32>,
        %gather3A_495 = tpu.vector_load_idx %arg9[%add3A_104, %broadcast_in_dim3A_492] : memref<256x64xf32, #tpu.memory_space<vmem>>[vector<16xi32>, vector<16xi32>], vector<16xf32>,
        %mul3A_496 = arith.mulf %gather3A_493, %gather3A_495 : vector<16xf32>
        %mul3A_497 = arith.mulf %mul3A_496, %gather3A_494 : vector<16xf32>
        %swap3A_498 = arith.constant 29 : i32
        %swap3A_499 = arith.index_cast %rem3A_125 : i32 to index
        %swap3A_500 = arith.index_cast %swap3A_498 : i32 to index
        %swap3A_501 = arith.index_cast %mul3A_144 : i32 to index
        %swap3A_502 = tpu.vector_load %arg11[%swap3A_499, %swap3A_500, %swap3A_501] {strides = array<i32>} : memref<2x64x128xf32, #tpu.memory_space<vmem>>, vector<16xf32>,
        tpu.vector_store %arg11[%swap3A_499, %swap3A_500, %swap3A_501], %mul3A_497 {strides = array<i32>} : memref<2x64x128xf32, #tpu.memory_space<vmem>>, vector<16xf32>,
        %broadcast_in_dim3A_503 = arith.constant 30 : i32
        %broadcast_in_dim3A_504 = vector.broadcast %broadcast_in_dim3A_503 : i32 to vector<16xi32>
        %gather3A_505 = tpu.vector_load_idx %arg8[%add3A_96, %broadcast_in_dim3A_504] : memref<256x64xf32, #tpu.memory_space<vmem>>[vector<16xi32>, vector<16xi32>], vector<16xf32>,
        %gather3A_506 = tpu.vector_load_idx %arg10[%add3A_100, %broadcast_in_dim3A_504] : memref<256x64xf32, #tpu.memory_space<vmem>>[vector<16xi32>, vector<16xi32>], vector<16xf32>,
        %gather3A_507 = tpu.vector_load_idx %arg9[%add3A_104, %broadcast_in_dim3A_504] : memref<256x64xf32, #tpu.memory_space<vmem>>[vector<16xi32>, vector<16xi32>], vector<16xf32>,
        %mul3A_508 = arith.mulf %gather3A_505, %gather3A_507 : vector<16xf32>
        %mul3A_509 = arith.mulf %mul3A_508, %gather3A_506 : vector<16xf32>
        %swap3A_510 = arith.constant 30 : i32
        %swap3A_511 = arith.index_cast %rem3A_125 : i32 to index
        %swap3A_512 = arith.index_cast %swap3A_510 : i32 to index
        %swap3A_513 = arith.index_cast %mul3A_144 : i32 to index
        %swap3A_514 = tpu.vector_load %arg11[%swap3A_511, %swap3A_512, %swap3A_513] {strides = array<i32>} : memref<2x64x128xf32, #tpu.memory_space<vmem>>, vector<16xf32>,
        tpu.vector_store %arg11[%swap3A_511, %swap3A_512, %swap3A_513], %mul3A_509 {strides = array<i32>} : memref<2x64x128xf32, #tpu.memory_space<vmem>>, vector<16xf32>,
        %broadcast_in_dim3A_515 = arith.constant 31 : i32
        %broadcast_in_dim3A_516 = vector.broadcast %broadcast_in_dim3A_515 : i32 to vector<16xi32>
        %gather3A_517 = tpu.vector_load_idx %arg8[%add3A_96, %broadcast_in_dim3A_516] : memref<256x64xf32, #tpu.memory_space<vmem>>[vector<16xi32>, vector<16xi32>], vector<16xf32>,
        %gather3A_518 = tpu.vector_load_idx %arg10[%add3A_100, %broadcast_in_dim3A_516] : memref<256x64xf32, #tpu.memory_space<vmem>>[vector<16xi32>, vector<16xi32>], vector<16xf32>,
        %gather3A_519 = tpu.vector_load_idx %arg9[%add3A_104, %broadcast_in_dim3A_516] : memref<256x64xf32, #tpu.memory_space<vmem>>[vector<16xi32>, vector<16xi32>], vector<16xf32>,
        %mul3A_520 = arith.mulf %gather3A_517, %gather3A_519 : vector<16xf32>
        %mul3A_521 = arith.mulf %mul3A_520, %gather3A_518 : vector<16xf32>
        %swap3A_522 = arith.constant 31 : i32
        %swap3A_523 = arith.index_cast %rem3A_125 : i32 to index
        %swap3A_524 = arith.index_cast %swap3A_522 : i32 to index
        %swap3A_525 = arith.index_cast %mul3A_144 : i32 to index
        %swap3A_526 = tpu.vector_load %arg11[%swap3A_523, %swap3A_524, %swap3A_525] {strides = array<i32>} : memref<2x64x128xf32, #tpu.memory_space<vmem>>, vector<16xf32>,
        tpu.vector_store %arg11[%swap3A_523, %swap3A_524, %swap3A_525], %mul3A_521 {strides = array<i32>} : memref<2x64x128xf32, #tpu.memory_space<vmem>>, vector<16xf32>,
        %broadcast_in_dim3A_527 = arith.constant 32 : i32
        %broadcast_in_dim3A_528 = vector.broadcast %broadcast_in_dim3A_527 : i32 to vector<16xi32>
        %gather3A_529 = tpu.vector_load_idx %arg8[%add3A_96, %broadcast_in_dim3A_528] : memref<256x64xf32, #tpu.memory_space<vmem>>[vector<16xi32>, vector<16xi32>], vector<16xf32>,
        %gather3A_530 = tpu.vector_load_idx %arg10[%add3A_100, %broadcast_in_dim3A_528] : memref<256x64xf32, #tpu.memory_space<vmem>>[vector<16xi32>, vector<16xi32>], vector<16xf32>,
        %gather3A_531 = tpu.vector_load_idx %arg9[%add3A_104, %broadcast_in_dim3A_528] : memref<256x64xf32, #tpu.memory_space<vmem>>[vector<16xi32>, vector<16xi32>], vector<16xf32>,
        %mul3A_532 = arith.mulf %gather3A_529, %gather3A_531 : vector<16xf32>
        %mul3A_533 = arith.mulf %mul3A_532, %gather3A_530 : vector<16xf32>
        %swap3A_534 = arith.constant 32 : i32
        %swap3A_535 = arith.index_cast %rem3A_125 : i32 to index
        %swap3A_536 = arith.index_cast %swap3A_534 : i32 to index
        %swap3A_537 = arith.index_cast %mul3A_144 : i32 to index
        %swap3A_538 = tpu.vector_load %arg11[%swap3A_535, %swap3A_536, %swap3A_537] {strides = array<i32>} : memref<2x64x128xf32, #tpu.memory_space<vmem>>, vector<16xf32>,
        tpu.vector_store %arg11[%swap3A_535, %swap3A_536, %swap3A_537], %mul3A_533 {strides = array<i32>} : memref<2x64x128xf32, #tpu.memory_space<vmem>>, vector<16xf32>,
        %broadcast_in_dim3A_539 = arith.constant 33 : i32
        %broadcast_in_dim3A_540 = vector.broadcast %broadcast_in_dim3A_539 : i32 to vector<16xi32>
        %gather3A_541 = tpu.vector_load_idx %arg8[%add3A_96, %broadcast_in_dim3A_540] : memref<256x64xf32, #tpu.memory_space<vmem>>[vector<16xi32>, vector<16xi32>], vector<16xf32>,
        %gather3A_542 = tpu.vector_load_idx %arg10[%add3A_100, %broadcast_in_dim3A_540] : memref<256x64xf32, #tpu.memory_space<vmem>>[vector<16xi32>, vector<16xi32>], vector<16xf32>,
        %gather3A_543 = tpu.vector_load_idx %arg9[%add3A_104, %broadcast_in_dim3A_540] : memref<256x64xf32, #tpu.memory_space<vmem>>[vector<16xi32>, vector<16xi32>], vector<16xf32>,
        %mul3A_544 = arith.mulf %gather3A_541, %gather3A_543 : vector<16xf32>
        %mul3A_545 = arith.mulf %mul3A_544, %gather3A_542 : vector<16xf32>
        %swap3A_546 = arith.constant 33 : i32
        %swap3A_547 = arith.index_cast %rem3A_125 : i32 to index
        %swap3A_548 = arith.index_cast %swap3A_546 : i32 to index
        %swap3A_549 = arith.index_cast %mul3A_144 : i32 to index
        %swap3A_550 = tpu.vector_load %arg11[%swap3A_547, %swap3A_548, %swap3A_549] {strides = array<i32>} : memref<2x64x128xf32, #tpu.memory_space<vmem>>, vector<16xf32>,
        tpu.vector_store %arg11[%swap3A_547, %swap3A_548, %swap3A_549], %mul3A_545 {strides = array<i32>} : memref<2x64x128xf32, #tpu.memory_space<vmem>>, vector<16xf32>,
        %broadcast_in_dim3A_551 = arith.constant 34 : i32
        %broadcast_in_dim3A_552 = vector.broadcast %broadcast_in_dim3A_551 : i32 to vector<16xi32>
        %gather3A_553 = tpu.vector_load_idx %arg8[%add3A_96, %broadcast_in_dim3A_552] : memref<256x64xf32, #tpu.memory_space<vmem>>[vector<16xi32>, vector<16xi32>], vector<16xf32>,
        %gather3A_554 = tpu.vector_load_idx %arg10[%add3A_100, %broadcast_in_dim3A_552] : memref<256x64xf32, #tpu.memory_space<vmem>>[vector<16xi32>, vector<16xi32>], vector<16xf32>,
        %gather3A_555 = tpu.vector_load_idx %arg9[%add3A_104, %broadcast_in_dim3A_552] : memref<256x64xf32, #tpu.memory_space<vmem>>[vector<16xi32>, vector<16xi32>], vector<16xf32>,
        %mul3A_556 = arith.mulf %gather3A_553, %gather3A_555 : vector<16xf32>
        %mul3A_557 = arith.mulf %mul3A_556, %gather3A_554 : vector<16xf32>
        %swap3A_558 = arith.constant 34 : i32
        %swap3A_559 = arith.index_cast %rem3A_125 : i32 to index
        %swap3A_560 = arith.index_cast %swap3A_558 : i32 to index
        %swap3A_561 = arith.index_cast %mul3A_144 : i32 to index
        %swap3A_562 = tpu.vector_load %arg11[%swap3A_559, %swap3A_560, %swap3A_561] {strides = array<i32>} : memref<2x64x128xf32, #tpu.memory_space<vmem>>, vector<16xf32>,
        tpu.vector_store %arg11[%swap3A_559, %swap3A_560, %swap3A_561], %mul3A_557 {strides = array<i32>} : memref<2x64x128xf32, #tpu.memory_space<vmem>>, vector<16xf32>,
        %broadcast_in_dim3A_563 = arith.constant 35 : i32
        %broadcast_in_dim3A_564 = vector.broadcast %broadcast_in_dim3A_563 : i32 to vector<16xi32>
        %gather3A_565 = tpu.vector_load_idx %arg8[%add3A_96, %broadcast_in_dim3A_564] : memref<256x64xf32, #tpu.memory_space<vmem>>[vector<16xi32>, vector<16xi32>], vector<16xf32>,
        %gather3A_566 = tpu.vector_load_idx %arg10[%add3A_100, %broadcast_in_dim3A_564] : memref<256x64xf32, #tpu.memory_space<vmem>>[vector<16xi32>, vector<16xi32>], vector<16xf32>,
        %gather3A_567 = tpu.vector_load_idx %arg9[%add3A_104, %broadcast_in_dim3A_564] : memref<256x64xf32, #tpu.memory_space<vmem>>[vector<16xi32>, vector<16xi32>], vector<16xf32>,
        %mul3A_568 = arith.mulf %gather3A_565, %gather3A_567 : vector<16xf32>
        %mul3A_569 = arith.mulf %mul3A_568, %gather3A_566 : vector<16xf32>
        %swap3A_570 = arith.constant 35 : i32
        %swap3A_571 = arith.index_cast %rem3A_125 : i32 to index
        %swap3A_572 = arith.index_cast %swap3A_570 : i32 to index
        %swap3A_573 = arith.index_cast %mul3A_144 : i32 to index
        %swap3A_574 = tpu.vector_load %arg11[%swap3A_571, %swap3A_572, %swap3A_573] {strides = array<i32>} : memref<2x64x128xf32, #tpu.memory_space<vmem>>, vector<16xf32>,
        tpu.vector_store %arg11[%swap3A_571, %swap3A_572, %swap3A_573], %mul3A_569 {strides = array<i32>} : memref<2x64x128xf32, #tpu.memory_space<vmem>>, vector<16xf32>,
        %broadcast_in_dim3A_575 = arith.constant 36 : i32
        %broadcast_in_dim3A_576 = vector.broadcast %broadcast_in_dim3A_575 : i32 to vector<16xi32>
        %gather3A_577 = tpu.vector_load_idx %arg8[%add3A_96, %broadcast_in_dim3A_576] : memref<256x64xf32, #tpu.memory_space<vmem>>[vector<16xi32>, vector<16xi32>], vector<16xf32>,
        %gather3A_578 = tpu.vector_load_idx %arg10[%add3A_100, %broadcast_in_dim3A_576] : memref<256x64xf32, #tpu.memory_space<vmem>>[vector<16xi32>, vector<16xi32>], vector<16xf32>,
        %gather3A_579 = tpu.vector_load_idx %arg9[%add3A_104, %broadcast_in_dim3A_576] : memref<256x64xf32, #tpu.memory_space<vmem>>[vector<16xi32>, vector<16xi32>], vector<16xf32>,
        %mul3A_580 = arith.mulf %gather3A_577, %gather3A_579 : vector<16xf32>
        %mul3A_581 = arith.mulf %mul3A_580, %gather3A_578 : vector<16xf32>
        %swap3A_582 = arith.constant 36 : i32
        %swap3A_583 = arith.index_cast %rem3A_125 : i32 to index
        %swap3A_584 = arith.index_cast %swap3A_582 : i32 to index
        %swap3A_585 = arith.index_cast %mul3A_144 : i32 to index
        %swap3A_586 = tpu.vector_load %arg11[%swap3A_583, %swap3A_584, %swap3A_585] {strides = array<i32>} : memref<2x64x128xf32, #tpu.memory_space<vmem>>, vector<16xf32>,
        tpu.vector_store %arg11[%swap3A_583, %swap3A_584, %swap3A_585], %mul3A_581 {strides = array<i32>} : memref<2x64x128xf32, #tpu.memory_space<vmem>>, vector<16xf32>,
        %broadcast_in_dim3A_587 = arith.constant 37 : i32
        %broadcast_in_dim3A_588 = vector.broadcast %broadcast_in_dim3A_587 : i32 to vector<16xi32>
        %gather3A_589 = tpu.vector_load_idx %arg8[%add3A_96, %broadcast_in_dim3A_588] : memref<256x64xf32, #tpu.memory_space<vmem>>[vector<16xi32>, vector<16xi32>], vector<16xf32>,
        %gather3A_590 = tpu.vector_load_idx %arg10[%add3A_100, %broadcast_in_dim3A_588] : memref<256x64xf32, #tpu.memory_space<vmem>>[vector<16xi32>, vector<16xi32>], vector<16xf32>,
        %gather3A_591 = tpu.vector_load_idx %arg9[%add3A_104, %broadcast_in_dim3A_588] : memref<256x64xf32, #tpu.memory_space<vmem>>[vector<16xi32>, vector<16xi32>], vector<16xf32>,
        %mul3A_592 = arith.mulf %gather3A_589, %gather3A_591 : vector<16xf32>
        %mul3A_593 = arith.mulf %mul3A_592, %gather3A_590 : vector<16xf32>
        %swap3A_594 = arith.constant 37 : i32
        %swap3A_595 = arith.index_cast %rem3A_125 : i32 to index
        %swap3A_596 = arith.index_cast %swap3A_594 : i32 to index
        %swap3A_597 = arith.index_cast %mul3A_144 : i32 to index
        %swap3A_598 = tpu.vector_load %arg11[%swap3A_595, %swap3A_596, %swap3A_597] {strides = array<i32>} : memref<2x64x128xf32, #tpu.memory_space<vmem>>, vector<16xf32>,
        tpu.vector_store %arg11[%swap3A_595, %swap3A_596, %swap3A_597], %mul3A_593 {strides = array<i32>} : memref<2x64x128xf32, #tpu.memory_space<vmem>>, vector<16xf32>,
        %broadcast_in_dim3A_599 = arith.constant 38 : i32
        %broadcast_in_dim3A_600 = vector.broadcast %broadcast_in_dim3A_599 : i32 to vector<16xi32>
        %gather3A_601 = tpu.vector_load_idx %arg8[%add3A_96, %broadcast_in_dim3A_600] : memref<256x64xf32, #tpu.memory_space<vmem>>[vector<16xi32>, vector<16xi32>], vector<16xf32>,
        %gather3A_602 = tpu.vector_load_idx %arg10[%add3A_100, %broadcast_in_dim3A_600] : memref<256x64xf32, #tpu.memory_space<vmem>>[vector<16xi32>, vector<16xi32>], vector<16xf32>,
        %gather3A_603 = tpu.vector_load_idx %arg9[%add3A_104, %broadcast_in_dim3A_600] : memref<256x64xf32, #tpu.memory_space<vmem>>[vector<16xi32>, vector<16xi32>], vector<16xf32>,
        %mul3A_604 = arith.mulf %gather3A_601, %gather3A_603 : vector<16xf32>
        %mul3A_605 = arith.mulf %mul3A_604, %gather3A_602 : vector<16xf32>
        %swap3A_606 = arith.constant 38 : i32
        %swap3A_607 = arith.index_cast %rem3A_125 : i32 to index
        %swap3A_608 = arith.index_cast %swap3A_606 : i32 to index
        %swap3A_609 = arith.index_cast %mul3A_144 : i32 to index
        %swap3A_610 = tpu.vector_load %arg11[%swap3A_607, %swap3A_608, %swap3A_609] {strides = array<i32>} : memref<2x64x128xf32, #tpu.memory_space<vmem>>, vector<16xf32>,
        tpu.vector_store %arg11[%swap3A_607, %swap3A_608, %swap3A_609], %mul3A_605 {strides = array<i32>} : memref<2x64x128xf32, #tpu.memory_space<vmem>>, vector<16xf32>,
        %broadcast_in_dim3A_611 = arith.constant 39 : i32
        %broadcast_in_dim3A_612 = vector.broadcast %broadcast_in_dim3A_611 : i32 to vector<16xi32>
        %gather3A_613 = tpu.vector_load_idx %arg8[%add3A_96, %broadcast_in_dim3A_612] : memref<256x64xf32, #tpu.memory_space<vmem>>[vector<16xi32>, vector<16xi32>], vector<16xf32>,
        %gather3A_614 = tpu.vector_load_idx %arg10[%add3A_100, %broadcast_in_dim3A_612] : memref<256x64xf32, #tpu.memory_space<vmem>>[vector<16xi32>, vector<16xi32>], vector<16xf32>,
        %gather3A_615 = tpu.vector_load_idx %arg9[%add3A_104, %broadcast_in_dim3A_612] : memref<256x64xf32, #tpu.memory_space<vmem>>[vector<16xi32>, vector<16xi32>], vector<16xf32>,
        %mul3A_616 = arith.mulf %gather3A_613, %gather3A_615 : vector<16xf32>
        %mul3A_617 = arith.mulf %mul3A_616, %gather3A_614 : vector<16xf32>
        %swap3A_618 = arith.constant 39 : i32
        %swap3A_619 = arith.index_cast %rem3A_125 : i32 to index
        %swap3A_620 = arith.index_cast %swap3A_618 : i32 to index
        %swap3A_621 = arith.index_cast %mul3A_144 : i32 to index
        %swap3A_622 = tpu.vector_load %arg11[%swap3A_619, %swap3A_620, %swap3A_621] {strides = array<i32>} : memref<2x64x128xf32, #tpu.memory_space<vmem>>, vector<16xf32>,
        tpu.vector_store %arg11[%swap3A_619, %swap3A_620, %swap3A_621], %mul3A_617 {strides = array<i32>} : memref<2x64x128xf32, #tpu.memory_space<vmem>>, vector<16xf32>,
        %broadcast_in_dim3A_623 = arith.constant 40 : i32
        %broadcast_in_dim3A_624 = vector.broadcast %broadcast_in_dim3A_623 : i32 to vector<16xi32>
        %gather3A_625 = tpu.vector_load_idx %arg8[%add3A_96, %broadcast_in_dim3A_624] : memref<256x64xf32, #tpu.memory_space<vmem>>[vector<16xi32>, vector<16xi32>], vector<16xf32>,
        %gather3A_626 = tpu.vector_load_idx %arg10[%add3A_100, %broadcast_in_dim3A_624] : memref<256x64xf32, #tpu.memory_space<vmem>>[vector<16xi32>, vector<16xi32>], vector<16xf32>,
        %gather3A_627 = tpu.vector_load_idx %arg9[%add3A_104, %broadcast_in_dim3A_624] : memref<256x64xf32, #tpu.memory_space<vmem>>[vector<16xi32>, vector<16xi32>], vector<16xf32>,
        %mul3A_628 = arith.mulf %gather3A_625, %gather3A_627 : vector<16xf32>
        %mul3A_629 = arith.mulf %mul3A_628, %gather3A_626 : vector<16xf32>
        %swap3A_630 = arith.constant 40 : i32
        %swap3A_631 = arith.index_cast %rem3A_125 : i32 to index
        %swap3A_632 = arith.index_cast %swap3A_630 : i32 to index
        %swap3A_633 = arith.index_cast %mul3A_144 : i32 to index
        %swap3A_634 = tpu.vector_load %arg11[%swap3A_631, %swap3A_632, %swap3A_633] {strides = array<i32>} : memref<2x64x128xf32, #tpu.memory_space<vmem>>, vector<16xf32>,
        tpu.vector_store %arg11[%swap3A_631, %swap3A_632, %swap3A_633], %mul3A_629 {strides = array<i32>} : memref<2x64x128xf32, #tpu.memory_space<vmem>>, vector<16xf32>,
        %broadcast_in_dim3A_635 = arith.constant 41 : i32
        %broadcast_in_dim3A_636 = vector.broadcast %broadcast_in_dim3A_635 : i32 to vector<16xi32>
        %gather3A_637 = tpu.vector_load_idx %arg8[%add3A_96, %broadcast_in_dim3A_636] : memref<256x64xf32, #tpu.memory_space<vmem>>[vector<16xi32>, vector<16xi32>], vector<16xf32>,
        %gather3A_638 = tpu.vector_load_idx %arg10[%add3A_100, %broadcast_in_dim3A_636] : memref<256x64xf32, #tpu.memory_space<vmem>>[vector<16xi32>, vector<16xi32>], vector<16xf32>,
        %gather3A_639 = tpu.vector_load_idx %arg9[%add3A_104, %broadcast_in_dim3A_636] : memref<256x64xf32, #tpu.memory_space<vmem>>[vector<16xi32>, vector<16xi32>], vector<16xf32>,
        %mul3A_640 = arith.mulf %gather3A_637, %gather3A_639 : vector<16xf32>
        %mul3A_641 = arith.mulf %mul3A_640, %gather3A_638 : vector<16xf32>
        %swap3A_642 = arith.constant 41 : i32
        %swap3A_643 = arith.index_cast %rem3A_125 : i32 to index
        %swap3A_644 = arith.index_cast %swap3A_642 : i32 to index
        %swap3A_645 = arith.index_cast %mul3A_144 : i32 to index
        %swap3A_646 = tpu.vector_load %arg11[%swap3A_643, %swap3A_644, %swap3A_645] {strides = array<i32>} : memref<2x64x128xf32, #tpu.memory_space<vmem>>, vector<16xf32>,
        tpu.vector_store %arg11[%swap3A_643, %swap3A_644, %swap3A_645], %mul3A_641 {strides = array<i32>} : memref<2x64x128xf32, #tpu.memory_space<vmem>>, vector<16xf32>,
        %broadcast_in_dim3A_647 = arith.constant 42 : i32
        %broadcast_in_dim3A_648 = vector.broadcast %broadcast_in_dim3A_647 : i32 to vector<16xi32>
        %gather3A_649 = tpu.vector_load_idx %arg8[%add3A_96, %broadcast_in_dim3A_648] : memref<256x64xf32, #tpu.memory_space<vmem>>[vector<16xi32>, vector<16xi32>], vector<16xf32>,
        %gather3A_650 = tpu.vector_load_idx %arg10[%add3A_100, %broadcast_in_dim3A_648] : memref<256x64xf32, #tpu.memory_space<vmem>>[vector<16xi32>, vector<16xi32>], vector<16xf32>,
        %gather3A_651 = tpu.vector_load_idx %arg9[%add3A_104, %broadcast_in_dim3A_648] : memref<256x64xf32, #tpu.memory_space<vmem>>[vector<16xi32>, vector<16xi32>], vector<16xf32>,
        %mul3A_652 = arith.mulf %gather3A_649, %gather3A_651 : vector<16xf32>
        %mul3A_653 = arith.mulf %mul3A_652, %gather3A_650 : vector<16xf32>
        %swap3A_654 = arith.constant 42 : i32
        %swap3A_655 = arith.index_cast %rem3A_125 : i32 to index
        %swap3A_656 = arith.index_cast %swap3A_654 : i32 to index
        %swap3A_657 = arith.index_cast %mul3A_144 : i32 to index
        %swap3A_658 = tpu.vector_load %arg11[%swap3A_655, %swap3A_656, %swap3A_657] {strides = array<i32>} : memref<2x64x128xf32, #tpu.memory_space<vmem>>, vector<16xf32>,
        tpu.vector_store %arg11[%swap3A_655, %swap3A_656, %swap3A_657], %mul3A_653 {strides = array<i32>} : memref<2x64x128xf32, #tpu.memory_space<vmem>>, vector<16xf32>,
        %broadcast_in_dim3A_659 = arith.constant 43 : i32
        %broadcast_in_dim3A_660 = vector.broadcast %broadcast_in_dim3A_659 : i32 to vector<16xi32>
        %gather3A_661 = tpu.vector_load_idx %arg8[%add3A_96, %broadcast_in_dim3A_660] : memref<256x64xf32, #tpu.memory_space<vmem>>[vector<16xi32>, vector<16xi32>], vector<16xf32>,
        %gather3A_662 = tpu.vector_load_idx %arg10[%add3A_100, %broadcast_in_dim3A_660] : memref<256x64xf32, #tpu.memory_space<vmem>>[vector<16xi32>, vector<16xi32>], vector<16xf32>,
        %gather3A_663 = tpu.vector_load_idx %arg9[%add3A_104, %broadcast_in_dim3A_660] : memref<256x64xf32, #tpu.memory_space<vmem>>[vector<16xi32>, vector<16xi32>], vector<16xf32>,
        %mul3A_664 = arith.mulf %gather3A_661, %gather3A_663 : vector<16xf32>
        %mul3A_665 = arith.mulf %mul3A_664, %gather3A_662 : vector<16xf32>
        %swap3A_666 = arith.constant 43 : i32
        %swap3A_667 = arith.index_cast %rem3A_125 : i32 to index
        %swap3A_668 = arith.index_cast %swap3A_666 : i32 to index
        %swap3A_669 = arith.index_cast %mul3A_144 : i32 to index
        %swap3A_670 = tpu.vector_load %arg11[%swap3A_667, %swap3A_668, %swap3A_669] {strides = array<i32>} : memref<2x64x128xf32, #tpu.memory_space<vmem>>, vector<16xf32>,
        tpu.vector_store %arg11[%swap3A_667, %swap3A_668, %swap3A_669], %mul3A_665 {strides = array<i32>} : memref<2x64x128xf32, #tpu.memory_space<vmem>>, vector<16xf32>,
        %broadcast_in_dim3A_671 = arith.constant 44 : i32
        %broadcast_in_dim3A_672 = vector.broadcast %broadcast_in_dim3A_671 : i32 to vector<16xi32>
        %gather3A_673 = tpu.vector_load_idx %arg8[%add3A_96, %broadcast_in_dim3A_672] : memref<256x64xf32, #tpu.memory_space<vmem>>[vector<16xi32>, vector<16xi32>], vector<16xf32>,
        %gather3A_674 = tpu.vector_load_idx %arg10[%add3A_100, %broadcast_in_dim3A_672] : memref<256x64xf32, #tpu.memory_space<vmem>>[vector<16xi32>, vector<16xi32>], vector<16xf32>,
        %gather3A_675 = tpu.vector_load_idx %arg9[%add3A_104, %broadcast_in_dim3A_672] : memref<256x64xf32, #tpu.memory_space<vmem>>[vector<16xi32>, vector<16xi32>], vector<16xf32>,
        %mul3A_676 = arith.mulf %gather3A_673, %gather3A_675 : vector<16xf32>
        %mul3A_677 = arith.mulf %mul3A_676, %gather3A_674 : vector<16xf32>
        %swap3A_678 = arith.constant 44 : i32
        %swap3A_679 = arith.index_cast %rem3A_125 : i32 to index
        %swap3A_680 = arith.index_cast %swap3A_678 : i32 to index
        %swap3A_681 = arith.index_cast %mul3A_144 : i32 to index
        %swap3A_682 = tpu.vector_load %arg11[%swap3A_679, %swap3A_680, %swap3A_681] {strides = array<i32>} : memref<2x64x128xf32, #tpu.memory_space<vmem>>, vector<16xf32>,
        tpu.vector_store %arg11[%swap3A_679, %swap3A_680, %swap3A_681], %mul3A_677 {strides = array<i32>} : memref<2x64x128xf32, #tpu.memory_space<vmem>>, vector<16xf32>,
        %broadcast_in_dim3A_683 = arith.constant 45 : i32
        %broadcast_in_dim3A_684 = vector.broadcast %broadcast_in_dim3A_683 : i32 to vector<16xi32>
        %gather3A_685 = tpu.vector_load_idx %arg8[%add3A_96, %broadcast_in_dim3A_684] : memref<256x64xf32, #tpu.memory_space<vmem>>[vector<16xi32>, vector<16xi32>], vector<16xf32>,
        %gather3A_686 = tpu.vector_load_idx %arg10[%add3A_100, %broadcast_in_dim3A_684] : memref<256x64xf32, #tpu.memory_space<vmem>>[vector<16xi32>, vector<16xi32>], vector<16xf32>,
        %gather3A_687 = tpu.vector_load_idx %arg9[%add3A_104, %broadcast_in_dim3A_684] : memref<256x64xf32, #tpu.memory_space<vmem>>[vector<16xi32>, vector<16xi32>], vector<16xf32>,
        %mul3A_688 = arith.mulf %gather3A_685, %gather3A_687 : vector<16xf32>
        %mul3A_689 = arith.mulf %mul3A_688, %gather3A_686 : vector<16xf32>
        %swap3A_690 = arith.constant 45 : i32
        %swap3A_691 = arith.index_cast %rem3A_125 : i32 to index
        %swap3A_692 = arith.index_cast %swap3A_690 : i32 to index
        %swap3A_693 = arith.index_cast %mul3A_144 : i32 to index
        %swap3A_694 = tpu.vector_load %arg11[%swap3A_691, %swap3A_692, %swap3A_693] {strides = array<i32>} : memref<2x64x128xf32, #tpu.memory_space<vmem>>, vector<16xf32>,
        tpu.vector_store %arg11[%swap3A_691, %swap3A_692, %swap3A_693], %mul3A_689 {strides = array<i32>} : memref<2x64x128xf32, #tpu.memory_space<vmem>>, vector<16xf32>,
        %broadcast_in_dim3A_695 = arith.constant 46 : i32
        %broadcast_in_dim3A_696 = vector.broadcast %broadcast_in_dim3A_695 : i32 to vector<16xi32>
        %gather3A_697 = tpu.vector_load_idx %arg8[%add3A_96, %broadcast_in_dim3A_696] : memref<256x64xf32, #tpu.memory_space<vmem>>[vector<16xi32>, vector<16xi32>], vector<16xf32>,
        %gather3A_698 = tpu.vector_load_idx %arg10[%add3A_100, %broadcast_in_dim3A_696] : memref<256x64xf32, #tpu.memory_space<vmem>>[vector<16xi32>, vector<16xi32>], vector<16xf32>,
        %gather3A_699 = tpu.vector_load_idx %arg9[%add3A_104, %broadcast_in_dim3A_696] : memref<256x64xf32, #tpu.memory_space<vmem>>[vector<16xi32>, vector<16xi32>], vector<16xf32>,
        %mul3A_700 = arith.mulf %gather3A_697, %gather3A_699 : vector<16xf32>
        %mul3A_701 = arith.mulf %mul3A_700, %gather3A_698 : vector<16xf32>
        %swap3A_702 = arith.constant 46 : i32
        %swap3A_703 = arith.index_cast %rem3A_125 : i32 to index
        %swap3A_704 = arith.index_cast %swap3A_702 : i32 to index
        %swap3A_705 = arith.index_cast %mul3A_144 : i32 to index
        %swap3A_706 = tpu.vector_load %arg11[%swap3A_703, %swap3A_704, %swap3A_705] {strides = array<i32>} : memref<2x64x128xf32, #tpu.memory_space<vmem>>, vector<16xf32>,
        tpu.vector_store %arg11[%swap3A_703, %swap3A_704, %swap3A_705], %mul3A_701 {strides = array<i32>} : memref<2x64x128xf32, #tpu.memory_space<vmem>>, vector<16xf32>,
        %broadcast_in_dim3A_707 = arith.constant 47 : i32
        %broadcast_in_dim3A_708 = vector.broadcast %broadcast_in_dim3A_707 : i32 to vector<16xi32>
        %gather3A_709 = tpu.vector_load_idx %arg8[%add3A_96, %broadcast_in_dim3A_708] : memref<256x64xf32, #tpu.memory_space<vmem>>[vector<16xi32>, vector<16xi32>], vector<16xf32>,
        %gather3A_710 = tpu.vector_load_idx %arg10[%add3A_100, %broadcast_in_dim3A_708] : memref<256x64xf32, #tpu.memory_space<vmem>>[vector<16xi32>, vector<16xi32>], vector<16xf32>,
        %gather3A_711 = tpu.vector_load_idx %arg9[%add3A_104, %broadcast_in_dim3A_708] : memref<256x64xf32, #tpu.memory_space<vmem>>[vector<16xi32>, vector<16xi32>], vector<16xf32>,
        %mul3A_712 = arith.mulf %gather3A_709, %gather3A_711 : vector<16xf32>
        %mul3A_713 = arith.mulf %mul3A_712, %gather3A_710 : vector<16xf32>
        %swap3A_714 = arith.constant 47 : i32
        %swap3A_715 = arith.index_cast %rem3A_125 : i32 to index
        %swap3A_716 = arith.index_cast %swap3A_714 : i32 to index
        %swap3A_717 = arith.index_cast %mul3A_144 : i32 to index
        %swap3A_718 = tpu.vector_load %arg11[%swap3A_715, %swap3A_716, %swap3A_717] {strides = array<i32>} : memref<2x64x128xf32, #tpu.memory_space<vmem>>, vector<16xf32>,
        tpu.vector_store %arg11[%swap3A_715, %swap3A_716, %swap3A_717], %mul3A_713 {strides = array<i32>} : memref<2x64x128xf32, #tpu.memory_space<vmem>>, vector<16xf32>,
        %broadcast_in_dim3A_719 = arith.constant 48 : i32
        %broadcast_in_dim3A_720 = vector.broadcast %broadcast_in_dim3A_719 : i32 to vector<16xi32>
        %gather3A_721 = tpu.vector_load_idx %arg8[%add3A_96, %broadcast_in_dim3A_720] : memref<256x64xf32, #tpu.memory_space<vmem>>[vector<16xi32>, vector<16xi32>], vector<16xf32>,
        %gather3A_722 = tpu.vector_load_idx %arg10[%add3A_100, %broadcast_in_dim3A_720] : memref<256x64xf32, #tpu.memory_space<vmem>>[vector<16xi32>, vector<16xi32>], vector<16xf32>,
        %gather3A_723 = tpu.vector_load_idx %arg9[%add3A_104, %broadcast_in_dim3A_720] : memref<256x64xf32, #tpu.memory_space<vmem>>[vector<16xi32>, vector<16xi32>], vector<16xf32>,
        %mul3A_724 = arith.mulf %gather3A_721, %gather3A_723 : vector<16xf32>
        %mul3A_725 = arith.mulf %mul3A_724, %gather3A_722 : vector<16xf32>
        %swap3A_726 = arith.constant 48 : i32
        %swap3A_727 = arith.index_cast %rem3A_125 : i32 to index
        %swap3A_728 = arith.index_cast %swap3A_726 : i32 to index
        %swap3A_729 = arith.index_cast %mul3A_144 : i32 to index
        %swap3A_730 = tpu.vector_load %arg11[%swap3A_727, %swap3A_728, %swap3A_729] {strides = array<i32>} : memref<2x64x128xf32, #tpu.memory_space<vmem>>, vector<16xf32>,
        tpu.vector_store %arg11[%swap3A_727, %swap3A_728, %swap3A_729], %mul3A_725 {strides = array<i32>} : memref<2x64x128xf32, #tpu.memory_space<vmem>>, vector<16xf32>,
        %broadcast_in_dim3A_731 = arith.constant 49 : i32
        %broadcast_in_dim3A_732 = vector.broadcast %broadcast_in_dim3A_731 : i32 to vector<16xi32>
        %gather3A_733 = tpu.vector_load_idx %arg8[%add3A_96, %broadcast_in_dim3A_732] : memref<256x64xf32, #tpu.memory_space<vmem>>[vector<16xi32>, vector<16xi32>], vector<16xf32>,
        %gather3A_734 = tpu.vector_load_idx %arg10[%add3A_100, %broadcast_in_dim3A_732] : memref<256x64xf32, #tpu.memory_space<vmem>>[vector<16xi32>, vector<16xi32>], vector<16xf32>,
        %gather3A_735 = tpu.vector_load_idx %arg9[%add3A_104, %broadcast_in_dim3A_732] : memref<256x64xf32, #tpu.memory_space<vmem>>[vector<16xi32>, vector<16xi32>], vector<16xf32>,
        %mul3A_736 = arith.mulf %gather3A_733, %gather3A_735 : vector<16xf32>
        %mul3A_737 = arith.mulf %mul3A_736, %gather3A_734 : vector<16xf32>
        %swap3A_738 = arith.constant 49 : i32
        %swap3A_739 = arith.index_cast %rem3A_125 : i32 to index
        %swap3A_740 = arith.index_cast %swap3A_738 : i32 to index
        %swap3A_741 = arith.index_cast %mul3A_144 : i32 to index
        %swap3A_742 = tpu.vector_load %arg11[%swap3A_739, %swap3A_740, %swap3A_741] {strides = array<i32>} : memref<2x64x128xf32, #tpu.memory_space<vmem>>, vector<16xf32>,
        tpu.vector_store %arg11[%swap3A_739, %swap3A_740, %swap3A_741], %mul3A_737 {strides = array<i32>} : memref<2x64x128xf32, #tpu.memory_space<vmem>>, vector<16xf32>,
        %broadcast_in_dim3A_743 = arith.constant 50 : i32
        %broadcast_in_dim3A_744 = vector.broadcast %broadcast_in_dim3A_743 : i32 to vector<16xi32>
        %gather3A_745 = tpu.vector_load_idx %arg8[%add3A_96, %broadcast_in_dim3A_744] : memref<256x64xf32, #tpu.memory_space<vmem>>[vector<16xi32>, vector<16xi32>], vector<16xf32>,
        %gather3A_746 = tpu.vector_load_idx %arg10[%add3A_100, %broadcast_in_dim3A_744] : memref<256x64xf32, #tpu.memory_space<vmem>>[vector<16xi32>, vector<16xi32>], vector<16xf32>,
        %gather3A_747 = tpu.vector_load_idx %arg9[%add3A_104, %broadcast_in_dim3A_744] : memref<256x64xf32, #tpu.memory_space<vmem>>[vector<16xi32>, vector<16xi32>], vector<16xf32>,
        %mul3A_748 = arith.mulf %gather3A_745, %gather3A_747 : vector<16xf32>
        %mul3A_749 = arith.mulf %mul3A_748, %gather3A_746 : vector<16xf32>
        %swap3A_750 = arith.constant 50 : i32
        %swap3A_751 = arith.index_cast %rem3A_125 : i32 to index
        %swap3A_752 = arith.index_cast %swap3A_750 : i32 to index
        %swap3A_753 = arith.index_cast %mul3A_144 : i32 to index
        %swap3A_754 = tpu.vector_load %arg11[%swap3A_751, %swap3A_752, %swap3A_753] {strides = array<i32>} : memref<2x64x128xf32, #tpu.memory_space<vmem>>, vector<16xf32>,
        tpu.vector_store %arg11[%swap3A_751, %swap3A_752, %swap3A_753], %mul3A_749 {strides = array<i32>} : memref<2x64x128xf32, #tpu.memory_space<vmem>>, vector<16xf32>,
        %broadcast_in_dim3A_755 = arith.constant 51 : i32
        %broadcast_in_dim3A_756 = vector.broadcast %broadcast_in_dim3A_755 : i32 to vector<16xi32>
        %gather3A_757 = tpu.vector_load_idx %arg8[%add3A_96, %broadcast_in_dim3A_756] : memref<256x64xf32, #tpu.memory_space<vmem>>[vector<16xi32>, vector<16xi32>], vector<16xf32>,
        %gather3A_758 = tpu.vector_load_idx %arg10[%add3A_100, %broadcast_in_dim3A_756] : memref<256x64xf32, #tpu.memory_space<vmem>>[vector<16xi32>, vector<16xi32>], vector<16xf32>,
        %gather3A_759 = tpu.vector_load_idx %arg9[%add3A_104, %broadcast_in_dim3A_756] : memref<256x64xf32, #tpu.memory_space<vmem>>[vector<16xi32>, vector<16xi32>], vector<16xf32>,
        %mul3A_760 = arith.mulf %gather3A_757, %gather3A_759 : vector<16xf32>
        %mul3A_761 = arith.mulf %mul3A_760, %gather3A_758 : vector<16xf32>
        %swap3A_762 = arith.constant 51 : i32
        %swap3A_763 = arith.index_cast %rem3A_125 : i32 to index
        %swap3A_764 = arith.index_cast %swap3A_762 : i32 to index
        %swap3A_765 = arith.index_cast %mul3A_144 : i32 to index
        %swap3A_766 = tpu.vector_load %arg11[%swap3A_763, %swap3A_764, %swap3A_765] {strides = array<i32>} : memref<2x64x128xf32, #tpu.memory_space<vmem>>, vector<16xf32>,
        tpu.vector_store %arg11[%swap3A_763, %swap3A_764, %swap3A_765], %mul3A_761 {strides = array<i32>} : memref<2x64x128xf32, #tpu.memory_space<vmem>>, vector<16xf32>,
        %broadcast_in_dim3A_767 = arith.constant 52 : i32
        %broadcast_in_dim3A_768 = vector.broadcast %broadcast_in_dim3A_767 : i32 to vector<16xi32>
        %gather3A_769 = tpu.vector_load_idx %arg8[%add3A_96, %broadcast_in_dim3A_768] : memref<256x64xf32, #tpu.memory_space<vmem>>[vector<16xi32>, vector<16xi32>], vector<16xf32>,
        %gather3A_770 = tpu.vector_load_idx %arg10[%add3A_100, %broadcast_in_dim3A_768] : memref<256x64xf32, #tpu.memory_space<vmem>>[vector<16xi32>, vector<16xi32>], vector<16xf32>,
        %gather3A_771 = tpu.vector_load_idx %arg9[%add3A_104, %broadcast_in_dim3A_768] : memref<256x64xf32, #tpu.memory_space<vmem>>[vector<16xi32>, vector<16xi32>], vector<16xf32>,
        %mul3A_772 = arith.mulf %gather3A_769, %gather3A_771 : vector<16xf32>
        %mul3A_773 = arith.mulf %mul3A_772, %gather3A_770 : vector<16xf32>
        %swap3A_774 = arith.constant 52 : i32
        %swap3A_775 = arith.index_cast %rem3A_125 : i32 to index
        %swap3A_776 = arith.index_cast %swap3A_774 : i32 to index
        %swap3A_777 = arith.index_cast %mul3A_144 : i32 to index
        %swap3A_778 = tpu.vector_load %arg11[%swap3A_775, %swap3A_776, %swap3A_777] {strides = array<i32>} : memref<2x64x128xf32, #tpu.memory_space<vmem>>, vector<16xf32>,
        tpu.vector_store %arg11[%swap3A_775, %swap3A_776, %swap3A_777], %mul3A_773 {strides = array<i32>} : memref<2x64x128xf32, #tpu.memory_space<vmem>>, vector<16xf32>,
        %broadcast_in_dim3A_779 = arith.constant 53 : i32
        %broadcast_in_dim3A_780 = vector.broadcast %broadcast_in_dim3A_779 : i32 to vector<16xi32>
        %gather3A_781 = tpu.vector_load_idx %arg8[%add3A_96, %broadcast_in_dim3A_780] : memref<256x64xf32, #tpu.memory_space<vmem>>[vector<16xi32>, vector<16xi32>], vector<16xf32>,
        %gather3A_782 = tpu.vector_load_idx %arg10[%add3A_100, %broadcast_in_dim3A_780] : memref<256x64xf32, #tpu.memory_space<vmem>>[vector<16xi32>, vector<16xi32>], vector<16xf32>,
        %gather3A_783 = tpu.vector_load_idx %arg9[%add3A_104, %broadcast_in_dim3A_780] : memref<256x64xf32, #tpu.memory_space<vmem>>[vector<16xi32>, vector<16xi32>], vector<16xf32>,
        %mul3A_784 = arith.mulf %gather3A_781, %gather3A_783 : vector<16xf32>
        %mul3A_785 = arith.mulf %mul3A_784, %gather3A_782 : vector<16xf32>
        %swap3A_786 = arith.constant 53 : i32
        %swap3A_787 = arith.index_cast %rem3A_125 : i32 to index
        %swap3A_788 = arith.index_cast %swap3A_786 : i32 to index
        %swap3A_789 = arith.index_cast %mul3A_144 : i32 to index
        %swap3A_790 = tpu.vector_load %arg11[%swap3A_787, %swap3A_788, %swap3A_789] {strides = array<i32>} : memref<2x64x128xf32, #tpu.memory_space<vmem>>, vector<16xf32>,
        tpu.vector_store %arg11[%swap3A_787, %swap3A_788, %swap3A_789], %mul3A_785 {strides = array<i32>} : memref<2x64x128xf32, #tpu.memory_space<vmem>>, vector<16xf32>,
        %broadcast_in_dim3A_791 = arith.constant 54 : i32
        %broadcast_in_dim3A_792 = vector.broadcast %broadcast_in_dim3A_791 : i32 to vector<16xi32>
        %gather3A_793 = tpu.vector_load_idx %arg8[%add3A_96, %broadcast_in_dim3A_792] : memref<256x64xf32, #tpu.memory_space<vmem>>[vector<16xi32>, vector<16xi32>], vector<16xf32>,
        %gather3A_794 = tpu.vector_load_idx %arg10[%add3A_100, %broadcast_in_dim3A_792] : memref<256x64xf32, #tpu.memory_space<vmem>>[vector<16xi32>, vector<16xi32>], vector<16xf32>,
        %gather3A_795 = tpu.vector_load_idx %arg9[%add3A_104, %broadcast_in_dim3A_792] : memref<256x64xf32, #tpu.memory_space<vmem>>[vector<16xi32>, vector<16xi32>], vector<16xf32>,
        %mul3A_796 = arith.mulf %gather3A_793, %gather3A_795 : vector<16xf32>
        %mul3A_797 = arith.mulf %mul3A_796, %gather3A_794 : vector<16xf32>
        %swap3A_798 = arith.constant 54 : i32
        %swap3A_799 = arith.index_cast %rem3A_125 : i32 to index
        %swap3A_800 = arith.index_cast %swap3A_798 : i32 to index
        %swap3A_801 = arith.index_cast %mul3A_144 : i32 to index
        %swap3A_802 = tpu.vector_load %arg11[%swap3A_799, %swap3A_800, %swap3A_801] {strides = array<i32>} : memref<2x64x128xf32, #tpu.memory_space<vmem>>, vector<16xf32>,
        tpu.vector_store %arg11[%swap3A_799, %swap3A_800, %swap3A_801], %mul3A_797 {strides = array<i32>} : memref<2x64x128xf32, #tpu.memory_space<vmem>>, vector<16xf32>,
        %broadcast_in_dim3A_803 = arith.constant 55 : i32
        %broadcast_in_dim3A_804 = vector.broadcast %broadcast_in_dim3A_803 : i32 to vector<16xi32>
        %gather3A_805 = tpu.vector_load_idx %arg8[%add3A_96, %broadcast_in_dim3A_804] : memref<256x64xf32, #tpu.memory_space<vmem>>[vector<16xi32>, vector<16xi32>], vector<16xf32>,
        %gather3A_806 = tpu.vector_load_idx %arg10[%add3A_100, %broadcast_in_dim3A_804] : memref<256x64xf32, #tpu.memory_space<vmem>>[vector<16xi32>, vector<16xi32>], vector<16xf32>,
        %gather3A_807 = tpu.vector_load_idx %arg9[%add3A_104, %broadcast_in_dim3A_804] : memref<256x64xf32, #tpu.memory_space<vmem>>[vector<16xi32>, vector<16xi32>], vector<16xf32>,
        %mul3A_808 = arith.mulf %gather3A_805, %gather3A_807 : vector<16xf32>
        %mul3A_809 = arith.mulf %mul3A_808, %gather3A_806 : vector<16xf32>
        %swap3A_810 = arith.constant 55 : i32
        %swap3A_811 = arith.index_cast %rem3A_125 : i32 to index
        %swap3A_812 = arith.index_cast %swap3A_810 : i32 to index
        %swap3A_813 = arith.index_cast %mul3A_144 : i32 to index
        %swap3A_814 = tpu.vector_load %arg11[%swap3A_811, %swap3A_812, %swap3A_813] {strides = array<i32>} : memref<2x64x128xf32, #tpu.memory_space<vmem>>, vector<16xf32>,
        tpu.vector_store %arg11[%swap3A_811, %swap3A_812, %swap3A_813], %mul3A_809 {strides = array<i32>} : memref<2x64x128xf32, #tpu.memory_space<vmem>>, vector<16xf32>,
        %broadcast_in_dim3A_815 = arith.constant 56 : i32
        %broadcast_in_dim3A_816 = vector.broadcast %broadcast_in_dim3A_815 : i32 to vector<16xi32>
        %gather3A_817 = tpu.vector_load_idx %arg8[%add3A_96, %broadcast_in_dim3A_816] : memref<256x64xf32, #tpu.memory_space<vmem>>[vector<16xi32>, vector<16xi32>], vector<16xf32>,
        %gather3A_818 = tpu.vector_load_idx %arg10[%add3A_100, %broadcast_in_dim3A_816] : memref<256x64xf32, #tpu.memory_space<vmem>>[vector<16xi32>, vector<16xi32>], vector<16xf32>,
        %gather3A_819 = tpu.vector_load_idx %arg9[%add3A_104, %broadcast_in_dim3A_816] : memref<256x64xf32, #tpu.memory_space<vmem>>[vector<16xi32>, vector<16xi32>], vector<16xf32>,
        %mul3A_820 = arith.mulf %gather3A_817, %gather3A_819 : vector<16xf32>
        %mul3A_821 = arith.mulf %mul3A_820, %gather3A_818 : vector<16xf32>
        %swap3A_822 = arith.constant 56 : i32
        %swap3A_823 = arith.index_cast %rem3A_125 : i32 to index
        %swap3A_824 = arith.index_cast %swap3A_822 : i32 to index
        %swap3A_825 = arith.index_cast %mul3A_144 : i32 to index
        %swap3A_826 = tpu.vector_load %arg11[%swap3A_823, %swap3A_824, %swap3A_825] {strides = array<i32>} : memref<2x64x128xf32, #tpu.memory_space<vmem>>, vector<16xf32>,
        tpu.vector_store %arg11[%swap3A_823, %swap3A_824, %swap3A_825], %mul3A_821 {strides = array<i32>} : memref<2x64x128xf32, #tpu.memory_space<vmem>>, vector<16xf32>,
        %broadcast_in_dim3A_827 = arith.constant 57 : i32
        %broadcast_in_dim3A_828 = vector.broadcast %broadcast_in_dim3A_827 : i32 to vector<16xi32>
        %gather3A_829 = tpu.vector_load_idx %arg8[%add3A_96, %broadcast_in_dim3A_828] : memref<256x64xf32, #tpu.memory_space<vmem>>[vector<16xi32>, vector<16xi32>], vector<16xf32>,
        %gather3A_830 = tpu.vector_load_idx %arg10[%add3A_100, %broadcast_in_dim3A_828] : memref<256x64xf32, #tpu.memory_space<vmem>>[vector<16xi32>, vector<16xi32>], vector<16xf32>,
        %gather3A_831 = tpu.vector_load_idx %arg9[%add3A_104, %broadcast_in_dim3A_828] : memref<256x64xf32, #tpu.memory_space<vmem>>[vector<16xi32>, vector<16xi32>], vector<16xf32>,
        %mul3A_832 = arith.mulf %gather3A_829, %gather3A_831 : vector<16xf32>
        %mul3A_833 = arith.mulf %mul3A_832, %gather3A_830 : vector<16xf32>
        %swap3A_834 = arith.constant 57 : i32
        %swap3A_835 = arith.index_cast %rem3A_125 : i32 to index
        %swap3A_836 = arith.index_cast %swap3A_834 : i32 to index
        %swap3A_837 = arith.index_cast %mul3A_144 : i32 to index
        %swap3A_838 = tpu.vector_load %arg11[%swap3A_835, %swap3A_836, %swap3A_837] {strides = array<i32>} : memref<2x64x128xf32, #tpu.memory_space<vmem>>, vector<16xf32>,
        tpu.vector_store %arg11[%swap3A_835, %swap3A_836, %swap3A_837], %mul3A_833 {strides = array<i32>} : memref<2x64x128xf32, #tpu.memory_space<vmem>>, vector<16xf32>,
        %broadcast_in_dim3A_839 = arith.constant 58 : i32
        %broadcast_in_dim3A_840 = vector.broadcast %broadcast_in_dim3A_839 : i32 to vector<16xi32>
        %gather3A_841 = tpu.vector_load_idx %arg8[%add3A_96, %broadcast_in_dim3A_840] : memref<256x64xf32, #tpu.memory_space<vmem>>[vector<16xi32>, vector<16xi32>], vector<16xf32>,
        %gather3A_842 = tpu.vector_load_idx %arg10[%add3A_100, %broadcast_in_dim3A_840] : memref<256x64xf32, #tpu.memory_space<vmem>>[vector<16xi32>, vector<16xi32>], vector<16xf32>,
        %gather3A_843 = tpu.vector_load_idx %arg9[%add3A_104, %broadcast_in_dim3A_840] : memref<256x64xf32, #tpu.memory_space<vmem>>[vector<16xi32>, vector<16xi32>], vector<16xf32>,
        %mul3A_844 = arith.mulf %gather3A_841, %gather3A_843 : vector<16xf32>
        %mul3A_845 = arith.mulf %mul3A_844, %gather3A_842 : vector<16xf32>
        %swap3A_846 = arith.constant 58 : i32
        %swap3A_847 = arith.index_cast %rem3A_125 : i32 to index
        %swap3A_848 = arith.index_cast %swap3A_846 : i32 to index
        %swap3A_849 = arith.index_cast %mul3A_144 : i32 to index
        %swap3A_850 = tpu.vector_load %arg11[%swap3A_847, %swap3A_848, %swap3A_849] {strides = array<i32>} : memref<2x64x128xf32, #tpu.memory_space<vmem>>, vector<16xf32>,
        tpu.vector_store %arg11[%swap3A_847, %swap3A_848, %swap3A_849], %mul3A_845 {strides = array<i32>} : memref<2x64x128xf32, #tpu.memory_space<vmem>>, vector<16xf32>,
        %broadcast_in_dim3A_851 = arith.constant 59 : i32
        %broadcast_in_dim3A_852 = vector.broadcast %broadcast_in_dim3A_851 : i32 to vector<16xi32>
        %gather3A_853 = tpu.vector_load_idx %arg8[%add3A_96, %broadcast_in_dim3A_852] : memref<256x64xf32, #tpu.memory_space<vmem>>[vector<16xi32>, vector<16xi32>], vector<16xf32>,
        %gather3A_854 = tpu.vector_load_idx %arg10[%add3A_100, %broadcast_in_dim3A_852] : memref<256x64xf32, #tpu.memory_space<vmem>>[vector<16xi32>, vector<16xi32>], vector<16xf32>,
        %gather3A_855 = tpu.vector_load_idx %arg9[%add3A_104, %broadcast_in_dim3A_852] : memref<256x64xf32, #tpu.memory_space<vmem>>[vector<16xi32>, vector<16xi32>], vector<16xf32>,
        %mul3A_856 = arith.mulf %gather3A_853, %gather3A_855 : vector<16xf32>
        %mul3A_857 = arith.mulf %mul3A_856, %gather3A_854 : vector<16xf32>
        %swap3A_858 = arith.constant 59 : i32
        %swap3A_859 = arith.index_cast %rem3A_125 : i32 to index
        %swap3A_860 = arith.index_cast %swap3A_858 : i32 to index
        %swap3A_861 = arith.index_cast %mul3A_144 : i32 to index
        %swap3A_862 = tpu.vector_load %arg11[%swap3A_859, %swap3A_860, %swap3A_861] {strides = array<i32>} : memref<2x64x128xf32, #tpu.memory_space<vmem>>, vector<16xf32>,
        tpu.vector_store %arg11[%swap3A_859, %swap3A_860, %swap3A_861], %mul3A_857 {strides = array<i32>} : memref<2x64x128xf32, #tpu.memory_space<vmem>>, vector<16xf32>,
        %broadcast_in_dim3A_863 = arith.constant 60 : i32
        %broadcast_in_dim3A_864 = vector.broadcast %broadcast_in_dim3A_863 : i32 to vector<16xi32>
        %gather3A_865 = tpu.vector_load_idx %arg8[%add3A_96, %broadcast_in_dim3A_864] : memref<256x64xf32, #tpu.memory_space<vmem>>[vector<16xi32>, vector<16xi32>], vector<16xf32>,
        %gather3A_866 = tpu.vector_load_idx %arg10[%add3A_100, %broadcast_in_dim3A_864] : memref<256x64xf32, #tpu.memory_space<vmem>>[vector<16xi32>, vector<16xi32>], vector<16xf32>,
        %gather3A_867 = tpu.vector_load_idx %arg9[%add3A_104, %broadcast_in_dim3A_864] : memref<256x64xf32, #tpu.memory_space<vmem>>[vector<16xi32>, vector<16xi32>], vector<16xf32>,
        %mul3A_868 = arith.mulf %gather3A_865, %gather3A_867 : vector<16xf32>
        %mul3A_869 = arith.mulf %mul3A_868, %gather3A_866 : vector<16xf32>
        %swap3A_870 = arith.constant 60 : i32
        %swap3A_871 = arith.index_cast %rem3A_125 : i32 to index
        %swap3A_872 = arith.index_cast %swap3A_870 : i32 to index
        %swap3A_873 = arith.index_cast %mul3A_144 : i32 to index
        %swap3A_874 = tpu.vector_load %arg11[%swap3A_871, %swap3A_872, %swap3A_873] {strides = array<i32>} : memref<2x64x128xf32, #tpu.memory_space<vmem>>, vector<16xf32>,
        tpu.vector_store %arg11[%swap3A_871, %swap3A_872, %swap3A_873], %mul3A_869 {strides = array<i32>} : memref<2x64x128xf32, #tpu.memory_space<vmem>>, vector<16xf32>,
        %broadcast_in_dim3A_875 = arith.constant 61 : i32
        %broadcast_in_dim3A_876 = vector.broadcast %broadcast_in_dim3A_875 : i32 to vector<16xi32>
        %gather3A_877 = tpu.vector_load_idx %arg8[%add3A_96, %broadcast_in_dim3A_876] : memref<256x64xf32, #tpu.memory_space<vmem>>[vector<16xi32>, vector<16xi32>], vector<16xf32>,
        %gather3A_878 = tpu.vector_load_idx %arg10[%add3A_100, %broadcast_in_dim3A_876] : memref<256x64xf32, #tpu.memory_space<vmem>>[vector<16xi32>, vector<16xi32>], vector<16xf32>,
        %gather3A_879 = tpu.vector_load_idx %arg9[%add3A_104, %broadcast_in_dim3A_876] : memref<256x64xf32, #tpu.memory_space<vmem>>[vector<16xi32>, vector<16xi32>], vector<16xf32>,
        %mul3A_880 = arith.mulf %gather3A_877, %gather3A_879 : vector<16xf32>
        %mul3A_881 = arith.mulf %mul3A_880, %gather3A_878 : vector<16xf32>
        %swap3A_882 = arith.constant 61 : i32
        %swap3A_883 = arith.index_cast %rem3A_125 : i32 to index
        %swap3A_884 = arith.index_cast %swap3A_882 : i32 to index
        %swap3A_885 = arith.index_cast %mul3A_144 : i32 to index
        %swap3A_886 = tpu.vector_load %arg11[%swap3A_883, %swap3A_884, %swap3A_885] {strides = array<i32>} : memref<2x64x128xf32, #tpu.memory_space<vmem>>, vector<16xf32>,
        tpu.vector_store %arg11[%swap3A_883, %swap3A_884, %swap3A_885], %mul3A_881 {strides = array<i32>} : memref<2x64x128xf32, #tpu.memory_space<vmem>>, vector<16xf32>,
        %broadcast_in_dim3A_887 = arith.constant 62 : i32
        %broadcast_in_dim3A_888 = vector.broadcast %broadcast_in_dim3A_887 : i32 to vector<16xi32>
        %gather3A_889 = tpu.vector_load_idx %arg8[%add3A_96, %broadcast_in_dim3A_888] : memref<256x64xf32, #tpu.memory_space<vmem>>[vector<16xi32>, vector<16xi32>], vector<16xf32>,
        %gather3A_890 = tpu.vector_load_idx %arg10[%add3A_100, %broadcast_in_dim3A_888] : memref<256x64xf32, #tpu.memory_space<vmem>>[vector<16xi32>, vector<16xi32>], vector<16xf32>,
        %gather3A_891 = tpu.vector_load_idx %arg9[%add3A_104, %broadcast_in_dim3A_888] : memref<256x64xf32, #tpu.memory_space<vmem>>[vector<16xi32>, vector<16xi32>], vector<16xf32>,
        %mul3A_892 = arith.mulf %gather3A_889, %gather3A_891 : vector<16xf32>
        %mul3A_893 = arith.mulf %mul3A_892, %gather3A_890 : vector<16xf32>
        %swap3A_894 = arith.constant 62 : i32
        %swap3A_895 = arith.index_cast %rem3A_125 : i32 to index
        %swap3A_896 = arith.index_cast %swap3A_894 : i32 to index
        %swap3A_897 = arith.index_cast %mul3A_144 : i32 to index
        %swap3A_898 = tpu.vector_load %arg11[%swap3A_895, %swap3A_896, %swap3A_897] {strides = array<i32>} : memref<2x64x128xf32, #tpu.memory_space<vmem>>, vector<16xf32>,
        tpu.vector_store %arg11[%swap3A_895, %swap3A_896, %swap3A_897], %mul3A_893 {strides = array<i32>} : memref<2x64x128xf32, #tpu.memory_space<vmem>>, vector<16xf32>,
        %broadcast_in_dim3A_899 = arith.constant 63 : i32
        %broadcast_in_dim3A_900 = vector.broadcast %broadcast_in_dim3A_899 : i32 to vector<16xi32>
        %gather3A_901 = tpu.vector_load_idx %arg8[%add3A_96, %broadcast_in_dim3A_900] : memref<256x64xf32, #tpu.memory_space<vmem>>[vector<16xi32>, vector<16xi32>], vector<16xf32>,
        %gather3A_902 = tpu.vector_load_idx %arg10[%add3A_100, %broadcast_in_dim3A_900] : memref<256x64xf32, #tpu.memory_space<vmem>>[vector<16xi32>, vector<16xi32>], vector<16xf32>,
        %gather3A_903 = tpu.vector_load_idx %arg9[%add3A_104, %broadcast_in_dim3A_900] : memref<256x64xf32, #tpu.memory_space<vmem>>[vector<16xi32>, vector<16xi32>], vector<16xf32>,
        %mul3A_904 = arith.mulf %gather3A_901, %gather3A_903 : vector<16xf32>
        %mul3A_905 = arith.mulf %mul3A_904, %gather3A_902 : vector<16xf32>
        %swap3A_906 = arith.constant 63 : i32
        %swap3A_907 = arith.index_cast %rem3A_125 : i32 to index
        %swap3A_908 = arith.index_cast %swap3A_906 : i32 to index
        %swap3A_909 = arith.index_cast %mul3A_144 : i32 to index
        %swap3A_910 = tpu.vector_load %arg11[%swap3A_907, %swap3A_908, %swap3A_909] {strides = array<i32>} : memref<2x64x128xf32, #tpu.memory_space<vmem>>, vector<16xf32>,
        tpu.vector_store %arg11[%swap3A_907, %swap3A_908, %swap3A_909], %mul3A_905 {strides = array<i32>} : memref<2x64x128xf32, #tpu.memory_space<vmem>>, vector<16xf32>,
        %jit3A_911 = arith.constant 8 : i32
        %eq3A_912 = arith.constant 0 : i32
        %eq3A_913 = arith.cmpi eq, %jit3A_911, %eq3A_912 : i32
        %jit3A_914 = arith.constant 1 : i32
        %select_n3A_915 = arith.select %eq3A_913, %jit3A_914, %jit3A_911 : i32
        %rem3A_916 = arith.remsi %sub3A_29, %select_n3A_915 : i32
        %ne3A_917 = arith.constant 0 : i32
        %ne3A_918 = arith.cmpi ne, %rem3A_916, %ne3A_917 : i32
        %lt3A_919 = arith.constant 0 : i32
        %lt3A_920 = arith.cmpi slt, %rem3A_916, %lt3A_919 : i32
        %lt3A_921 = arith.constant 0 : i32
        %lt3A_922 = arith.cmpi slt, %select_n3A_915, %lt3A_921 : i32
        %ne3A_923 = arith.xori %lt3A_920, %lt3A_922 : i1
        %and3A_924 = arith.andi %ne3A_923, %ne3A_918 : i1
        %add3A_925 = arith.addi %rem3A_916, %select_n3A_915 : i32
        %select_n3A_926 = arith.select %and3A_924, %add3A_925, %rem3A_916 : i32
        %eq3A_927 = arith.constant 7 : i32
        %eq3A_928 = arith.cmpi eq, %select_n3A_926, %eq3A_927 : i32
        %convert_element_type3A_929 = arith.extui %eq3A_928 : i1 to i32
        %cond3A_930 = arith.constant 0 : i32
        %cond3A_931 = arith.cmpi ne, %convert_element_type3A_929, %cond3A_930 : i32
        scf.if %cond3A_931 {
          %sub3A_932 = arith.constant 7 : i32
          %sub3A_933 = arith.subi %sub3A_29, %sub3A_932 : i32
          %jit3A_934 = arith.constant 8 : i32
          %div3A_935 = arith.divsi %sub3A_933, %jit3A_934 : i32
          %sign3A_936 = arith.constant 0 : i32
          %sign3A_937 = arith.cmpi sgt, %sub3A_933, %sign3A_936 : i32
          %sign3A_938 = arith.extui %sign3A_937 : i1 to i32
          %sign3A_939 = arith.constant 0 : i32
          %sign3A_940 = arith.cmpi slt, %sub3A_933, %sign3A_939 : i32
          %sign3A_941 = arith.extui %sign3A_940 : i1 to i32
          %sign3A_942 = arith.subi %sign3A_938, %sign3A_941 : i32
          %sign3A_943 = arith.constant 0 : i32
          %sign3A_944 = arith.cmpi sgt, %jit3A_934, %sign3A_943 : i32
          %sign3A_945 = arith.extui %sign3A_944 : i1 to i32
          %sign3A_946 = arith.constant 0 : i32
          %sign3A_947 = arith.cmpi slt, %jit3A_934, %sign3A_946 : i32
          %sign3A_948 = arith.extui %sign3A_947 : i1 to i32
          %sign3A_949 = arith.subi %sign3A_945, %sign3A_948 : i32
          %ne3A_950 = arith.cmpi ne, %sign3A_942, %sign3A_949 : i32
          %rem3A_951 = arith.remsi %sub3A_933, %jit3A_934 : i32
          %ne3A_952 = arith.constant 0 : i32
          %ne3A_953 = arith.cmpi ne, %rem3A_951, %ne3A_952 : i32
          %and3A_954 = arith.andi %ne3A_950, %ne3A_953 : i1
          %sub3A_955 = arith.constant 1 : i32
          %sub3A_956 = arith.subi %div3A_935, %sub3A_955 : i32
          %select_n3A_957 = arith.select %and3A_954, %sub3A_956, %div3A_935 : i32
          %gt3A = arith.constant 0 : i32
          %gt3A_958 = arith.cmpi sgt, %select_n3A_957, %gt3A : i32
          %convert_element_type3A_959 = arith.extui %gt3A_958 : i1 to i32
          %cond3A_960 = arith.constant 0 : i32
          %cond3A_961 = arith.cmpi ne, %convert_element_type3A_959, %cond3A_960 : i32
          scf.if %cond3A_961 {
            %dma_wait3A_979 = arith.constant 0 : i32
            %dma_wait3A_980 = arith.constant 0 : i32
            %dma_wait3A_981 = arith.constant 0 : i32
            %dma_wait3A_982 = tpu.memref_slice %arg11[%dma_wait3A_979, %dma_wait3A_980, %dma_wait3A_981] : memref<2x64x128xf32, #tpu.memory_space<vmem>> -> memref<1x64x128xf32, #tpu.memory_space<vmem>>
            %dma_wait3A_983 = tpu.memref_squeeze %dma_wait3A_982 : memref<1x64x128xf32, #tpu.memory_space<vmem>> -> memref<64x128xf32, #tpu.memory_space<vmem>>
            %dma_wait3A_984 = arith.constant 0 : i32
            %dma_wait3A_985 = arith.constant 0 : i32
            %dma_wait3A_986 = tpu.memref_slice %arg7[%dma_wait3A_984, %dma_wait3A_985] : memref<64x16384xf32, #tpu.memory_space<hbm>> -> memref<64x128xf32, #tpu.memory_space<hbm>>
            %dma_wait3A_987 = arith.constant 0 : i32
            %dma_wait3A_988 = arith.constant 0 : i32
            %dma_wait3A_989 = tpu.memref_slice %arg7[%dma_wait3A_987, %dma_wait3A_988] : memref<64x16384xf32, #tpu.memory_space<hbm>> -> memref<64x128xf32, #tpu.memory_space<hbm>>
            %dma_wait3A_990 = arith.constant 0 : i32
            %dma_wait3A_991 = arith.constant 0 : i32
            %dma_wait3A_992 = tpu.memref_slice %arg11[%dma_wait3A_979, %dma_wait3A_990, %dma_wait3A_991] : memref<2x64x128xf32, #tpu.memory_space<vmem>> -> memref<1x64x128xf32, #tpu.memory_space<vmem>>
            %dma_wait3A_993 = tpu.memref_squeeze %dma_wait3A_992 : memref<1x64x128xf32, #tpu.memory_space<vmem>> -> memref<64x128xf32, #tpu.memory_space<vmem>>
            tpu.wait_dma2 semaphore(%arg16 : memref<!tpu.dma_semaphore, #tpu.memory_space<semaphore_mem>>) src(%dma_wait3A_993 : memref<64x128xf32, #tpu.memory_space<vmem>>) dst(%dma_wait3A_989 : memref<64x128xf32, #tpu.memory_space<hbm>>)
          } else {
          }
          %sub3A_962 = arith.constant 7 : i32
          %sub3A_963 = arith.subi %sub3A_29, %sub3A_962 : i32
          %mul3A_964 = arith.constant 16 : i32
          %mul3A_965 = arith.muli %sub3A_963, %mul3A_964 : i32
          %add3A_966 = arith.addi %mul3A_2, %mul3A_965 : i32
          %multiple_of3A_967 = tpu.assume_multiple %add3A_966, 128 : i32
          %dma_start3A = arith.constant 0 : i32
          %dma_start3A_968 = arith.constant 0 : i32
          %dma_start3A_969 = tpu.memref_slice %arg11[%rem3A_125, %dma_start3A, %dma_start3A_968] : memref<2x64x128xf32, #tpu.memory_space<vmem>> -> memref<1x64x128xf32, #tpu.memory_space<vmem>>
          %dma_start3A_970 = tpu.memref_squeeze %dma_start3A_969 : memref<1x64x128xf32, #tpu.memory_space<vmem>> -> memref<64x128xf32, #tpu.memory_space<vmem>>
          %dma_start3A_971 = arith.constant 0 : i32
          %dma_start3A_972 = tpu.memref_slice %arg7[%dma_start3A_971, %multiple_of3A_967] : memref<64x16384xf32, #tpu.memory_space<hbm>> -> memref<64x128xf32, #tpu.memory_space<hbm>>
          %dma_start3A_973 = arith.constant 0 : i32
          %dma_start3A_974 = tpu.memref_slice %arg7[%dma_start3A_973, %multiple_of3A_967] : memref<64x16384xf32, #tpu.memory_space<hbm>> -> memref<64x128xf32, #tpu.memory_space<hbm>>
          %dma_start3A_975 = arith.constant 0 : i32
          %dma_start3A_976 = arith.constant 0 : i32
          %dma_start3A_977 = tpu.memref_slice %arg11[%rem3A_125, %dma_start3A_975, %dma_start3A_976] : memref<2x64x128xf32, #tpu.memory_space<vmem>> -> memref<1x64x128xf32, #tpu.memory_space<vmem>>
          %dma_start3A_978 = tpu.memref_squeeze %dma_start3A_977 : memref<1x64x128xf32, #tpu.memory_space<vmem>> -> memref<64x128xf32, #tpu.memory_space<vmem>>
          tpu.enqueue_dma source(%dma_start3A_978 : memref<64x128xf32, #tpu.memory_space<vmem>>) target(%dma_start3A_974 : memref<64x128xf32, #tpu.memory_space<hbm>>) target_semaphore(%arg16 : memref<!tpu.dma_semaphore, #tpu.memory_space<semaphore_mem>>)
        } else {
        }
      } else {
      }
    }
    %scan3A_7 = arith.constant 33 : i32
    %dma_wait3A = arith.constant 0 : i32
    %dma_wait3A_8 = arith.constant 0 : i32
    %dma_wait3A_9 = arith.constant 0 : i32
    %dma_wait3A_10 = tpu.memref_slice %arg11[%dma_wait3A, %dma_wait3A_8, %dma_wait3A_9] : memref<2x64x128xf32, #tpu.memory_space<vmem>> -> memref<1x64x128xf32, #tpu.memory_space<vmem>>
    %dma_wait3A_11 = tpu.memref_squeeze %dma_wait3A_10 : memref<1x64x128xf32, #tpu.memory_space<vmem>> -> memref<64x128xf32, #tpu.memory_space<vmem>>
    %dma_wait3A_12 = arith.constant 0 : i32
    %dma_wait3A_13 = arith.constant 0 : i32
    %dma_wait3A_14 = tpu.memref_slice %arg7[%dma_wait3A_12, %dma_wait3A_13] : memref<64x16384xf32, #tpu.memory_space<hbm>> -> memref<64x128xf32, #tpu.memory_space<hbm>>
    %dma_wait3A_15 = arith.constant 0 : i32
    %dma_wait3A_16 = arith.constant 0 : i32
    %dma_wait3A_17 = tpu.memref_slice %arg7[%dma_wait3A_15, %dma_wait3A_16] : memref<64x16384xf32, #tpu.memory_space<hbm>> -> memref<64x128xf32, #tpu.memory_space<hbm>>
    %dma_wait3A_18 = arith.constant 0 : i32
    %dma_wait3A_19 = arith.constant 0 : i32
    %dma_wait3A_20 = tpu.memref_slice %arg11[%dma_wait3A, %dma_wait3A_18, %dma_wait3A_19] : memref<2x64x128xf32, #tpu.memory_space<vmem>> -> memref<1x64x128xf32, #tpu.memory_space<vmem>>
    %dma_wait3A_21 = tpu.memref_squeeze %dma_wait3A_20 : memref<1x64x128xf32, #tpu.memory_space<vmem>> -> memref<64x128xf32, #tpu.memory_space<vmem>>
    tpu.wait_dma2 semaphore(%arg16 : memref<!tpu.dma_semaphore, #tpu.memory_space<semaphore_mem>>) src(%dma_wait3A_21 : memref<64x128xf32, #tpu.memory_space<vmem>>) dst(%dma_wait3A_17 : memref<64x128xf32, #tpu.memory_space<hbm>>)
    return
  }
}

</mosaic_0001>

<sc_bundles>
// kernel: _dist_mult.3.cloned.1.call-start
scs
__scs_entry_jumppad:
0x0: {  	(pc) =	sbr.rel $0x88, $3  }
0x1: {  	(tag) =	ssettag $0x0;
	lr =	simm.s32 $0x1  }
0x2: {  	[smem:$0x3F9C] =	sst lr;
	_ =	strace $0xD0000000  }
0x3: {  	_ = 	snop  }
0x4: {  	_ = 	snop  }
0x5: {  	_ = 	snop  }
0x6: {  	_ = 	snop  }
0x7: {  	_ = 	snop  }
__scs_overlays_trampoline_lowered:
0x8: {  	[smem:$0x3FAB] =	sst s0  }
0x9: {  	[smem:$0x3FAC] =	sst s1  }
0xa: {  	[smem:$0x3FAD] =	sst s2  }
0xb: {  	[smem:$0x3FAE] =	sst s3  }
0xc: {  	[smem:$0x3FAF] =	sst s4  }
0xd: {  	[smem:$0x3FB0] =	sst s5  }
0xe: {  	[smem:$0x3FB1] =	sst s6  }
0xf: {  	[smem:$0x3FB2] =	sst s7  }
0x10: {  	[smem:$0x3FB3] =	sst s8  }
0x11: {  	[smem:$0x3FB4] =	sst s9;
	s0 =	simm.s32 @!p0 $0x0  }
0x12: {  	s1 =	sld [smem:$0x3F9A];
	s0 =	simm.s32 @p0 $0x1  }
0x13: {  	[smem:$0x3FB5] =	sst s0;
	s0 =	simm.s32 @!p1 $0x0  }
0x14: {  	s2 =	sld [smem:$0x3F99];
	s0 =	simm.s32 @p1 $0x1  }
0x15: {  	[smem:$0x3FB6] =	sst s0;
	s0 =	simm.s32 @!p2 $0x0  }
0x16: {  	s3 =	sld [smem:$0x3FDB];
	s0 =	simm.s32 @p2 $0x1  }
0x17: {  	s4 =	simm.s32 $0x1BF5;
	[smem:$0x3FB8] =	sst s0  }
0x18: {  	s0 =	sld [smem:$0x3F9B];
	_ =	swait.ge [sflag:s4], $0x0  }
0x19: {  	s7 =	sld [smem:$0x3F9C]  }
0x1a: {  	s8 =	sadd.s32 $0xFFFFE003, lr  }
0x1b: {  	s9 =	sadd.s32 $0xFFFFFEF7, lr;
	s5 =	simm.s32 $0xFFFFFFFF;
	p2 =	slt.u32 s8, $0xFFFFF086  }
0x1c: {  	p1 =	slt.u32 s9, $0xF7A;
	s5 =	simm.s32 @!p2 $0x0  }
0x1d: {  	s5 =	simm.s32 @p1 $0x1;
	p0 =	seq.s32 s7, s2  }
0x1e: {  	s7 =	smul.u32 @!p0 $0xF7A, s2;
	p2 =	seq.s32 @!p0 s5, $0x0  }
0x1f: {  	s9 =	smul.u32 $0xF7A, s1;
	s8 =	simm.s32 @!p0 $0x1BF5;
	p2 =	por !p2, p0  }
0x20: {  	[sflag:s8] =	ssyncset.s32 @!p0 $0xFFFFF086;
	s6 =	sadd.s32 @!p0 s3, s7;
	s7 =	simm.s32 @!p0 $0x108  }
0x21: {  	s3 =	sadd.s32 s3, s9;
	s6 =	sadd.s32 @!p0 $0x88, s6;
	s7 =	simm.s32 @p2 $0x1082  }
0x22: {  	[simem:s7], [sflag:s8] =	dma.local @!p0 [hbm:s6], $0xF7A  }
0x23: {  	s9 =	sor.u32 $0xD0000000, s2;
	s6 =	simm.s32 $0x108;
	_ =	swait.ge @!p0 [sflag:s8], $0x0  }
0x24: {  	s3 =	sadd.s32 $0x88, s3;
	s6 =	simm.s32 @!p1 $0x1082;
	[sflag:s4] =	ssyncset.s32 $0xFFFFF086  }
0x25: {  	[simem:s6], [sflag:s4] =	dma.local [hbm:s3], $0xF7A  }
0x26: {  	[smem:$0x3F9C] =	sst s1;
	(tag) =	ssettag s2;
	_ =	strace s9  }
0x27: {  	s1 =	sld [smem:$0x3FAC]  }
0x28: {  	s2 =	sld [smem:$0x3FAD]  }
0x29: {  	s4 =	sld [smem:$0x3FAF]  }
0x2a: {  	p0 =	seq.s32 s5, $0x0;
	s5 =	sld [smem:$0x3FB0]  }
0x2b: {  	s6 =	sld [smem:$0x3FB1]  }
0x2c: {  	s7 =	sld [smem:$0x3FB2]  }
0x2d: {  	s3 =	simm.s32 $0x108;
	s8 =	sld [smem:$0x3FB3]  }
0x2e: {  	s3 =	simm.s32 @!p0 $0x1082;
	s9 =	sld [smem:$0x3FB4]  }
0x2f: {  	lr =	sadd.s32 s0, s3;
	s0 =	sld [smem:$0x3FAB]  }
0x30: {  	s3 =	sld [smem:$0x3FAE]  }
0x31: {  	[smem:$0x3FB7] =	sst s10  }
0x32: {  	s10 =	sld [smem:$0x3FB5];
	_ =	sdelay $0x3  }
0x33: {  	p0 =	seq.s32 s10, $0x1;
	s10 =	sld [smem:$0x3FB7];
	_ =	sdelay $0x3  }
0x34: {  	[smem:$0x3FB7] =	sst s10  }
0x35: {  	s10 =	sld [smem:$0x3FB6];
	_ =	sdelay $0x3  }
0x36: {  	p1 =	seq.s32 s10, $0x1;
	s10 =	sld [smem:$0x3FB7];
	_ =	sdelay $0x3  }
0x37: {  	[smem:$0x3FB7] =	sst s10  }
0x38: {  	s10 =	sld [smem:$0x3FB8]  }
0x39: {  	_ = 	snop;
	(pc) =	sbr.ind lr, $3  }
0x3a: {  	_ = 	snop  }
0x3b: {  	_ = 	snop  }
0x3c: {  	p2 =	seq.s32 s10, $0x1;
	s10 =	sld [smem:$0x3FB7]  }
0x3d: {  	_ =	shalt  }
0x3e: {  	_ =	shalt  }
0x3f: {  	_ =	shalt  }
0x40: {  	_ =	shalt  }
0x41: {  	_ =	shalt  }
0x42: {  	_ =	shalt  }
0x43: {  	_ =	shalt  }
0x44: {  	_ =	shalt  }
0x45: {  	_ =	shalt  }
0x46: {  	_ =	shalt  }
0x47: {  	_ =	shalt  }
0x48: {  	_ =	shalt  }
0x49: {  	_ =	shalt  }
0x4a: {  	_ =	shalt  }
0x4b: {  	_ =	shalt  }
0x4c: {  	_ =	shalt  }
0x4d: {  	_ =	shalt  }
0x4e: {  	_ =	shalt  }
0x4f: {  	_ =	shalt  }
0x50: {  	_ =	shalt  }
0x51: {  	_ =	shalt  }
0x52: {  	_ =	shalt  }
0x53: {  	_ =	shalt  }
0x54: {  	_ =	shalt  }
0x55: {  	_ =	shalt  }
0x56: {  	_ =	shalt  }
0x57: {  	_ =	shalt  }
0x58: {  	_ =	shalt  }
0x59: {  	_ =	shalt  }
0x5a: {  	_ =	shalt  }
0x5b: {  	_ =	shalt  }
0x5c: {  	_ =	shalt  }
0x5d: {  	_ =	shalt  }
0x5e: {  	_ =	shalt  }
0x5f: {  	_ =	shalt  }
0x60: {  	_ =	shalt  }
0x61: {  	_ =	shalt  }
0x62: {  	_ =	shalt  }
0x63: {  	_ =	shalt  }
0x64: {  	_ =	shalt  }
0x65: {  	_ =	shalt  }
0x66: {  	_ =	shalt  }
0x67: {  	_ =	shalt  }
0x68: {  	_ =	shalt  }
0x69: {  	_ =	shalt  }
0x6a: {  	_ =	shalt  }
0x6b: {  	_ =	shalt  }
0x6c: {  	_ =	shalt  }
0x6d: {  	_ =	shalt  }
0x6e: {  	_ =	shalt  }
0x6f: {  	_ =	shalt  }
0x70: {  	_ =	shalt  }
0x71: {  	_ =	shalt  }
0x72: {  	_ =	shalt  }
0x73: {  	_ =	shalt  }
0x74: {  	_ =	shalt  }
0x75: {  	_ =	shalt  }
0x76: {  	_ =	shalt  }
0x77: {  	_ =	shalt  }
0x78: {  	_ =	shalt  }
0x79: {  	_ =	shalt  }
0x7a: {  	_ =	shalt  }
0x7b: {  	_ =	shalt  }
0x7c: {  	_ =	shalt  }
0x7d: {  	_ =	shalt  }
0x7e: {  	_ =	shalt  }
0x7f: {  	_ =	shalt  }
0x80: {  	_ =	shalt  }
0x81: {  	_ =	shalt  }
0x82: {  	_ =	shalt  }
0x83: {  	_ =	shalt  }
0x84: {  	_ =	shalt  }
0x85: {  	_ =	shalt  }
0x86: {  	_ =	shalt  }
0x87: {  	_ =	shalt  }
.Lfunc_end0:
.L_simem_size_0:
called_computation_lowered:
.L_overlay_start_0:
0x88: {  	s2 =	sld [smem:$0x3FD9]  }
0x89: {  	s3 =	sld [smem:$0x3FFE];
	_ =	sdelay $0x1  }
0x8a: {  	s1 =	srdreg.scid  }
0x8b: {  	s0 =	sand.u32 $0x1, s1  }
0x8c: {  	s17 =	sshll.u32 s0, $0xA;
	s2 =	sadd.s32 s3, s2  }
0x8d: {  	s2 =	sadd.s32 s2, s17  }
0x8e: {  	[smem:$0x3FC3] =	sst s2  }
0x8f: {  	_ = 	snop  }
0x90: {  	s2 =	sld [smem:$0x3FC7]  }
0x91: {  	s18 =	sld [smem:$0x3FC6]  }
0x92: {  	s4 =	sld [smem:$0x3FC5]  }
0x93: {  	s5 =	sld [smem:$0x3FD0];
	(tm) =	ssettm $0x1  }
0x94: {  	s6 =	sld [smem:$0x3FFB];
	_ =	sdelay $0x3  }
0x95: {  	_ =	strace s6  }
0x96: {  	s6 =	sld [smem:$0x3FFC];
	_ =	sdelay $0x3  }
0x97: {  	_ =	strace s6  }
0x98: {  	s6 =	sld [smem:$0x3FFD];
	_ =	sdelay $0x3  }
0x99: {  	_ =	strace s6  }
0x9a: {  	_ =	strace $0x8FFFFFFF  }
0x9b: {  	s19 =	sld [smem:$0x3FDB];
	_ =	sdelay $0x1  }
0x9c: {  	s7 =	simm.s32 $_scs_section_size  }
0x9d: {  	s8 =	simm.s32 $_size__tile_overlayer_lowered;
	s9 =	simm.s32 $_tile_overlayer_lowered  }
0x9e: {  	s22 =	simm.s32 $0x1BFF;
	s21 =	sshll.u32 s9, $0x1;
	s6 =	sadd.s32 s7, s19  }
0x9f: {  	s10 =	simm.s32 $0x0;
	s20 =	sshll.u32 s8, $0x1;
	s8 =	sadd.s32 s21, s6  }
0xa0: {  	[timem:s10], [sflag:s22] =	dma.local [hbm:s8], s20  }
0xa1: {  	_ =	swait.ge [sflag:s22], s20  }
0xa2: {  	s7 =	ssub.s32 $0x0, s20;
	[sflag:s22] =	ssyncset.done $0x0  }
0xa3: {  	[sflag:s22] =	ssyncadd.s32 s7;
	_ =	sdelay $0x1  }
0xa4: {  	s23 =	simm.s32 $0x1B8B  }
0xa5: {  	_ =	swait.ge [sflag:s23], $0x1  }
0xa6: {  	[sflag:s23] =	ssyncset.done $0x0  }
0xa7: {  	s25 =	simm.s32 $0x1B8E;
	s24 =	sld [smem:$0x3FFE];
	[sflag:s23] =	ssyncadd.s32 $0xFFFFFFFF  }
0xa8: {  	s26 =	simm.s32 $execute0_lowered;
	[smem:$0x3FD2] =	sst s25  }
0xa9: {  	s8 =	sshll.u32 s26, $0x1;
	_ =	strace $0x80000046;
	[dreg:$0x1] =	wrdreg $0xFFFFFFFF  }
0xaa: {  	s28 =	simm.s32 $_size_execute0_lowered;
	s6 =	sadd.s32 s6, s8;
	[dreg:$0x0] =	wrdreg $0x0  }
0xab: {  	s8 =	sshll.u32 s28, $0x1;
	[dreg:$0x2] =	wrdreg s6  }
0xac: {  	[dreg:$0x3] =	wrdreg s8  }
0xad: {  	[dreg:$0x4] =	wrdreg $0xC0  }
0xae: {  	_ =	task [dreg:s10], $0x5FFFF  }
0xaf: {  	[dreg:$0x1] =	wrdreg $0xFFFFFFFF  }
0xb0: {  	[dreg:$0x0] =	wrdreg $0x60  }
0xb1: {  	[dreg:$0x2] =	wrdreg s24  }
0xb2: {  	[dreg:$0x3] =	wrdreg s2  }
0xb3: {  	[dreg:$0x4] =	wrdreg s18  }
0xb4: {  	[dreg:$0x5] =	wrdreg s4  }
0xb5: {  	[dreg:$0x6] =	wrdreg s5  }
0xb6: {  	[dreg:$0x7] =	wrdreg $0x9  }
0xb7: {  	_ =	task.clear_ibuf [dreg:s10], $0x8FFFF;
	_ =	strace $0x90000046  }
0xb8: {  	s29 =	simm.s32 $0x9;
	_ =	strace $0x80000048  }
0xb9: {  	_ =	swait.ge [sflag:s29], $0x1  }
0xba: {  	[sflag:s29] =	ssyncadd.s32 $0xFFFFFFFF  }
0xbb: {  	_ =	strace $0x90000048  }
0xbc: {  	_ =	sfence  }
0xbd: {  	s30 =	sld [smem:$0x0];
	_ =	sdelay $0x2  }
0xbe: {  	s31 =	sshll.u32 s1, $0xD;
	s1 =	sshrl.u32 s1, $0x2  }
0xbf: {  	s3 =	sand.u32 $0x4000, s31;
	s1 =	sadd.s32 s1, s30  }
0xc0: {  	s0 =	sor.u32 s3, s0;
	s1 =	sshll.u32 s1, $0x11  }
0xc1: {  	s0 =	sor.u32 s1, s0  }
0xc2: {  	s0 =	sadd.s32 $0x8F2B, s0  }
0xc3: {  	[sflag:s0] =	ssyncadd.remote.s32 $0x1  }
0xc4: {  	_ =	sfence.sel $0xFFFF  }
0xc5: {  	[dreg:$0x0] =	wrdreg $0xFFFFFFFF;
	(pc) =	sbr.abs _section_cstart, $3  }
0xc6: {  	[dreg:$0x1] =	wrdreg $0xFFFFFFFF  }
0xc7: {  	_ =	task.clear_ibuf [dreg:s10], $0x2FFFF;
	_ =	strace $0x9FFFFFFF  }
0xc8: {  	(tm) =	ssettm $0x7FFFFFFF  }
0xc9: {  	_ =	shalt  }
tec
execute0_lowered:
.L_overlay_start_1:
0x0: {  	(tag) =	ssettag $0x1  }
0x1: {  	s5 =	rddreg [dreg:$0x0]  }
0x2: {  	s6 =	rddreg [dreg:$0x1]  }
0x3: {  	s7 =	rddreg [dreg:$0x2]  }
0x4: {  	s8 =	rddreg [dreg:$0x3]  }
0x5: {  	s2 =	rddreg [dreg:$0x4]  }
0x6: {  	s0 =	rddreg [dreg:$0x5];
	s4 =	srdreg.scid;
	s3 =	simm.s32 $0x0  }
0x7: {  	s1 =	stileid.u32;
	s13 =	simm.s32 $0x8000;
	s14 =	simm.s32 $0x3  }
0x8: {  	s15 =	simm.s32 $0x0;
	s4 =	sand.u32 $0x1, s4;
	[smem:$0x7FF] =	sst s3  }
0x9: {  	s9 =	sshll.u32 s1, $0xA;
	s10 =	sshll.u32 s4, $0x9;
	_ =	strace $0x80000047  }
.Ltmp0:
0xa: {  	s11 =	ssub.s32 $0x2, s4;
	s4 =	sadd.s32 $0x4400, s5;
	(pc) =	sbr.rel .LBB2_1-.Ltmp0, $4  }
0xb: {  	s5 =	sadd.s32 $0x400, s5;
	s10 =	sor.u32 s10, s9;
	s31 =	sshrl.u32 s11, $0x1  }
0xc: {  	s12 =	sshrl.u32 s10, $0x3;
	s9 =	ssub.s32 s11, s31;
	s10 =	sadd.s32 $0xFFFFFF80, s10  }
0xd: {  	v0 =	vlaneseq.u32;
	s11 =	simm.s32 $0x4;
	s6 =	sadd.s32 s6, s12;
	s7 =	sadd.s32 s7, s12  }
0xe: {  	v0 =	vmul.u32 $0x8, v0;
	s8 =	sadd.s32 s8, s12;
	s9 =	smax.u32 s9, $0x1;
	s12 =	simm.s32 $0x10000  }
.LBB2_6:
0xf: {  	s15 =	sadd.s32 $0x1, s15  }
0x10: {  	p0 =	sne.s32 s15, s9  }
.Ltmp1:
0x11: {  	_ = 	snop;
	(pc) =	sbr.rel @!p0 .LBB2_7-.Ltmp1, $4  }
0x12: {  	_ = 	snop  }
0x13: {  	_ =	swait.ge [sflag:s14], $0x2000  }
0x14: {  	[sflag:s14] =	ssyncset.done $0x0  }
0x15: {  	[sflag:s14] =	ssyncadd.s32 $0xFFFFE000  }
.LBB2_1:
0x16: {  	s16 =	simm.s32 $0x1C000  }
0x17: {  	[tilespmem:s16], [sflag:$0x4] =	stream.linear.gather [hbm4b:s6+s3], $0x200, $0x38;
	[tilespmem:$0x1C600] =	vst v63  }
0x18: {  	_ =	swait.ge [sflag:s11], $0x200  }
0x19: {  	[sflag:s11] =	ssyncset.done $0x0  }
0x1a: {  	s17 =	simm.s32 $0x1C200;
	[sflag:s11] =	ssyncadd.s32 $0xFFFFFE00  }
0x1b: {  	[tilespmem:s17], [sflag:$0x4] =	stream.linear.gather [hbm4b:s7+s3], $0x200, $0x38;
	[tilespmem:$0x1C600] =	vst v63  }
0x1c: {  	_ =	swait.ge [sflag:s11], $0x200  }
0x1d: {  	[sflag:s11] =	ssyncset.done $0x0  }
.Ltmp2:
0x1e: {  	s18 =	simm.s32 $0x1C400;
	[sflag:s11] =	ssyncadd.s32 $0xFFFFFE00;
	(pc) =	sbr.rel .LBB2_2-.Ltmp2, $4  }
0x1f: {  	[tilespmem:s18], [sflag:$0x4] =	stream.linear.gather [hbm4b:s8+s3], $0x200, $0x38;
	[tilespmem:$0x1C600] =	vst v63  }
0x20: {  	_ =	swait.ge [sflag:s11], $0x200  }
0x21: {  	s19 =	simm.s32 $0xFFFFFC00;
	[sflag:s11] =	ssyncset.done $0x0  }
0x22: {  	s20 =	smov.u32 s10;
	s21 =	simm.s32 $0x0;
	[sflag:s11] =	ssyncadd.s32 $0xFFFFFE00  }
.LBB2_4:
0x23: {  	s22 =	sadd.s32 $0xFFFFFFFF, s21  }
0x24: {  	s23 =	sand.u32 $0x1, s22  }
0x25: {  	s24 =	sadd.s32 $0x1, s23  }
0x26: {  	_ =	swait.ge [sflag:s24], $0x4000  }
0x27: {  	[sflag:s24] =	ssyncset.done $0x0  }
0x28: {  	[sflag:s24] =	ssyncadd.s32 $0xFFFFC000  }
0x29: {  	_ =	swait.ge [sflag:s24], $0x4000  }
0x2a: {  	[sflag:s24] =	ssyncset.done $0x0  }
0x2b: {  	[sflag:s24] =	ssyncadd.s32 $0xFFFFC000  }
0x2c: {  	_ =	swait.ge [sflag:s24], $0x4000  }
0x2d: {  	[sflag:s24] =	ssyncset.done $0x0  }
0x2e: {  	[sflag:s24] =	ssyncadd.s32 $0xFFFFC000  }
0x2f: {  	v1 =	vld [tilespmem:s16+$0xFFFFFFF0]  }
0x30: {  	v2 =	vld [tilespmem:s17+$0xFFFFFFF0];
	_ =	sdelay $0x1  }
0x31: {  	v3 =	vld [tilespmem:s18+$0xFFFFFFF0]  }
0x32: {  	s23 =	sshll.u32 s23, $0x7  }
0x33: {  	v4 =	vor.u32 s23, v0;
	v1 =	vand.u32 $0x7, v1  }
0x34: {  	v2 =	vand.u32 $0x7, v2;
	v1 =	vor.u32 v4, v1  }
0x35: {  	v2 =	vor.u32 v4, v2;
	v1 =	vshll.u32 v1, $0x7  }
0x36: {  	v5 =	vand.u32 $0x7, v3;
	v3 =	vshll.u32 v2, $0x7  }
0x37: {  	v2 =	vor.u32 v4, v5  }
0x38: {  	v2 =	vshll.u32 v2, $0x7;
	_ =	sdelay $0x1  }
0x39: {  	v35 =	vld.idx.msk [tilespmem:v1+s3+$0x0], $0xffff  }
0x3a: {  	v36 =	vld.idx.msk [tilespmem:v3+s13+$0x0], $0xffff;
	_ =	sdelay $0x1  }
0x3b: {  	v6 =	vld.idx.msk [tilespmem:v2+s12+$0x0], $0xffff;
	_ =	sdelay $0x2  }
0x3c: {  	v37 =	vor.u32 $0x1, v1;
	v4 =	vmul.f32 v36, v35  }
0x3d: {  	s30 =	sand.u32 $0x2000, s19;
	s29 =	sand.u32 $0x7, s22;
	v7 =	vor.u32 $0x1, v3  }
0x3e: {  	s22 =	sor.u32 $0x18000, s30;
	s31 =	sshll.u32 s29, $0x4;
	v4 =	vmul.f32 v4, v6  }
0x3f: {  	s23 =	sor.u32 s31, s22;
	v38 =	vor.u32 $0x1, v2  }
0x40: {  	[tilespmem:s23+$0x0] =	vst v4  }
0x41: {  	v4 =	vld.idx.msk [tilespmem:v37+s3+$0x0], $0xffff  }
0x42: {  	v39 =	vld.idx.msk [tilespmem:v7+s13+$0x0], $0xffff;
	_ =	sdelay $0x1  }
0x43: {  	v6 =	vld.idx.msk [tilespmem:v38+s12+$0x0], $0xffff;
	_ =	sdelay $0x2  }
0x44: {  	v40 =	vor.u32 $0x2, v1;
	v4 =	vmul.f32 v39, v4  }
0x45: {  	v41 =	vor.u32 $0x2, v3  }
0x46: {  	v4 =	vmul.f32 v4, v6  }
0x47: {  	v42 =	vor.u32 $0x2, v2  }
0x48: {  	[tilespmem:s23+$0x80] =	vst v4  }
0x49: {  	v4 =	vld.idx.msk [tilespmem:v40+s3+$0x0], $0xffff  }
0x4a: {  	v43 =	vld.idx.msk [tilespmem:v41+s13+$0x0], $0xffff;
	_ =	sdelay $0x1  }
0x4b: {  	v6 =	vld.idx.msk [tilespmem:v42+s12+$0x0], $0xffff;
	_ =	sdelay $0x2  }
0x4c: {  	v44 =	vor.u32 $0x3, v1;
	v4 =	vmul.f32 v43, v4  }
0x4d: {  	v45 =	vor.u32 $0x3, v3  }
0x4e: {  	v4 =	vmul.f32 v4, v6  }
0x4f: {  	v46 =	vor.u32 $0x3, v2  }
0x50: {  	[tilespmem:s23+$0x100] =	vst v4  }
0x51: {  	v4 =	vld.idx.msk [tilespmem:v44+s3+$0x0], $0xffff  }
0x52: {  	v47 =	vld.idx.msk [tilespmem:v45+s13+$0x0], $0xffff;
	_ =	sdelay $0x1  }
0x53: {  	v6 =	vld.idx.msk [tilespmem:v46+s12+$0x0], $0xffff;
	_ =	sdelay $0x2  }
0x54: {  	v48 =	vor.u32 $0x4, v1;
	v4 =	vmul.f32 v47, v4  }
0x55: {  	v49 =	vor.u32 $0x4, v3  }
0x56: {  	v4 =	vmul.f32 v4, v6  }
0x57: {  	v50 =	vor.u32 $0x4, v2  }
0x58: {  	[tilespmem:s23+$0x180] =	vst v4  }
0x59: {  	v4 =	vld.idx.msk [tilespmem:v48+s3+$0x0], $0xffff  }
0x5a: {  	v51 =	vld.idx.msk [tilespmem:v49+s13+$0x0], $0xffff;
	_ =	sdelay $0x1  }
0x5b: {  	v6 =	vld.idx.msk [tilespmem:v50+s12+$0x0], $0xffff;
	_ =	sdelay $0x2  }
0x5c: {  	v52 =	vor.u32 $0x5, v1;
	v4 =	vmul.f32 v51, v4  }
0x5d: {  	v53 =	vor.u32 $0x5, v3  }
0x5e: {  	v4 =	vmul.f32 v4, v6  }
0x5f: {  	v54 =	vor.u32 $0x5, v2  }
0x60: {  	[tilespmem:s23+$0x200] =	vst v4  }
0x61: {  	v4 =	vld.idx.msk [tilespmem:v52+s3+$0x0], $0xffff  }
0x62: {  	v55 =	vld.idx.msk [tilespmem:v53+s13+$0x0], $0xffff;
	_ =	sdelay $0x1  }
0x63: {  	v6 =	vld.idx.msk [tilespmem:v54+s12+$0x0], $0xffff;
	_ =	sdelay $0x2  }
0x64: {  	v56 =	vor.u32 $0x6, v1;
	v4 =	vmul.f32 v55, v4  }
0x65: {  	v57 =	vor.u32 $0x6, v3  }
0x66: {  	v4 =	vmul.f32 v4, v6  }
0x67: {  	v58 =	vor.u32 $0x6, v2  }
0x68: {  	[tilespmem:s23+$0x280] =	vst v4  }
0x69: {  	v4 =	vld.idx.msk [tilespmem:v56+s3+$0x0], $0xffff  }
0x6a: {  	v59 =	vld.idx.msk [tilespmem:v57+s13+$0x0], $0xffff;
	_ =	sdelay $0x1  }
0x6b: {  	v6 =	vld.idx.msk [tilespmem:v58+s12+$0x0], $0xffff;
	_ =	sdelay $0x2  }
0x6c: {  	v60 =	vor.u32 $0x7, v1;
	v4 =	vmul.f32 v59, v4  }
0x6d: {  	v61 =	vor.u32 $0x7, v3  }
0x6e: {  	v4 =	vmul.f32 v4, v6  }
0x6f: {  	v62 =	vor.u32 $0x7, v2  }
0x70: {  	[tilespmem:s23+$0x300] =	vst v4  }
0x71: {  	v4 =	vld.idx.msk [tilespmem:v60+s3+$0x0], $0xffff  }
0x72: {  	v63 =	vld.idx.msk [tilespmem:v61+s13+$0x0], $0xffff;
	_ =	sdelay $0x1  }
0x73: {  	v6 =	vld.idx.msk [tilespmem:v62+s12+$0x0], $0xffff;
	_ =	sdelay $0x2  }
0x74: {  	v9 =	vor.u32 $0x8, v1;
	v4 =	vmul.f32 v63, v4  }
0x75: {  	v10 =	vor.u32 $0x8, v3  }
0x76: {  	v4 =	vmul.f32 v4, v6  }
0x77: {  	v11 =	vor.u32 $0x8, v2  }
0x78: {  	[tilespmem:s23+$0x380] =	vst v4  }
0x79: {  	v4 =	vld.idx.msk [tilespmem:v9+s3+$0x0], $0xffff  }
0x7a: {  	v12 =	vld.idx.msk [tilespmem:v10+s13+$0x0], $0xffff;
	_ =	sdelay $0x1  }
0x7b: {  	v6 =	vld.idx.msk [tilespmem:v11+s12+$0x0], $0xffff;
	_ =	sdelay $0x2  }
0x7c: {  	v13 =	vor.u32 $0x9, v1;
	v4 =	vmul.f32 v12, v4  }
0x7d: {  	v14 =	vor.u32 $0x9, v3  }
0x7e: {  	v4 =	vmul.f32 v4, v6  }
0x7f: {  	v15 =	vor.u32 $0x9, v2  }
0x80: {  	[tilespmem:s23+$0x400] =	vst v4  }
0x81: {  	v4 =	vld.idx.msk [tilespmem:v13+s3+$0x0], $0xffff  }
0x82: {  	v16 =	vld.idx.msk [tilespmem:v14+s13+$0x0], $0xffff;
	_ =	sdelay $0x1  }
0x83: {  	v6 =	vld.idx.msk [tilespmem:v15+s12+$0x0], $0xffff;
	_ =	sdelay $0x2  }
0x84: {  	v17 =	vor.u32 $0xA, v1;
	v4 =	vmul.f32 v16, v4  }
0x85: {  	v18 =	vor.u32 $0xA, v3  }
0x86: {  	v4 =	vmul.f32 v4, v6  }
0x87: {  	v19 =	vor.u32 $0xA, v2  }
0x88: {  	[tilespmem:s23+$0x480] =	vst v4  }
0x89: {  	v4 =	vld.idx.msk [tilespmem:v17+s3+$0x0], $0xffff  }
0x8a: {  	v20 =	vld.idx.msk [tilespmem:v18+s13+$0x0], $0xffff;
	_ =	sdelay $0x1  }
0x8b: {  	v6 =	vld.idx.msk [tilespmem:v19+s12+$0x0], $0xffff;
	_ =	sdelay $0x2  }
0x8c: {  	v21 =	vor.u32 $0xB, v1;
	v4 =	vmul.f32 v20, v4  }
0x8d: {  	v22 =	vor.u32 $0xB, v3  }
0x8e: {  	v4 =	vmul.f32 v4, v6  }
0x8f: {  	v23 =	vor.u32 $0xB, v2  }
0x90: {  	[tilespmem:s23+$0x500] =	vst v4  }
0x91: {  	v4 =	vld.idx.msk [tilespmem:v21+s3+$0x0], $0xffff  }
0x92: {  	v24 =	vld.idx.msk [tilespmem:v22+s13+$0x0], $0xffff;
	_ =	sdelay $0x1  }
0x93: {  	v6 =	vld.idx.msk [tilespmem:v23+s12+$0x0], $0xffff;
	_ =	sdelay $0x2  }
0x94: {  	v25 =	vor.u32 $0xC, v1;
	v4 =	vmul.f32 v24, v4  }
0x95: {  	v26 =	vor.u32 $0xC, v3  }
0x96: {  	v4 =	vmul.f32 v4, v6  }
0x97: {  	v27 =	vor.u32 $0xC, v2  }
0x98: {  	[tilespmem:s23+$0x580] =	vst v4  }
0x99: {  	v4 =	vld.idx.msk [tilespmem:v25+s3+$0x0], $0xffff  }
0x9a: {  	v28 =	vld.idx.msk [tilespmem:v26+s13+$0x0], $0xffff;
	_ =	sdelay $0x1  }
0x9b: {  	v6 =	vld.idx.msk [tilespmem:v27+s12+$0x0], $0xffff;
	_ =	sdelay $0x2  }
0x9c: {  	v29 =	vor.u32 $0xD, v1;
	v4 =	vmul.f32 v28, v4  }
0x9d: {  	v30 =	vor.u32 $0xD, v3  }
0x9e: {  	v4 =	vmul.f32 v4, v6  }
0x9f: {  	v31 =	vor.u32 $0xD, v2  }
0xa0: {  	[tilespmem:s23+$0x600] =	vst v4  }
0xa1: {  	v4 =	vld.idx.msk [tilespmem:v29+s3+$0x0], $0xffff  }
0xa2: {  	v32 =	vld.idx.msk [tilespmem:v30+s13+$0x0], $0xffff;
	_ =	sdelay $0x1  }
0xa3: {  	v6 =	vld.idx.msk [tilespmem:v31+s12+$0x0], $0xffff;
	_ =	sdelay $0x2  }
0xa4: {  	v33 =	vor.u32 $0xE, v1;
	v4 =	vmul.f32 v32, v4  }
0xa5: {  	v34 =	vor.u32 $0xE, v3  }
0xa6: {  	v4 =	vmul.f32 v4, v6  }
0xa7: {  	v35 =	vor.u32 $0xE, v2  }
0xa8: {  	[tilespmem:s23+$0x680] =	vst v4  }
0xa9: {  	v4 =	vld.idx.msk [tilespmem:v33+s3+$0x0], $0xffff  }
0xaa: {  	v36 =	vld.idx.msk [tilespmem:v34+s13+$0x0], $0xffff;
	_ =	sdelay $0x1  }
0xab: {  	v6 =	vld.idx.msk [tilespmem:v35+s12+$0x0], $0xffff;
	_ =	sdelay $0x2  }
0xac: {  	v37 =	vor.u32 $0xF, v1;
	v4 =	vmul.f32 v36, v4  }
0xad: {  	v38 =	vor.u32 $0xF, v3  }
0xae: {  	v4 =	vmul.f32 v4, v6  }
0xaf: {  	v39 =	vor.u32 $0xF, v2  }
0xb0: {  	[tilespmem:s23+$0x700] =	vst v4  }
0xb1: {  	v4 =	vld.idx.msk [tilespmem:v37+s3+$0x0], $0xffff  }
0xb2: {  	v40 =	vld.idx.msk [tilespmem:v38+s13+$0x0], $0xffff;
	_ =	sdelay $0x1  }
0xb3: {  	v6 =	vld.idx.msk [tilespmem:v39+s12+$0x0], $0xffff;
	_ =	sdelay $0x2  }
0xb4: {  	v41 =	vor.u32 $0x10, v1;
	v4 =	vmul.f32 v40, v4  }
0xb5: {  	v42 =	vor.u32 $0x10, v3  }
0xb6: {  	v4 =	vmul.f32 v4, v6  }
0xb7: {  	v43 =	vor.u32 $0x10, v2  }
0xb8: {  	[tilespmem:s23+$0x780] =	vst v4  }
0xb9: {  	v4 =	vld.idx.msk [tilespmem:v41+s3+$0x0], $0xffff  }
0xba: {  	v44 =	vld.idx.msk [tilespmem:v42+s13+$0x0], $0xffff;
	_ =	sdelay $0x1  }
0xbb: {  	v6 =	vld.idx.msk [tilespmem:v43+s12+$0x0], $0xffff;
	_ =	sdelay $0x2  }
0xbc: {  	v45 =	vor.u32 $0x11, v1;
	v4 =	vmul.f32 v44, v4  }
0xbd: {  	v46 =	vor.u32 $0x11, v3  }
0xbe: {  	v4 =	vmul.f32 v4, v6  }
0xbf: {  	v47 =	vor.u32 $0x11, v2  }
0xc0: {  	[tilespmem:s23+$0x800] =	vst v4  }
0xc1: {  	v4 =	vld.idx.msk [tilespmem:v45+s3+$0x0], $0xffff  }
0xc2: {  	v48 =	vld.idx.msk [tilespmem:v46+s13+$0x0], $0xffff;
	_ =	sdelay $0x1  }
0xc3: {  	v6 =	vld.idx.msk [tilespmem:v47+s12+$0x0], $0xffff;
	_ =	sdelay $0x2  }
0xc4: {  	v49 =	vor.u32 $0x12, v1;
	v4 =	vmul.f32 v48, v4  }
0xc5: {  	v50 =	vor.u32 $0x12, v3  }
0xc6: {  	v4 =	vmul.f32 v4, v6  }
0xc7: {  	v51 =	vor.u32 $0x12, v2  }
0xc8: {  	[tilespmem:s23+$0x880] =	vst v4  }
0xc9: {  	v4 =	vld.idx.msk [tilespmem:v49+s3+$0x0], $0xffff  }
0xca: {  	v52 =	vld.idx.msk [tilespmem:v50+s13+$0x0], $0xffff;
	_ =	sdelay $0x1  }
0xcb: {  	v6 =	vld.idx.msk [tilespmem:v51+s12+$0x0], $0xffff;
	_ =	sdelay $0x2  }
0xcc: {  	v53 =	vor.u32 $0x13, v1;
	v4 =	vmul.f32 v52, v4  }
0xcd: {  	v54 =	vor.u32 $0x13, v3  }
0xce: {  	v4 =	vmul.f32 v4, v6  }
0xcf: {  	v55 =	vor.u32 $0x13, v2  }
0xd0: {  	[tilespmem:s23+$0x900] =	vst v4  }
0xd1: {  	v4 =	vld.idx.msk [tilespmem:v53+s3+$0x0], $0xffff  }
0xd2: {  	v56 =	vld.idx.msk [tilespmem:v54+s13+$0x0], $0xffff;
	_ =	sdelay $0x1  }
0xd3: {  	v6 =	vld.idx.msk [tilespmem:v55+s12+$0x0], $0xffff;
	_ =	sdelay $0x2  }
0xd4: {  	v57 =	vor.u32 $0x14, v1;
	v4 =	vmul.f32 v56, v4  }
0xd5: {  	v58 =	vor.u32 $0x14, v3  }
0xd6: {  	v4 =	vmul.f32 v4, v6  }
0xd7: {  	v59 =	vor.u32 $0x14, v2  }
0xd8: {  	[tilespmem:s23+$0x980] =	vst v4  }
0xd9: {  	v4 =	vld.idx.msk [tilespmem:v57+s3+$0x0], $0xffff  }
0xda: {  	v60 =	vld.idx.msk [tilespmem:v58+s13+$0x0], $0xffff;
	_ =	sdelay $0x1  }
0xdb: {  	v6 =	vld.idx.msk [tilespmem:v59+s12+$0x0], $0xffff;
	_ =	sdelay $0x2  }
0xdc: {  	v61 =	vor.u32 $0x15, v1;
	v4 =	vmul.f32 v60, v4  }
0xdd: {  	v62 =	vor.u32 $0x15, v3  }
0xde: {  	v4 =	vmul.f32 v4, v6  }
0xdf: {  	v63 =	vor.u32 $0x15, v2  }
0xe0: {  	[tilespmem:s23+$0xA00] =	vst v4  }
0xe1: {  	v4 =	vld.idx.msk [tilespmem:v61+s3+$0x0], $0xffff  }
0xe2: {  	v9 =	vld.idx.msk [tilespmem:v62+s13+$0x0], $0xffff;
	_ =	sdelay $0x1  }
0xe3: {  	v6 =	vld.idx.msk [tilespmem:v63+s12+$0x0], $0xffff;
	_ =	sdelay $0x2  }
0xe4: {  	v10 =	vor.u32 $0x16, v1;
	v4 =	vmul.f32 v9, v4  }
0xe5: {  	v11 =	vor.u32 $0x16, v3  }
0xe6: {  	v4 =	vmul.f32 v4, v6  }
0xe7: {  	v12 =	vor.u32 $0x16, v2  }
0xe8: {  	[tilespmem:s23+$0xA80] =	vst v4  }
0xe9: {  	v4 =	vld.idx.msk [tilespmem:v10+s3+$0x0], $0xffff  }
0xea: {  	v13 =	vld.idx.msk [tilespmem:v11+s13+$0x0], $0xffff;
	_ =	sdelay $0x1  }
0xeb: {  	v6 =	vld.idx.msk [tilespmem:v12+s12+$0x0], $0xffff;
	_ =	sdelay $0x2  }
0xec: {  	v14 =	vor.u32 $0x17, v1;
	v4 =	vmul.f32 v13, v4  }
0xed: {  	v15 =	vor.u32 $0x17, v3  }
0xee: {  	v4 =	vmul.f32 v4, v6  }
0xef: {  	v16 =	vor.u32 $0x17, v2  }
0xf0: {  	[tilespmem:s23+$0xB00] =	vst v4  }
0xf1: {  	v4 =	vld.idx.msk [tilespmem:v14+s3+$0x0], $0xffff  }
0xf2: {  	v17 =	vld.idx.msk [tilespmem:v15+s13+$0x0], $0xffff;
	_ =	sdelay $0x1  }
0xf3: {  	v6 =	vld.idx.msk [tilespmem:v16+s12+$0x0], $0xffff;
	_ =	sdelay $0x2  }
0xf4: {  	v18 =	vor.u32 $0x18, v1;
	v4 =	vmul.f32 v17, v4  }
0xf5: {  	v19 =	vor.u32 $0x18, v3  }
0xf6: {  	v4 =	vmul.f32 v4, v6  }
0xf7: {  	v20 =	vor.u32 $0x18, v2  }
0xf8: {  	[tilespmem:s23+$0xB80] =	vst v4  }
0xf9: {  	v4 =	vld.idx.msk [tilespmem:v18+s3+$0x0], $0xffff  }
0xfa: {  	v21 =	vld.idx.msk [tilespmem:v19+s13+$0x0], $0xffff;
	_ =	sdelay $0x1  }
0xfb: {  	v6 =	vld.idx.msk [tilespmem:v20+s12+$0x0], $0xffff;
	_ =	sdelay $0x2  }
0xfc: {  	v22 =	vor.u32 $0x19, v1;
	v4 =	vmul.f32 v21, v4  }
0xfd: {  	v23 =	vor.u32 $0x19, v3  }
0xfe: {  	v4 =	vmul.f32 v4, v6  }
0xff: {  	v24 =	vor.u32 $0x19, v2  }
0x100: {  	[tilespmem:s23+$0xC00] =	vst v4  }
0x101: {  	v4 =	vld.idx.msk [tilespmem:v22+s3+$0x0], $0xffff  }
0x102: {  	v25 =	vld.idx.msk [tilespmem:v23+s13+$0x0], $0xffff;
	_ =	sdelay $0x1  }
0x103: {  	v6 =	vld.idx.msk [tilespmem:v24+s12+$0x0], $0xffff;
	_ =	sdelay $0x2  }
0x104: {  	v26 =	vor.u32 $0x1A, v1;
	v4 =	vmul.f32 v25, v4  }
0x105: {  	v27 =	vor.u32 $0x1A, v3  }
0x106: {  	v4 =	vmul.f32 v4, v6  }
0x107: {  	v28 =	vor.u32 $0x1A, v2  }
0x108: {  	[tilespmem:s23+$0xC80] =	vst v4  }
0x109: {  	v4 =	vld.idx.msk [tilespmem:v26+s3+$0x0], $0xffff  }
0x10a: {  	v29 =	vld.idx.msk [tilespmem:v27+s13+$0x0], $0xffff;
	_ =	sdelay $0x1  }
0x10b: {  	v6 =	vld.idx.msk [tilespmem:v28+s12+$0x0], $0xffff;
	_ =	sdelay $0x2  }
0x10c: {  	v30 =	vor.u32 $0x1B, v1;
	v4 =	vmul.f32 v29, v4  }
0x10d: {  	v31 =	vor.u32 $0x1B, v3  }
0x10e: {  	v4 =	vmul.f32 v4, v6  }
0x10f: {  	v32 =	vor.u32 $0x1B, v2  }
0x110: {  	[tilespmem:s23+$0xD00] =	vst v4  }
0x111: {  	v4 =	vld.idx.msk [tilespmem:v30+s3+$0x0], $0xffff  }
0x112: {  	v33 =	vld.idx.msk [tilespmem:v31+s13+$0x0], $0xffff;
	_ =	sdelay $0x1  }
0x113: {  	v6 =	vld.idx.msk [tilespmem:v32+s12+$0x0], $0xffff;
	_ =	sdelay $0x2  }
0x114: {  	v34 =	vor.u32 $0x1C, v1;
	v4 =	vmul.f32 v33, v4  }
0x115: {  	v35 =	vor.u32 $0x1C, v3  }
0x116: {  	v4 =	vmul.f32 v4, v6  }
0x117: {  	v36 =	vor.u32 $0x1C, v2  }
0x118: {  	[tilespmem:s23+$0xD80] =	vst v4  }
0x119: {  	v4 =	vld.idx.msk [tilespmem:v34+s3+$0x0], $0xffff  }
0x11a: {  	v37 =	vld.idx.msk [tilespmem:v35+s13+$0x0], $0xffff;
	_ =	sdelay $0x1  }
0x11b: {  	v6 =	vld.idx.msk [tilespmem:v36+s12+$0x0], $0xffff;
	_ =	sdelay $0x2  }
0x11c: {  	v38 =	vor.u32 $0x1D, v1;
	v4 =	vmul.f32 v37, v4  }
0x11d: {  	v39 =	vor.u32 $0x1D, v3  }
0x11e: {  	v4 =	vmul.f32 v4, v6  }
0x11f: {  	v40 =	vor.u32 $0x1D, v2  }
0x120: {  	[tilespmem:s23+$0xE00] =	vst v4  }
0x121: {  	v4 =	vld.idx.msk [tilespmem:v38+s3+$0x0], $0xffff  }
0x122: {  	v41 =	vld.idx.msk [tilespmem:v39+s13+$0x0], $0xffff;
	_ =	sdelay $0x1  }
0x123: {  	v6 =	vld.idx.msk [tilespmem:v40+s12+$0x0], $0xffff;
	_ =	sdelay $0x2  }
0x124: {  	v42 =	vor.u32 $0x1E, v1;
	v4 =	vmul.f32 v41, v4  }
0x125: {  	v43 =	vor.u32 $0x1E, v3  }
0x126: {  	v4 =	vmul.f32 v4, v6  }
0x127: {  	v44 =	vor.u32 $0x1E, v2  }
0x128: {  	[tilespmem:s23+$0xE80] =	vst v4  }
0x129: {  	v4 =	vld.idx.msk [tilespmem:v42+s3+$0x0], $0xffff  }
0x12a: {  	v45 =	vld.idx.msk [tilespmem:v43+s13+$0x0], $0xffff;
	_ =	sdelay $0x1  }
0x12b: {  	v6 =	vld.idx.msk [tilespmem:v44+s12+$0x0], $0xffff;
	_ =	sdelay $0x2  }
0x12c: {  	v46 =	vor.u32 $0x1F, v1;
	v4 =	vmul.f32 v45, v4  }
0x12d: {  	v47 =	vor.u32 $0x1F, v3  }
0x12e: {  	v4 =	vmul.f32 v4, v6  }
0x12f: {  	v48 =	vor.u32 $0x1F, v2  }
0x130: {  	[tilespmem:s23+$0xF00] =	vst v4  }
0x131: {  	v4 =	vld.idx.msk [tilespmem:v46+s3+$0x0], $0xffff  }
0x132: {  	v49 =	vld.idx.msk [tilespmem:v47+s13+$0x0], $0xffff;
	_ =	sdelay $0x1  }
0x133: {  	v6 =	vld.idx.msk [tilespmem:v48+s12+$0x0], $0xffff;
	_ =	sdelay $0x2  }
0x134: {  	v50 =	vor.u32 $0x20, v1;
	v4 =	vmul.f32 v49, v4  }
0x135: {  	v51 =	vor.u32 $0x20, v3  }
0x136: {  	v4 =	vmul.f32 v4, v6  }
0x137: {  	v52 =	vor.u32 $0x20, v2  }
0x138: {  	[tilespmem:s23+$0xF80] =	vst v4  }
0x139: {  	v4 =	vld.idx.msk [tilespmem:v50+s3+$0x0], $0xffff  }
0x13a: {  	v53 =	vld.idx.msk [tilespmem:v51+s13+$0x0], $0xffff;
	_ =	sdelay $0x1  }
0x13b: {  	v6 =	vld.idx.msk [tilespmem:v52+s12+$0x0], $0xffff;
	_ =	sdelay $0x2  }
0x13c: {  	v54 =	vor.u32 $0x21, v1;
	v4 =	vmul.f32 v53, v4  }
0x13d: {  	v55 =	vor.u32 $0x21, v3  }
0x13e: {  	v4 =	vmul.f32 v4, v6  }
0x13f: {  	v56 =	vor.u32 $0x21, v2  }
0x140: {  	[tilespmem:s23+$0x1000] =	vst v4  }
0x141: {  	v4 =	vld.idx.msk [tilespmem:v54+s3+$0x0], $0xffff  }
0x142: {  	v57 =	vld.idx.msk [tilespmem:v55+s13+$0x0], $0xffff;
	_ =	sdelay $0x1  }
0x143: {  	v6 =	vld.idx.msk [tilespmem:v56+s12+$0x0], $0xffff;
	_ =	sdelay $0x2  }
0x144: {  	v58 =	vor.u32 $0x22, v1;
	v4 =	vmul.f32 v57, v4  }
0x145: {  	v59 =	vor.u32 $0x22, v3  }
0x146: {  	v4 =	vmul.f32 v4, v6  }
0x147: {  	v60 =	vor.u32 $0x22, v2  }
0x148: {  	[tilespmem:s23+$0x1080] =	vst v4  }
0x149: {  	v4 =	vld.idx.msk [tilespmem:v58+s3+$0x0], $0xffff  }
0x14a: {  	v61 =	vld.idx.msk [tilespmem:v59+s13+$0x0], $0xffff;
	_ =	sdelay $0x1  }
0x14b: {  	v6 =	vld.idx.msk [tilespmem:v60+s12+$0x0], $0xffff;
	_ =	sdelay $0x2  }
0x14c: {  	v62 =	vor.u32 $0x23, v1;
	v4 =	vmul.f32 v61, v4  }
0x14d: {  	v63 =	vor.u32 $0x23, v3  }
0x14e: {  	v4 =	vmul.f32 v4, v6  }
0x14f: {  	v9 =	vor.u32 $0x23, v2  }
0x150: {  	[tilespmem:s23+$0x1100] =	vst v4  }
0x151: {  	v4 =	vld.idx.msk [tilespmem:v62+s3+$0x0], $0xffff  }
0x152: {  	v10 =	vld.idx.msk [tilespmem:v63+s13+$0x0], $0xffff;
	_ =	sdelay $0x1  }
0x153: {  	v6 =	vld.idx.msk [tilespmem:v9+s12+$0x0], $0xffff;
	_ =	sdelay $0x2  }
0x154: {  	v11 =	vor.u32 $0x24, v1;
	v4 =	vmul.f32 v10, v4  }
0x155: {  	v12 =	vor.u32 $0x24, v3  }
0x156: {  	v4 =	vmul.f32 v4, v6  }
0x157: {  	v13 =	vor.u32 $0x24, v2  }
0x158: {  	[tilespmem:s23+$0x1180] =	vst v4  }
0x159: {  	v4 =	vld.idx.msk [tilespmem:v11+s3+$0x0], $0xffff  }
0x15a: {  	v14 =	vld.idx.msk [tilespmem:v12+s13+$0x0], $0xffff;
	_ =	sdelay $0x1  }
0x15b: {  	v6 =	vld.idx.msk [tilespmem:v13+s12+$0x0], $0xffff;
	_ =	sdelay $0x2  }
0x15c: {  	v15 =	vor.u32 $0x25, v1;
	v4 =	vmul.f32 v14, v4  }
0x15d: {  	v16 =	vor.u32 $0x25, v3  }
0x15e: {  	v4 =	vmul.f32 v4, v6  }
0x15f: {  	v17 =	vor.u32 $0x25, v2  }
0x160: {  	[tilespmem:s23+$0x1200] =	vst v4  }
0x161: {  	v4 =	vld.idx.msk [tilespmem:v15+s3+$0x0], $0xffff  }
0x162: {  	v18 =	vld.idx.msk [tilespmem:v16+s13+$0x0], $0xffff;
	_ =	sdelay $0x1  }
0x163: {  	v6 =	vld.idx.msk [tilespmem:v17+s12+$0x0], $0xffff;
	_ =	sdelay $0x2  }
0x164: {  	v19 =	vor.u32 $0x26, v1;
	v4 =	vmul.f32 v18, v4  }
0x165: {  	v20 =	vor.u32 $0x26, v3  }
0x166: {  	v4 =	vmul.f32 v4, v6  }
0x167: {  	v21 =	vor.u32 $0x26, v2  }
0x168: {  	[tilespmem:s23+$0x1280] =	vst v4  }
0x169: {  	v4 =	vld.idx.msk [tilespmem:v19+s3+$0x0], $0xffff  }
0x16a: {  	v22 =	vld.idx.msk [tilespmem:v20+s13+$0x0], $0xffff;
	_ =	sdelay $0x1  }
0x16b: {  	v6 =	vld.idx.msk [tilespmem:v21+s12+$0x0], $0xffff;
	_ =	sdelay $0x2  }
0x16c: {  	v23 =	vor.u32 $0x27, v1;
	v4 =	vmul.f32 v22, v4  }
0x16d: {  	v24 =	vor.u32 $0x27, v3  }
0x16e: {  	v4 =	vmul.f32 v4, v6  }
0x16f: {  	v25 =	vor.u32 $0x27, v2  }
0x170: {  	[tilespmem:s23+$0x1300] =	vst v4  }
0x171: {  	v4 =	vld.idx.msk [tilespmem:v23+s3+$0x0], $0xffff  }
0x172: {  	v26 =	vld.idx.msk [tilespmem:v24+s13+$0x0], $0xffff;
	_ =	sdelay $0x1  }
0x173: {  	v6 =	vld.idx.msk [tilespmem:v25+s12+$0x0], $0xffff;
	_ =	sdelay $0x2  }
0x174: {  	v27 =	vor.u32 $0x28, v1;
	v4 =	vmul.f32 v26, v4  }
0x175: {  	v28 =	vor.u32 $0x28, v3  }
0x176: {  	v4 =	vmul.f32 v4, v6  }
0x177: {  	v29 =	vor.u32 $0x28, v2  }
0x178: {  	[tilespmem:s23+$0x1380] =	vst v4  }
0x179: {  	v4 =	vld.idx.msk [tilespmem:v27+s3+$0x0], $0xffff  }
0x17a: {  	v30 =	vld.idx.msk [tilespmem:v28+s13+$0x0], $0xffff;
	_ =	sdelay $0x1  }
0x17b: {  	v6 =	vld.idx.msk [tilespmem:v29+s12+$0x0], $0xffff;
	_ =	sdelay $0x2  }
0x17c: {  	v31 =	vor.u32 $0x29, v1;
	v4 =	vmul.f32 v30, v4  }
0x17d: {  	v32 =	vor.u32 $0x29, v3  }
0x17e: {  	v4 =	vmul.f32 v4, v6  }
0x17f: {  	v33 =	vor.u32 $0x29, v2  }
0x180: {  	[tilespmem:s23+$0x1400] =	vst v4  }
0x181: {  	v4 =	vld.idx.msk [tilespmem:v31+s3+$0x0], $0xffff  }
0x182: {  	v34 =	vld.idx.msk [tilespmem:v32+s13+$0x0], $0xffff;
	_ =	sdelay $0x1  }
0x183: {  	v6 =	vld.idx.msk [tilespmem:v33+s12+$0x0], $0xffff;
	_ =	sdelay $0x2  }
0x184: {  	v35 =	vor.u32 $0x2A, v1;
	v4 =	vmul.f32 v34, v4  }
0x185: {  	v36 =	vor.u32 $0x2A, v3  }
0x186: {  	v4 =	vmul.f32 v4, v6  }
0x187: {  	v37 =	vor.u32 $0x2A, v2  }
0x188: {  	[tilespmem:s23+$0x1480] =	vst v4  }
0x189: {  	v4 =	vld.idx.msk [tilespmem:v35+s3+$0x0], $0xffff  }
0x18a: {  	v38 =	vld.idx.msk [tilespmem:v36+s13+$0x0], $0xffff;
	_ =	sdelay $0x1  }
0x18b: {  	v6 =	vld.idx.msk [tilespmem:v37+s12+$0x0], $0xffff;
	_ =	sdelay $0x2  }
0x18c: {  	v39 =	vor.u32 $0x2B, v1;
	v4 =	vmul.f32 v38, v4  }
0x18d: {  	v40 =	vor.u32 $0x2B, v3  }
0x18e: {  	v4 =	vmul.f32 v4, v6  }
0x18f: {  	v41 =	vor.u32 $0x2B, v2  }
0x190: {  	[tilespmem:s23+$0x1500] =	vst v4  }
0x191: {  	v4 =	vld.idx.msk [tilespmem:v39+s3+$0x0], $0xffff  }
0x192: {  	v42 =	vld.idx.msk [tilespmem:v40+s13+$0x0], $0xffff;
	_ =	sdelay $0x1  }
0x193: {  	v6 =	vld.idx.msk [tilespmem:v41+s12+$0x0], $0xffff;
	_ =	sdelay $0x2  }
0x194: {  	v43 =	vor.u32 $0x2C, v1;
	v4 =	vmul.f32 v42, v4  }
0x195: {  	v44 =	vor.u32 $0x2C, v3  }
0x196: {  	v4 =	vmul.f32 v4, v6  }
0x197: {  	v45 =	vor.u32 $0x2C, v2  }
0x198: {  	[tilespmem:s23+$0x1580] =	vst v4  }
0x199: {  	v4 =	vld.idx.msk [tilespmem:v43+s3+$0x0], $0xffff  }
0x19a: {  	v46 =	vld.idx.msk [tilespmem:v44+s13+$0x0], $0xffff;
	_ =	sdelay $0x1  }
0x19b: {  	v6 =	vld.idx.msk [tilespmem:v45+s12+$0x0], $0xffff;
	_ =	sdelay $0x2  }
0x19c: {  	v47 =	vor.u32 $0x2D, v1;
	v4 =	vmul.f32 v46, v4  }
0x19d: {  	v48 =	vor.u32 $0x2D, v3  }
0x19e: {  	v4 =	vmul.f32 v4, v6  }
0x19f: {  	v49 =	vor.u32 $0x2D, v2  }
0x1a0: {  	[tilespmem:s23+$0x1600] =	vst v4  }
0x1a1: {  	v4 =	vld.idx.msk [tilespmem:v47+s3+$0x0], $0xffff  }
0x1a2: {  	v50 =	vld.idx.msk [tilespmem:v48+s13+$0x0], $0xffff;
	_ =	sdelay $0x1  }
0x1a3: {  	v6 =	vld.idx.msk [tilespmem:v49+s12+$0x0], $0xffff;
	_ =	sdelay $0x2  }
0x1a4: {  	v51 =	vor.u32 $0x2E, v1;
	v4 =	vmul.f32 v50, v4  }
0x1a5: {  	v52 =	vor.u32 $0x2E, v3  }
0x1a6: {  	v4 =	vmul.f32 v4, v6  }
0x1a7: {  	v53 =	vor.u32 $0x2E, v2  }
0x1a8: {  	[tilespmem:s23+$0x1680] =	vst v4  }
0x1a9: {  	v4 =	vld.idx.msk [tilespmem:v51+s3+$0x0], $0xffff  }
0x1aa: {  	v54 =	vld.idx.msk [tilespmem:v52+s13+$0x0], $0xffff;
	_ =	sdelay $0x1  }
0x1ab: {  	v6 =	vld.idx.msk [tilespmem:v53+s12+$0x0], $0xffff;
	_ =	sdelay $0x2  }
0x1ac: {  	v55 =	vor.u32 $0x2F, v1;
	v4 =	vmul.f32 v54, v4  }
0x1ad: {  	v56 =	vor.u32 $0x2F, v3  }
0x1ae: {  	v4 =	vmul.f32 v4, v6  }
0x1af: {  	v57 =	vor.u32 $0x2F, v2  }
0x1b0: {  	[tilespmem:s23+$0x1700] =	vst v4  }
0x1b1: {  	v4 =	vld.idx.msk [tilespmem:v55+s3+$0x0], $0xffff  }
0x1b2: {  	v58 =	vld.idx.msk [tilespmem:v56+s13+$0x0], $0xffff;
	_ =	sdelay $0x1  }
0x1b3: {  	v6 =	vld.idx.msk [tilespmem:v57+s12+$0x0], $0xffff;
	_ =	sdelay $0x2  }
0x1b4: {  	v59 =	vor.u32 $0x30, v1;
	v4 =	vmul.f32 v58, v4  }
0x1b5: {  	v60 =	vor.u32 $0x30, v3  }
0x1b6: {  	v4 =	vmul.f32 v4, v6  }
0x1b7: {  	v61 =	vor.u32 $0x30, v2  }
0x1b8: {  	[tilespmem:s23+$0x1780] =	vst v4  }
0x1b9: {  	v4 =	vld.idx.msk [tilespmem:v59+s3+$0x0], $0xffff  }
0x1ba: {  	v62 =	vld.idx.msk [tilespmem:v60+s13+$0x0], $0xffff;
	_ =	sdelay $0x1  }
0x1bb: {  	v6 =	vld.idx.msk [tilespmem:v61+s12+$0x0], $0xffff;
	_ =	sdelay $0x2  }
0x1bc: {  	v63 =	vor.u32 $0x31, v1;
	v4 =	vmul.f32 v62, v4  }
0x1bd: {  	v9 =	vor.u32 $0x31, v3  }
0x1be: {  	v4 =	vmul.f32 v4, v6  }
0x1bf: {  	v10 =	vor.u32 $0x31, v2  }
0x1c0: {  	[tilespmem:s23+$0x1800] =	vst v4  }
0x1c1: {  	v4 =	vld.idx.msk [tilespmem:v63+s3+$0x0], $0xffff  }
0x1c2: {  	v11 =	vld.idx.msk [tilespmem:v9+s13+$0x0], $0xffff;
	_ =	sdelay $0x1  }
0x1c3: {  	v6 =	vld.idx.msk [tilespmem:v10+s12+$0x0], $0xffff;
	_ =	sdelay $0x2  }
0x1c4: {  	v12 =	vor.u32 $0x32, v1;
	v4 =	vmul.f32 v11, v4  }
0x1c5: {  	v13 =	vor.u32 $0x32, v3  }
0x1c6: {  	v4 =	vmul.f32 v4, v6  }
0x1c7: {  	v14 =	vor.u32 $0x32, v2  }
0x1c8: {  	[tilespmem:s23+$0x1880] =	vst v4  }
0x1c9: {  	v4 =	vld.idx.msk [tilespmem:v12+s3+$0x0], $0xffff  }
0x1ca: {  	v15 =	vld.idx.msk [tilespmem:v13+s13+$0x0], $0xffff;
	_ =	sdelay $0x1  }
0x1cb: {  	v6 =	vld.idx.msk [tilespmem:v14+s12+$0x0], $0xffff;
	_ =	sdelay $0x2  }
0x1cc: {  	v16 =	vor.u32 $0x33, v1;
	v4 =	vmul.f32 v15, v4  }
0x1cd: {  	v17 =	vor.u32 $0x33, v3  }
0x1ce: {  	v4 =	vmul.f32 v4, v6  }
0x1cf: {  	v18 =	vor.u32 $0x33, v2  }
0x1d0: {  	[tilespmem:s23+$0x1900] =	vst v4  }
0x1d1: {  	v4 =	vld.idx.msk [tilespmem:v16+s3+$0x0], $0xffff  }
0x1d2: {  	v19 =	vld.idx.msk [tilespmem:v17+s13+$0x0], $0xffff;
	_ =	sdelay $0x1  }
0x1d3: {  	v6 =	vld.idx.msk [tilespmem:v18+s12+$0x0], $0xffff;
	_ =	sdelay $0x2  }
0x1d4: {  	v20 =	vor.u32 $0x34, v1;
	v4 =	vmul.f32 v19, v4  }
0x1d5: {  	v21 =	vor.u32 $0x34, v3  }
0x1d6: {  	v4 =	vmul.f32 v4, v6  }
0x1d7: {  	v22 =	vor.u32 $0x34, v2  }
0x1d8: {  	[tilespmem:s23+$0x1980] =	vst v4  }
0x1d9: {  	v4 =	vld.idx.msk [tilespmem:v20+s3+$0x0], $0xffff  }
0x1da: {  	v23 =	vld.idx.msk [tilespmem:v21+s13+$0x0], $0xffff;
	_ =	sdelay $0x1  }
0x1db: {  	v6 =	vld.idx.msk [tilespmem:v22+s12+$0x0], $0xffff;
	_ =	sdelay $0x2  }
0x1dc: {  	v24 =	vor.u32 $0x35, v1;
	v4 =	vmul.f32 v23, v4  }
0x1dd: {  	v25 =	vor.u32 $0x35, v3  }
0x1de: {  	v4 =	vmul.f32 v4, v6  }
0x1df: {  	v26 =	vor.u32 $0x35, v2  }
0x1e0: {  	[tilespmem:s23+$0x1A00] =	vst v4  }
0x1e1: {  	v4 =	vld.idx.msk [tilespmem:v24+s3+$0x0], $0xffff  }
0x1e2: {  	v27 =	vld.idx.msk [tilespmem:v25+s13+$0x0], $0xffff;
	_ =	sdelay $0x1  }
0x1e3: {  	v6 =	vld.idx.msk [tilespmem:v26+s12+$0x0], $0xffff;
	_ =	sdelay $0x2  }
0x1e4: {  	v28 =	vor.u32 $0x36, v1;
	v4 =	vmul.f32 v27, v4  }
0x1e5: {  	v29 =	vor.u32 $0x36, v3  }
0x1e6: {  	v4 =	vmul.f32 v4, v6  }
0x1e7: {  	v30 =	vor.u32 $0x36, v2  }
0x1e8: {  	[tilespmem:s23+$0x1A80] =	vst v4  }
0x1e9: {  	v4 =	vld.idx.msk [tilespmem:v28+s3+$0x0], $0xffff  }
0x1ea: {  	v31 =	vld.idx.msk [tilespmem:v29+s13+$0x0], $0xffff;
	_ =	sdelay $0x1  }
0x1eb: {  	v6 =	vld.idx.msk [tilespmem:v30+s12+$0x0], $0xffff;
	_ =	sdelay $0x2  }
0x1ec: {  	v32 =	vor.u32 $0x37, v1;
	v4 =	vmul.f32 v31, v4  }
0x1ed: {  	v33 =	vor.u32 $0x37, v3  }
0x1ee: {  	v4 =	vmul.f32 v4, v6  }
0x1ef: {  	v34 =	vor.u32 $0x37, v2  }
0x1f0: {  	[tilespmem:s23+$0x1B00] =	vst v4  }
0x1f1: {  	v4 =	vld.idx.msk [tilespmem:v32+s3+$0x0], $0xffff  }
0x1f2: {  	v35 =	vld.idx.msk [tilespmem:v33+s13+$0x0], $0xffff;
	_ =	sdelay $0x1  }
0x1f3: {  	v6 =	vld.idx.msk [tilespmem:v34+s12+$0x0], $0xffff;
	_ =	sdelay $0x2  }
0x1f4: {  	v36 =	vor.u32 $0x38, v1;
	v4 =	vmul.f32 v35, v4  }
0x1f5: {  	v37 =	vor.u32 $0x38, v3  }
0x1f6: {  	v4 =	vmul.f32 v4, v6  }
0x1f7: {  	v38 =	vor.u32 $0x38, v2  }
0x1f8: {  	[tilespmem:s23+$0x1B80] =	vst v4  }
0x1f9: {  	v4 =	vld.idx.msk [tilespmem:v36+s3+$0x0], $0xffff  }
0x1fa: {  	v39 =	vld.idx.msk [tilespmem:v37+s13+$0x0], $0xffff;
	_ =	sdelay $0x1  }
0x1fb: {  	v6 =	vld.idx.msk [tilespmem:v38+s12+$0x0], $0xffff;
	_ =	sdelay $0x2  }
0x1fc: {  	v40 =	vor.u32 $0x39, v1;
	v4 =	vmul.f32 v39, v4  }
0x1fd: {  	v41 =	vor.u32 $0x39, v3  }
0x1fe: {  	v4 =	vmul.f32 v4, v6  }
0x1ff: {  	v42 =	vor.u32 $0x39, v2  }
0x200: {  	[tilespmem:s23+$0x1C00] =	vst v4  }
0x201: {  	v4 =	vld.idx.msk [tilespmem:v40+s3+$0x0], $0xffff  }
0x202: {  	v43 =	vld.idx.msk [tilespmem:v41+s13+$0x0], $0xffff;
	_ =	sdelay $0x1  }
0x203: {  	v6 =	vld.idx.msk [tilespmem:v42+s12+$0x0], $0xffff;
	_ =	sdelay $0x2  }
0x204: {  	v44 =	vor.u32 $0x3A, v1;
	v4 =	vmul.f32 v43, v4  }
0x205: {  	v45 =	vor.u32 $0x3A, v3  }
0x206: {  	v4 =	vmul.f32 v4, v6  }
0x207: {  	v46 =	vor.u32 $0x3A, v2  }
0x208: {  	[tilespmem:s23+$0x1C80] =	vst v4  }
0x209: {  	v4 =	vld.idx.msk [tilespmem:v44+s3+$0x0], $0xffff  }
0x20a: {  	v47 =	vld.idx.msk [tilespmem:v45+s13+$0x0], $0xffff;
	_ =	sdelay $0x1  }
0x20b: {  	v6 =	vld.idx.msk [tilespmem:v46+s12+$0x0], $0xffff;
	_ =	sdelay $0x2  }
0x20c: {  	v48 =	vor.u32 $0x3B, v1;
	v4 =	vmul.f32 v47, v4  }
0x20d: {  	v49 =	vor.u32 $0x3B, v3  }
0x20e: {  	v4 =	vmul.f32 v4, v6  }
0x20f: {  	v50 =	vor.u32 $0x3B, v2  }
0x210: {  	[tilespmem:s23+$0x1D00] =	vst v4  }
0x211: {  	v4 =	vld.idx.msk [tilespmem:v48+s3+$0x0], $0xffff  }
0x212: {  	v51 =	vld.idx.msk [tilespmem:v49+s13+$0x0], $0xffff;
	_ =	sdelay $0x1  }
0x213: {  	v6 =	vld.idx.msk [tilespmem:v50+s12+$0x0], $0xffff;
	_ =	sdelay $0x2  }
0x214: {  	v52 =	vor.u32 $0x3C, v1;
	v4 =	vmul.f32 v51, v4  }
0x215: {  	v53 =	vor.u32 $0x3C, v3  }
0x216: {  	v4 =	vmul.f32 v4, v6  }
0x217: {  	v54 =	vor.u32 $0x3C, v2  }
0x218: {  	[tilespmem:s23+$0x1D80] =	vst v4  }
0x219: {  	v4 =	vld.idx.msk [tilespmem:v52+s3+$0x0], $0xffff  }
0x21a: {  	v55 =	vld.idx.msk [tilespmem:v53+s13+$0x0], $0xffff;
	_ =	sdelay $0x1  }
0x21b: {  	v6 =	vld.idx.msk [tilespmem:v54+s12+$0x0], $0xffff;
	_ =	sdelay $0x2  }
0x21c: {  	v56 =	vor.u32 $0x3D, v1;
	v4 =	vmul.f32 v55, v4  }
0x21d: {  	v57 =	vor.u32 $0x3D, v3  }
0x21e: {  	v4 =	vmul.f32 v4, v6  }
0x21f: {  	v58 =	vor.u32 $0x3D, v2  }
0x220: {  	[tilespmem:s23+$0x1E00] =	vst v4  }
0x221: {  	v4 =	vld.idx.msk [tilespmem:v56+s3+$0x0], $0xffff  }
0x222: {  	v59 =	vld.idx.msk [tilespmem:v57+s13+$0x0], $0xffff;
	_ =	sdelay $0x1  }
0x223: {  	v6 =	vld.idx.msk [tilespmem:v58+s12+$0x0], $0xffff;
	_ =	sdelay $0x2  }
0x224: {  	v60 =	vor.u32 $0x3E, v1;
	v4 =	vmul.f32 v59, v4  }
0x225: {  	v61 =	vor.u32 $0x3E, v3  }
0x226: {  	v4 =	vmul.f32 v4, v6  }
0x227: {  	v62 =	vor.u32 $0x3E, v2  }
0x228: {  	[tilespmem:s23+$0x1E80] =	vst v4  }
0x229: {  	v4 =	vld.idx.msk [tilespmem:v60+s3+$0x0], $0xffff  }
0x22a: {  	v63 =	vld.idx.msk [tilespmem:v61+s13+$0x0], $0xffff;
	_ =	sdelay $0x1  }
0x22b: {  	v6 =	vld.idx.msk [tilespmem:v62+s12+$0x0], $0xffff;
	_ =	sdelay $0x2  }
0x22c: {  	v1 =	vor.u32 $0x3F, v1;
	v4 =	vmul.f32 v63, v4  }
0x22d: {  	v3 =	vor.u32 $0x3F, v3  }
0x22e: {  	v4 =	vmul.f32 v4, v6  }
0x22f: {  	v2 =	vor.u32 $0x3F, v2  }
0x230: {  	p0 =	sne.s32 s29, $0x7;
	[tilespmem:s23+$0x1F00] =	vst v4  }
0x231: {  	s24 =	sadd.s32 @!p0 $0xFFFFFFF8, s21;
	v1 =	vld.idx.msk [tilespmem:v1+s3+$0x0], $0xffff  }
0x232: {  	s26 =	sand.u32 @!p0 $0x7, s21;
	s25 =	sshll.u32 @!p0 s24, $0x18;
	v3 =	vld.idx.msk [tilespmem:v3+s13+$0x0], $0xffff  }
0x233: {  	p2 =	slt.u32 @!p0 s21, $0x9;
	p1 =	sne.s32 @!p0 s26, $0x0;
	s25 =	sshra.s32 @!p0 s25, $0x1F  }
0x234: {  	p1 =	por @!p0 !p2, !p1;
	s25 =	sand.u32 @!p0 $0x7, s25;
	v2 =	vld.idx.msk [tilespmem:v2+s12+$0x0], $0xffff  }
0x235: {  	p1 =	por @!p0 !p1, !p1;
	s24 =	sadd.s32 @!p0 s25, s24  }
0x236: {  	p1 =	por !p1, p0;
	s25 =	simm.s32 @!p0 $0x1;
	s24 =	sshll.u32 @!p0 s24, $0x18  }
0x237: {  	s25 =	simm.s32 @p1 $0x0;
	s24 =	sshra.s32 @!p0 s24, $0x1B;
	v1 =	vmul.f32 v3, v1  }
0x238: {  	s24 =	ssub.s32 @!p0 s24, s25  }
0x239: {  	p1 =	slt.s32 @!p0 s24, $0x1;
	v1 =	vmul.f32 v1, v2  }
0x23a: {  	p1 =	por p1, p0  }
0x23b: {  	[tilespmem:s23+$0x1F80] =	vst v1;
	s23 =	simm.s32 @!p1 $0x3  }
0x23c: {  	_ =	swait.ge @!p1 [sflag:s23], $0x2000  }
0x23d: {  	[sflag:s23] =	ssyncset.done @!p1 $0x0  }
0x23e: {  	[sflag:s23] =	ssyncadd.s32 @!p1 $0xFFFFE000;
	s23 =	sand.u32 @!p0 $0x1FFFFF80, s20  }
0x23f: {  	s25 =	simm.s32 @!p0 $0x20000;
	s24 =	simm.s32 @!p0 $0x400;
	s23 =	sadd.s32 @!p0 s2, s23  }
0x240: {  	[hbm4b:s23+s24] =	stream.strided.scatter @!p0 [tilespmem:s22], [sflag:$0x3], $0x2000, s25, s24, $0x38;
	[tilespmem:$0x1C600] =	vst v63  }
.LBB2_5:
0x241: {  	s21 =	sadd.s32 $0x1, s21  }
0x242: {  	p0 =	sne.s32 s21, $0x21  }
.Ltmp3:
0x243: {  	_ = 	snop;
	(pc) =	sbr.rel @!p0 .LBB2_6-.Ltmp3, $3  }
0x244: {  	_ =	sdelay $0x1  }
0x245: {  	s17 =	sadd.s32 $0x10, s17;
	s18 =	sadd.s32 $0x10, s18  }
0x246: {  	s20 =	sadd.s32 $0x10, s20;
	s19 =	sadd.s32 $0x400, s19;
	s16 =	sadd.s32 $0x10, s16  }
.LBB2_2:
0x247: {  	p0 =	seq.s32 s21, $0x20  }
.Ltmp4:
0x248: {  	_ = 	snop;
	(pc) =	sbr.rel @p0 .LBB2_4-.Ltmp4, $1  }
0x249: {  	_ =	sdelay $0x3  }
0x24a: {  	v1 =	vld [tilespmem:s16+$0x0];
	_ =	sdelay $0x1  }
0x24b: {  	v2 =	vld [tilespmem:s18+$0x0];
	_ =	sdelay $0x2  }
0x24c: {  	v3 =	vshll.u32 v1, $0x4  }
0x24d: {  	(v2sf) =	vpush v3, $0x0  }
0x24e: {  	v1 =	vld [tilespmem:s17+$0x0];
	v2 =	vshll.u32 v2, $0x4  }
0x24f: {  	(v2sf) =	vpush v2, $0x0;
	_ =	sdelay $0x3  }
0x250: {  	v1 =	vshll.u32 v1, $0x4  }
0x251: {  	(v2sf) =	vpush v1, $0x0;
	_ =	sdelay $0x2  }
0x252: {  	(v2sf) =	vpush v3, $0x1;
	_ =	sdelay $0x4  }
0x253: {  	s22 =	spop (v2sf);
	(v2sf) =	vpush v2, $0x1;
	_ =	sdelay $0x1  }
0x254: {  	s28 =	spop (v2sf);
	(v2sf) =	vpush v1, $0x1;
	_ =	sdelay $0x4  }
0x255: {  	s30 =	spop (v2sf);
	(v2sf) =	vpush v3, $0x2;
	_ =	sdelay $0x1  }
0x256: {  	s25 =	sand.u32 $0x1FFFFF80, s22  }
0x257: {  	s26 =	sadd.s32 s4, s25;
	s25 =	spop (v2sf);
	(v2sf) =	vpush v2, $0x2;
	_ =	sdelay $0x1  }
0x258: {  	s24 =	sand.u32 $0x1, s21  }
0x259: {  	s23 =	sshll.u32 s24, $0xE;
	s22 =	sadd.s32 $0x1, s24;
	s24 =	sand.u32 $0x1FFFFF80, s28  }
0x25a: {  	[tilespmem:s23], [sflag:s22] =	stream.linear.gather [hbm4b:s26+s3], $0x400, $0x38;
	[tilespmem:$0x1C600] =	vst v63  }
0x25b: {  	s29 =	sor.u32 $0x10000, s23;
	s24 =	sadd.s32 s4, s24;
	s28 =	spop (v2sf);
	(v2sf) =	vpush v1, $0x2  }
0x25c: {  	[tilespmem:s29], [sflag:s22] =	stream.linear.gather [hbm4b:s24+s3], $0x400, $0x38;
	[tilespmem:$0x1C600] =	vst v63  }
0x25d: {  	s24 =	sand.u32 $0x1FFFFF80, s30;
	s30 =	spop (v2sf);
	(v2sf) =	vpush v3, $0x3;
	_ =	sdelay $0x2  }
0x25e: {  	s31 =	sor.u32 $0x8000, s23;
	s24 =	sadd.s32 s5, s24  }
0x25f: {  	[tilespmem:s31], [sflag:s22] =	stream.linear.gather [hbm4b:s24+s3], $0x400, $0x38;
	[tilespmem:$0x1C600] =	vst v63  }
0x260: {  	s24 =	sand.u32 $0x1FFFFF80, s25;
	s25 =	spop (v2sf);
	(v2sf) =	vpush v2, $0x3  }
0x261: {  	s26 =	sor.u32 $0x400, s23;
	s24 =	sadd.s32 s4, s24  }
0x262: {  	[tilespmem:s26], [sflag:s22] =	stream.linear.gather [hbm4b:s24+s3], $0x400, $0x38;
	[tilespmem:$0x1C600] =	vst v63  }
0x263: {  	s24 =	sand.u32 $0x1FFFFF80, s28;
	s28 =	spop (v2sf);
	(v2sf) =	vpush v1, $0x3;
	_ =	sdelay $0x1  }
0x264: {  	s29 =	sor.u32 $0x10400, s23;
	s24 =	sadd.s32 s4, s24  }
0x265: {  	[tilespmem:s29], [sflag:s22] =	stream.linear.gather [hbm4b:s24+s3], $0x400, $0x38;
	[tilespmem:$0x1C600] =	vst v63  }
0x266: {  	s24 =	sand.u32 $0x1FFFFF80, s30  }
0x267: {  	s31 =	sor.u32 $0x8400, s23;
	s24 =	sadd.s32 s5, s24;
	s30 =	spop (v2sf);
	(v2sf) =	vpush v3, $0x4  }
0x268: {  	[tilespmem:s31], [sflag:s22] =	stream.linear.gather [hbm4b:s24+s3], $0x400, $0x38;
	[tilespmem:$0x1C600] =	vst v63  }
0x269: {  	s24 =	sand.u32 $0x1FFFFF80, s25;
	s25 =	spop (v2sf);
	(v2sf) =	vpush v2, $0x4;
	_ =	sdelay $0x2  }
0x26a: {  	s26 =	sor.u32 $0x800, s23;
	s24 =	sadd.s32 s4, s24  }
0x26b: {  	[tilespmem:s26], [sflag:s22] =	stream.linear.gather [hbm4b:s24+s3], $0x400, $0x38;
	[tilespmem:$0x1C600] =	vst v63  }
0x26c: {  	s24 =	sand.u32 $0x1FFFFF80, s28;
	s28 =	spop (v2sf);
	(v2sf) =	vpush v1, $0x4  }
0x26d: {  	s29 =	sor.u32 $0x10800, s23;
	s24 =	sadd.s32 s4, s24  }
0x26e: {  	[tilespmem:s29], [sflag:s22] =	stream.linear.gather [hbm4b:s24+s3], $0x400, $0x38;
	[tilespmem:$0x1C600] =	vst v63  }
0x26f: {  	s24 =	sand.u32 $0x1FFFFF80, s30;
	s30 =	spop (v2sf);
	(v2sf) =	vpush v3, $0x5;
	_ =	sdelay $0x1  }
0x270: {  	s31 =	sor.u32 $0x8800, s23;
	s24 =	sadd.s32 s5, s24  }
0x271: {  	[tilespmem:s31], [sflag:s22] =	stream.linear.gather [hbm4b:s24+s3], $0x400, $0x38;
	[tilespmem:$0x1C600] =	vst v63  }
0x272: {  	s24 =	sand.u32 $0x1FFFFF80, s25  }
0x273: {  	s26 =	sor.u32 $0xC00, s23;
	s24 =	sadd.s32 s4, s24;
	s25 =	spop (v2sf);
	(v2sf) =	vpush v2, $0x5  }
0x274: {  	[tilespmem:s26], [sflag:s22] =	stream.linear.gather [hbm4b:s24+s3], $0x400, $0x38;
	[tilespmem:$0x1C600] =	vst v63  }
0x275: {  	s24 =	sand.u32 $0x1FFFFF80, s28;
	s28 =	spop (v2sf);
	(v2sf) =	vpush v1, $0x5;
	_ =	sdelay $0x2  }
0x276: {  	s29 =	sor.u32 $0x10C00, s23;
	s24 =	sadd.s32 s4, s24  }
0x277: {  	[tilespmem:s29], [sflag:s22] =	stream.linear.gather [hbm4b:s24+s3], $0x400, $0x38;
	[tilespmem:$0x1C600] =	vst v63  }
0x278: {  	s24 =	sand.u32 $0x1FFFFF80, s30;
	s30 =	spop (v2sf);
	(v2sf) =	vpush v3, $0x6  }
0x279: {  	s31 =	sor.u32 $0x8C00, s23;
	s24 =	sadd.s32 s5, s24  }
0x27a: {  	[tilespmem:s31], [sflag:s22] =	stream.linear.gather [hbm4b:s24+s3], $0x400, $0x38;
	[tilespmem:$0x1C600] =	vst v63  }
0x27b: {  	s24 =	sand.u32 $0x1FFFFF80, s25;
	s25 =	spop (v2sf);
	(v2sf) =	vpush v2, $0x6;
	_ =	sdelay $0x1  }
0x27c: {  	s26 =	sor.u32 $0x1000, s23;
	s24 =	sadd.s32 s4, s24  }
0x27d: {  	[tilespmem:s26], [sflag:s22] =	stream.linear.gather [hbm4b:s24+s3], $0x400, $0x38;
	[tilespmem:$0x1C600] =	vst v63  }
0x27e: {  	s24 =	sand.u32 $0x1FFFFF80, s28  }
0x27f: {  	s29 =	sor.u32 $0x11000, s23;
	s24 =	sadd.s32 s4, s24;
	s28 =	spop (v2sf);
	(v2sf) =	vpush v1, $0x6  }
0x280: {  	[tilespmem:s29], [sflag:s22] =	stream.linear.gather [hbm4b:s24+s3], $0x400, $0x38;
	[tilespmem:$0x1C600] =	vst v63  }
0x281: {  	s24 =	sand.u32 $0x1FFFFF80, s30;
	s30 =	spop (v2sf);
	(v2sf) =	vpush v3, $0x7;
	_ =	sdelay $0x2  }
0x282: {  	s31 =	sor.u32 $0x9000, s23;
	s24 =	sadd.s32 s5, s24  }
0x283: {  	[tilespmem:s31], [sflag:s22] =	stream.linear.gather [hbm4b:s24+s3], $0x400, $0x38;
	[tilespmem:$0x1C600] =	vst v63  }
0x284: {  	s24 =	sand.u32 $0x1FFFFF80, s25;
	s25 =	spop (v2sf);
	(v2sf) =	vpush v2, $0x7  }
0x285: {  	s26 =	sor.u32 $0x1400, s23;
	s24 =	sadd.s32 s4, s24  }
0x286: {  	[tilespmem:s26], [sflag:s22] =	stream.linear.gather [hbm4b:s24+s3], $0x400, $0x38;
	[tilespmem:$0x1C600] =	vst v63  }
0x287: {  	s24 =	sand.u32 $0x1FFFFF80, s28;
	s28 =	spop (v2sf);
	(v2sf) =	vpush v1, $0x7;
	_ =	sdelay $0x1  }
0x288: {  	s29 =	sor.u32 $0x11400, s23;
	s24 =	sadd.s32 s4, s24  }
0x289: {  	[tilespmem:s29], [sflag:s22] =	stream.linear.gather [hbm4b:s24+s3], $0x400, $0x38;
	[tilespmem:$0x1C600] =	vst v63  }
0x28a: {  	s24 =	sand.u32 $0x1FFFFF80, s30  }
0x28b: {  	s31 =	sor.u32 $0x9400, s23;
	s24 =	sadd.s32 s5, s24;
	s30 =	spop (v2sf);
	(v2sf) =	vpush v3, $0x8  }
0x28c: {  	[tilespmem:s31], [sflag:s22] =	stream.linear.gather [hbm4b:s24+s3], $0x400, $0x38;
	[tilespmem:$0x1C600] =	vst v63  }
0x28d: {  	s24 =	sand.u32 $0x1FFFFF80, s25;
	s25 =	spop (v2sf);
	(v2sf) =	vpush v2, $0x8;
	_ =	sdelay $0x2  }
0x28e: {  	s26 =	sor.u32 $0x1800, s23;
	s24 =	sadd.s32 s4, s24  }
0x28f: {  	[tilespmem:s26], [sflag:s22] =	stream.linear.gather [hbm4b:s24+s3], $0x400, $0x38;
	[tilespmem:$0x1C600] =	vst v63  }
0x290: {  	s24 =	sand.u32 $0x1FFFFF80, s28;
	s28 =	spop (v2sf);
	(v2sf) =	vpush v1, $0x8  }
0x291: {  	s29 =	sor.u32 $0x11800, s23;
	s24 =	sadd.s32 s4, s24  }
0x292: {  	[tilespmem:s29], [sflag:s22] =	stream.linear.gather [hbm4b:s24+s3], $0x400, $0x38;
	[tilespmem:$0x1C600] =	vst v63  }
0x293: {  	s24 =	sand.u32 $0x1FFFFF80, s30;
	s30 =	spop (v2sf);
	(v2sf) =	vpush v3, $0x9;
	_ =	sdelay $0x1  }
0x294: {  	s31 =	sor.u32 $0x9800, s23;
	s24 =	sadd.s32 s5, s24  }
0x295: {  	[tilespmem:s31], [sflag:s22] =	stream.linear.gather [hbm4b:s24+s3], $0x400, $0x38;
	[tilespmem:$0x1C600] =	vst v63  }
0x296: {  	s24 =	sand.u32 $0x1FFFFF80, s25  }
0x297: {  	s26 =	sor.u32 $0x1C00, s23;
	s24 =	sadd.s32 s4, s24;
	s25 =	spop (v2sf);
	(v2sf) =	vpush v2, $0x9  }
0x298: {  	[tilespmem:s26], [sflag:s22] =	stream.linear.gather [hbm4b:s24+s3], $0x400, $0x38;
	[tilespmem:$0x1C600] =	vst v63  }
0x299: {  	s24 =	sand.u32 $0x1FFFFF80, s28;
	s28 =	spop (v2sf);
	(v2sf) =	vpush v1, $0x9;
	_ =	sdelay $0x1  }
0x29a: {  	s29 =	sor.u32 $0x11C00, s23;
	s24 =	sadd.s32 s4, s24  }
0x29b: {  	[tilespmem:s29], [sflag:s22] =	stream.linear.gather [hbm4b:s24+s3], $0x400, $0x38;
	[tilespmem:$0x1C600] =	vst v63  }
0x29c: {  	s24 =	sand.u32 $0x1FFFFF80, s30  }
0x29d: {  	s31 =	sor.u32 $0x9C00, s23;
	s24 =	sadd.s32 s5, s24;
	s30 =	spop (v2sf);
	(v2sf) =	vpush v3, $0xA  }
0x29e: {  	[tilespmem:s31], [sflag:s22] =	stream.linear.gather [hbm4b:s24+s3], $0x400, $0x38;
	[tilespmem:$0x1C600] =	vst v63  }
0x29f: {  	s24 =	sand.u32 $0x1FFFFF80, s25  }
0x2a0: {  	s26 =	sor.u32 $0x2000, s23;
	s24 =	sadd.s32 s4, s24;
	s25 =	spop (v2sf);
	(v2sf) =	vpush v2, $0xA  }
0x2a1: {  	[tilespmem:s26], [sflag:s22] =	stream.linear.gather [hbm4b:s24+s3], $0x400, $0x38;
	[tilespmem:$0x1C600] =	vst v63  }
0x2a2: {  	s24 =	sand.u32 $0x1FFFFF80, s28  }
0x2a3: {  	s29 =	sor.u32 $0x12000, s23;
	s24 =	sadd.s32 s4, s24  }
0x2a4: {  	[tilespmem:s29], [sflag:s22] =	stream.linear.gather [hbm4b:s24+s3], $0x400, $0x38;
	[tilespmem:$0x1C600] =	vst v63  }
0x2a5: {  	s28 =	spop (v2sf);
	(v2sf) =	vpush v1, $0xA  }
0x2a6: {  	s24 =	sand.u32 $0x1FFFFF80, s30  }
0x2a7: {  	s31 =	sor.u32 $0xA000, s23;
	s24 =	sadd.s32 s5, s24;
	s30 =	spop (v2sf);
	(v2sf) =	vpush v3, $0xB  }
0x2a8: {  	[tilespmem:s31], [sflag:s22] =	stream.linear.gather [hbm4b:s24+s3], $0x400, $0x38;
	[tilespmem:$0x1C600] =	vst v63  }
0x2a9: {  	s24 =	sand.u32 $0x1FFFFF80, s25  }
0x2aa: {  	s26 =	sor.u32 $0x2400, s23;
	s24 =	sadd.s32 s4, s24  }
0x2ab: {  	[tilespmem:s26], [sflag:s22] =	stream.linear.gather [hbm4b:s24+s3], $0x400, $0x38;
	[tilespmem:$0x1C600] =	vst v63  }
0x2ac: {  	s24 =	sand.u32 $0x1FFFFF80, s28;
	s25 =	spop (v2sf);
	(v2sf) =	vpush v2, $0xB  }
0x2ad: {  	s29 =	sor.u32 $0x12400, s23;
	s24 =	sadd.s32 s4, s24  }
0x2ae: {  	[tilespmem:s29], [sflag:s22] =	stream.linear.gather [hbm4b:s24+s3], $0x400, $0x38;
	[tilespmem:$0x1C600] =	vst v63  }
0x2af: {  	s28 =	spop (v2sf);
	(v2sf) =	vpush v1, $0xB  }
0x2b0: {  	s24 =	sand.u32 $0x1FFFFF80, s30  }
0x2b1: {  	s31 =	sor.u32 $0xA400, s23;
	s24 =	sadd.s32 s5, s24  }
0x2b2: {  	[tilespmem:s31], [sflag:s22] =	stream.linear.gather [hbm4b:s24+s3], $0x400, $0x38;
	[tilespmem:$0x1C600] =	vst v63  }
0x2b3: {  	s24 =	sand.u32 $0x1FFFFF80, s25  }
0x2b4: {  	s26 =	sor.u32 $0x2800, s23;
	s24 =	sadd.s32 s4, s24;
	s30 =	spop (v2sf);
	(v2sf) =	vpush v3, $0xC  }
0x2b5: {  	[tilespmem:s26], [sflag:s22] =	stream.linear.gather [hbm4b:s24+s3], $0x400, $0x38;
	[tilespmem:$0x1C600] =	vst v63  }
0x2b6: {  	s25 =	spop (v2sf);
	(v2sf) =	vpush v2, $0xC  }
0x2b7: {  	s24 =	sand.u32 $0x1FFFFF80, s28  }
0x2b8: {  	s29 =	sor.u32 $0x12800, s23;
	s24 =	sadd.s32 s4, s24  }
0x2b9: {  	[tilespmem:s29], [sflag:s22] =	stream.linear.gather [hbm4b:s24+s3], $0x400, $0x38;
	[tilespmem:$0x1C600] =	vst v63  }
0x2ba: {  	s24 =	sand.u32 $0x1FFFFF80, s30  }
0x2bb: {  	s31 =	sor.u32 $0xA800, s23;
	s24 =	sadd.s32 s5, s24;
	s28 =	spop (v2sf);
	(v2sf) =	vpush v1, $0xC  }
0x2bc: {  	[tilespmem:s31], [sflag:s22] =	stream.linear.gather [hbm4b:s24+s3], $0x400, $0x38;
	[tilespmem:$0x1C600] =	vst v63  }
0x2bd: {  	s24 =	sand.u32 $0x1FFFFF80, s25  }
0x2be: {  	s26 =	sor.u32 $0x2C00, s23;
	s24 =	sadd.s32 s4, s24;
	s30 =	spop (v2sf);
	(v2sf) =	vpush v3, $0xD  }
0x2bf: {  	[tilespmem:s26], [sflag:s22] =	stream.linear.gather [hbm4b:s24+s3], $0x400, $0x38;
	[tilespmem:$0x1C600] =	vst v63  }
0x2c0: {  	s24 =	sand.u32 $0x1FFFFF80, s28  }
0x2c1: {  	s29 =	sor.u32 $0x12C00, s23;
	s24 =	sadd.s32 s4, s24  }
0x2c2: {  	[tilespmem:s29], [sflag:s22] =	stream.linear.gather [hbm4b:s24+s3], $0x400, $0x38;
	[tilespmem:$0x1C600] =	vst v63  }
0x2c3: {  	s25 =	spop (v2sf);
	(v2sf) =	vpush v2, $0xD  }
0x2c4: {  	s24 =	sand.u32 $0x1FFFFF80, s30  }
0x2c5: {  	s31 =	sor.u32 $0xAC00, s23;
	s24 =	sadd.s32 s5, s24;
	s28 =	spop (v2sf);
	(v2sf) =	vpush v1, $0xD  }
0x2c6: {  	[tilespmem:s31], [sflag:s22] =	stream.linear.gather [hbm4b:s24+s3], $0x400, $0x38;
	[tilespmem:$0x1C600] =	vst v63  }
0x2c7: {  	s24 =	sand.u32 $0x1FFFFF80, s25  }
0x2c8: {  	s26 =	sor.u32 $0x3000, s23;
	s24 =	sadd.s32 s4, s24  }
0x2c9: {  	[tilespmem:s26], [sflag:s22] =	stream.linear.gather [hbm4b:s24+s3], $0x400, $0x38;
	[tilespmem:$0x1C600] =	vst v63  }
0x2ca: {  	s24 =	sand.u32 $0x1FFFFF80, s28;
	s30 =	spop (v2sf);
	(v2sf) =	vpush v3, $0xE  }
0x2cb: {  	s29 =	sor.u32 $0x13000, s23;
	s24 =	sadd.s32 s4, s24  }
0x2cc: {  	[tilespmem:s29], [sflag:s22] =	stream.linear.gather [hbm4b:s24+s3], $0x400, $0x38;
	[tilespmem:$0x1C600] =	vst v63  }
0x2cd: {  	s25 =	spop (v2sf);
	(v2sf) =	vpush v2, $0xE  }
0x2ce: {  	s24 =	sand.u32 $0x1FFFFF80, s30  }
0x2cf: {  	s31 =	sor.u32 $0xB000, s23;
	s24 =	sadd.s32 s5, s24  }
0x2d0: {  	[tilespmem:s31], [sflag:s22] =	stream.linear.gather [hbm4b:s24+s3], $0x400, $0x38;
	[tilespmem:$0x1C600] =	vst v63  }
0x2d1: {  	s24 =	sand.u32 $0x1FFFFF80, s25  }
0x2d2: {  	s26 =	sor.u32 $0x3400, s23;
	s24 =	sadd.s32 s4, s24;
	s28 =	spop (v2sf);
	(v2sf) =	vpush v1, $0xE  }
0x2d3: {  	[tilespmem:s26], [sflag:s22] =	stream.linear.gather [hbm4b:s24+s3], $0x400, $0x38;
	[tilespmem:$0x1C600] =	vst v63  }
0x2d4: {  	s30 =	spop (v2sf);
	(v2sf) =	vpush v3, $0xF  }
0x2d5: {  	s24 =	sand.u32 $0x1FFFFF80, s28  }
0x2d6: {  	s29 =	sor.u32 $0x13400, s23;
	s24 =	sadd.s32 s4, s24  }
0x2d7: {  	[tilespmem:s29], [sflag:s22] =	stream.linear.gather [hbm4b:s24+s3], $0x400, $0x38;
	[tilespmem:$0x1C600] =	vst v63  }
0x2d8: {  	s24 =	sand.u32 $0x1FFFFF80, s30  }
0x2d9: {  	s31 =	sor.u32 $0xB400, s23;
	s24 =	sadd.s32 s5, s24;
	s25 =	spop (v2sf);
	(v2sf) =	vpush v2, $0xF  }
0x2da: {  	[tilespmem:s31], [sflag:s22] =	stream.linear.gather [hbm4b:s24+s3], $0x400, $0x38;
	[tilespmem:$0x1C600] =	vst v63  }
0x2db: {  	s24 =	sand.u32 $0x1FFFFF80, s25  }
0x2dc: {  	s26 =	sor.u32 $0x3800, s23;
	s28 =	spop (v2sf);
	s24 =	sadd.s32 s4, s24  }
0x2dd: {  	[tilespmem:s26], [sflag:s22] =	stream.linear.gather [hbm4b:s24+s3], $0x400, $0x38;
	[tilespmem:$0x1C600] =	vst v63  }
0x2de: {  	(v2sf) =	vpush v1, $0xF;
	s24 =	sand.u32 $0x1FFFFF80, s28  }
0x2df: {  	s29 =	sor.u32 $0x13800, s23;
	s24 =	sadd.s32 s4, s24  }
0x2e0: {  	[tilespmem:s29], [sflag:s22] =	stream.linear.gather [hbm4b:s24+s3], $0x400, $0x38;
	[tilespmem:$0x1C600] =	vst v63  }
0x2e1: {  	s30 =	spop (v2sf)  }
0x2e2: {  	s24 =	sand.u32 $0x1FFFFF80, s30  }
0x2e3: {  	s31 =	sor.u32 $0xB800, s23;
	s26 =	spop (v2sf);
	s24 =	sadd.s32 s5, s24  }
0x2e4: {  	[tilespmem:s31], [sflag:s22] =	stream.linear.gather [hbm4b:s24+s3], $0x400, $0x38;
	[tilespmem:$0x1C600] =	vst v63  }
0x2e5: {  	s24 =	sand.u32 $0x1FFFFF80, s26  }
0x2e6: {  	s28 =	sor.u32 $0x3C00, s23;
	s24 =	sadd.s32 s4, s24  }
0x2e7: {  	[tilespmem:s28], [sflag:s22] =	stream.linear.gather [hbm4b:s24+s3], $0x400, $0x38;
	[tilespmem:$0x1C600] =	vst v63  }
0x2e8: {  	s29 =	spop (v2sf)  }
0x2e9: {  	s24 =	sand.u32 $0x1FFFFF80, s29  }
0x2ea: {  	p0 =	seq.s32 s21, $0x0;
	s30 =	sor.u32 $0x13C00, s23;
	s24 =	sadd.s32 s4, s24  }
0x2eb: {  	[tilespmem:s30], [sflag:s22] =	stream.linear.gather [hbm4b:s24+s3], $0x400, $0x38;
	[tilespmem:$0x1C600] =	vst v63  }
.Ltmp5:
0x2ec: {  	_ = 	snop;
	(pc) =	sbr.rel @!p0 .LBB2_4-.Ltmp5, $4  }
.Ltmp6:
0x2ed: {  	s31 =	spop (v2sf);
	(pc) =	sbr.rel @p0 .LBB2_5-.Ltmp6, $4  }
0x2ee: {  	s24 =	sand.u32 $0x1FFFFF80, s31  }
0x2ef: {  	s23 =	sor.u32 $0xBC00, s23;
	s24 =	sadd.s32 s5, s24  }
0x2f0: {  	[tilespmem:s23], [sflag:s22] =	stream.linear.gather [hbm4b:s24+s3], $0x400, $0x38;
	[tilespmem:$0x1C600] =	vst v63  }
0x2f1: {  	_ = 	snop  }
.LBB2_7:
0x2f2: {  	_ =	sfence.sel $0x180000  }
0x2f3: {  	[bflag:$0x0] =	sbarrier.arrive $0xFFFF  }
0x2f4: {  	p0 =	sne.s32 s1, $0x0;
	_ =	strace $0x90000047  }
0x2f5: {  	s0 =	sadd.s32 @!p0 $0x100000, s0;
	[bflag:$0x2] =	sbarrier.arrive $0xFFFF  }
0x2f6: {  	[sflag:s0] =	ssyncadd.tile.s32 @!p0 $0x1;
	_ =	shalt  }
.Lfunc_end2:
_tile_overlayer_lowered:
.L_overlay_start_2:
0x2f7: {  	(tag) =	ssettag $0x2  }
0x2f8: {  	s0 =	rddreg [dreg:$0x0];
	s2 =	stileid.u32  }
0x2f9: {  	s1 =	rddreg [dreg:$0x1];
	p0 =	sne.s32 s2, $0x0  }
0x2fa: {  	s3 =	rddreg [dreg:$0x2];
	[bflag:$0x3] =	sbarrier.arrive $0xFFFF;
	s2 =	simm.s32 @!p0 $0x1C04  }
0x2fb: {  	[timem:s3], [sflag:s2] =	dma.local @!p0 [hbm:s0], s1  }
0x2fc: {  	s0 =	simm.s32 @!p0 $0x4  }
0x2fd: {  	_ =	swait.ge @!p0 [sflag:s0], s1  }
0x2fe: {  	s1 =	ssub.s32 @!p0 $0x0, s1;
	[sflag:s0] =	ssyncset.done @!p0 $0x0  }
0x2ff: {  	[sflag:s0] =	ssyncadd.s32 @!p0 s1  }
0x300: {  	[bflag:$0x3] =	sbarrier.arrive $0xFFFF  }
0x301: {  	_ =	shalt  }

</sc_bundles>
